<compile_context>
chip_gen: v7x
topology: tpu7x:2x2x1
jax: 0.10.2.dev20260603
libtpu: 0.0.44.dev20260713+nightly
codegen_flags: <defaults>
</compile_context>

<pallas_src>
import functools

import jax
import jax.numpy as jnp
from jax import lax
from jax.experimental import pallas as pl
from jax.experimental.pallas import tpu as pltpu
from jax.experimental.pallas import tpu_sc as plsc

N = 10000
E = 320000
IN_DIM = 128
HID = 64
NC = 2
NS = 16
NW = NC * NS
CHUNK = 80
NCHUNK = 125
EPAD = NW * NCHUNK * CHUNK
NPAD = 10240
RPT = NPAD // NS

_mesh = plsc.VectorSubcoreMesh(core_axis_name="c", subcore_axis_name="s")
_sc_params = pltpu.CompilerParams(use_tc_tiling_on_sc=False)



DEGW = 16

@functools.partial(
    pl.kernel,
    out_type=jax.ShapeDtypeStruct((NC, NPAD, DEGW), jnp.float32),
    mesh=_mesh,
    scratch_types=[
        pltpu.VMEM((NCHUNK, CHUNK), jnp.int32),
        pltpu.VMEM((CHUNK, DEGW), jnp.float32),
        pltpu.VMEM_SHARED((NPAD, DEGW), jnp.float32),
        pltpu.SemaphoreType.DMA,
    ],
    compiler_params=_sc_params,
)
def _deg_kernel(dst_hbm, ones_hbm, z_hbm, out_hbm, dst_v, ones_v, deg_sp, sem):
    cid = lax.axis_index("c")
    tid = lax.axis_index("s")
    wid = cid * NS + tid
    sl = pl.ds(tid * RPT, RPT)
    pltpu.sync_copy(z_hbm, deg_sp.at[sl])
    pltpu.sync_copy(dst_hbm.at[wid], dst_v)
    pltpu.sync_copy(ones_hbm, ones_v)
    plsc.subcore_barrier()

    def s_desc(c):
        return pltpu.make_async_copy(ones_v, deg_sp.at[dst_v.at[c]], sem)

    def body(c, carry):
        @pl.when(c >= 8)
        def _():
            s_desc(c - 8).wait()

        s_desc(c).start(add=True)
        return carry

    lax.fori_loop(0, NCHUNK, body, 0)
    for i in range(8):
        s_desc(NCHUNK - 8 + i).wait()
    plsc.subcore_barrier()
    pltpu.sync_copy(deg_sp.at[sl], out_hbm.at[cid, sl])


@functools.partial(
    pl.kernel,
    out_type=jax.ShapeDtypeStruct((NC, NPAD, HID), jnp.float32),
    mesh=_mesh,
    scratch_types=[
        pltpu.VMEM((NCHUNK, CHUNK), jnp.int32),
        pltpu.VMEM((NCHUNK, CHUNK), jnp.int32),
        pltpu.VMEM((12, CHUNK, HID), jnp.float32),
        pltpu.VMEM_SHARED((NPAD, HID), jnp.float32),
        pltpu.SemaphoreType.DMA,
        pltpu.SemaphoreType.DMA,
    ],
    compiler_params=_sc_params,
)
def _edge_kernel(p_hbm, src_hbm, dst_hbm, z_hbm, out_hbm,
                 src_v, dst_v, rows, acc_sp, sem_g, sem_s):
    cid = lax.axis_index("c")
    tid = lax.axis_index("s")
    wid = cid * NS + tid
    sl = pl.ds(tid * RPT, RPT)
    pltpu.sync_copy(z_hbm, acc_sp.at[sl])
    pltpu.sync_copy(src_hbm.at[wid], src_v)
    pltpu.sync_copy(dst_hbm.at[wid], dst_v)
    plsc.subcore_barrier()

    AHEAD = 6

    def g_desc(c):
        return pltpu.make_async_copy(p_hbm.at[src_v.at[c]], rows.at[c % 12],
                                     sem_g)

    def s_desc(c):
        return pltpu.make_async_copy(rows.at[c % 12], acc_sp.at[dst_v.at[c]],
                                     sem_s)

    for i in range(AHEAD):
        g_desc(i).start()

    def body(c, carry):
        @pl.when(c >= AHEAD)
        def _():
            s_desc(c - AHEAD).wait()

        @pl.when(c + AHEAD < NCHUNK)
        def _():
            g_desc(c + AHEAD).start()

        g_desc(c).wait()
        s_desc(c).start(add=True)
        return carry

    lax.fori_loop(0, NCHUNK, body, 0)
    for i in range(AHEAD):
        s_desc(NCHUNK - AHEAD + i).wait()
    plsc.subcore_barrier()
    pltpu.sync_copy(acc_sp.at[sl], out_hbm.at[cid, sl])



def _prep_body(x_ref, w_ref, deg_ref, p_ref, dinv_ref):
    deg = deg_ref[0, :, 0:1] + deg_ref[1, :, 0:1] + 1.0
    dinv = lax.rsqrt(jnp.maximum(deg, 1.0))
    dinv_ref[...] = dinv
    p_ref[...] = jnp.dot(x_ref[...], w_ref[...],
                         preferred_element_type=jnp.float32) * dinv


_prep = pl.pallas_call(
    _prep_body,
    out_shape=[
        jax.ShapeDtypeStruct((NPAD, HID), jnp.float32),
        jax.ShapeDtypeStruct((NPAD, 1), jnp.float32),
    ],
)


def _mid_body(acc_ref, p_ref, dinv_ref, b_ref, g_ref, be_ref, w_ref, out_ref):
    dinv = dinv_ref[...]
    z = dinv * (acc_ref[0] + acc_ref[1] + p_ref[...]) + b_ref[...]
    rows = lax.broadcasted_iota(jnp.int32, (NPAD, HID), 0)
    mask = rows < N
    zm = jnp.where(mask, z, 0.0)
    mu = jnp.sum(zm, axis=0, keepdims=True) * (1.0 / N)
    d = jnp.where(mask, z - mu, 0.0)
    var = jnp.sum(d * d, axis=0, keepdims=True) * (1.0 / N)
    y = g_ref[...] * (z - mu) * lax.rsqrt(var + 1e-5) + be_ref[...]
    y = jnp.maximum(y, 0.0)
    out_ref[...] = jnp.dot(y, w_ref[...],
                           preferred_element_type=jnp.float32) * dinv


_mid = pl.pallas_call(
    _mid_body,
    out_shape=jax.ShapeDtypeStruct((NPAD, HID), jnp.float32),
)


def _head_body(acc_ref, p_ref, dinv_ref, b_ref, ws_ref, bs_ref, wa_ref, ba_ref,
               s_ref, a_ref):
    z = dinv_ref[...] * (acc_ref[0] + acc_ref[1] + p_ref[...]) + b_ref[...]
    s_ref[...] = jnp.dot(z, ws_ref[...],
                         preferred_element_type=jnp.float32) + bs_ref[...]
    a_ref[...] = jnp.dot(z, wa_ref[...],
                         preferred_element_type=jnp.float32) + ba_ref[...]


_head = pl.pallas_call(
    _head_body,
    out_shape=[
        jax.ShapeDtypeStruct((NPAD, 4), jnp.float32),
        jax.ShapeDtypeStruct((NPAD, 4), jnp.float32),
    ],
)



def kernel(x, edge_index, W1, b1, W2, b2, W3, b3, gamma, beta, Ws, bs, Wa, ba):
    src2 = edge_index[0].reshape(NW, NCHUNK, CHUNK)
    dst2 = edge_index[1].reshape(NW, NCHUNK, CHUNK)
    x_pad = jnp.pad(x, ((0, NPAD - N), (0, 0)))
    ones = jnp.ones((CHUNK, DEGW), jnp.float32)
    z1 = jnp.zeros((RPT, DEGW), jnp.float32)
    z64 = jnp.zeros((RPT, HID), jnp.float32)
    b1r, b2r, b3r = b1.reshape(1, HID), b2.reshape(1, HID), b3.reshape(1, HID)
    gr, ber = gamma.reshape(1, HID), beta.reshape(1, HID)
    bsr, bar = bs.reshape(1, 4), ba.reshape(1, 4)

    deg2 = _deg_kernel(dst2, ones, z1)
    p1, dinv = _prep(x_pad, W1, deg2)

    acc1 = _edge_kernel(p1, src2, dst2, z64)
    p2 = _mid(acc1, p1, dinv, b1r, gr, ber, W2)
    acc2 = _edge_kernel(p2, src2, dst2, z64)
    p3 = _mid(acc2, p2, dinv, b2r, gr, ber, W3)
    acc3 = _edge_kernel(p3, src2, dst2, z64)
    sizes, aligns = _head(acc3, p3, dinv, b3r, Ws, bsr, Wa, bar)
    return (sizes[:N], aligns[:N])

# --- scband reference (transcript-rebuilt; emitter-appended) ---
"""Pipeline reference for scband-layout-gnn-24378234372598 (READ-ONLY COPY).

The authoritative reference and input builder live on the scoring server;
editing this copy changes nothing except your own understanding.
"""

import jax, jax.numpy as jnp
import numpy as np

N = 10000
E = 320000
IN_DIM = 128
HID = 64

def setup_inputs(seed: int = 0):
    key = jax.random.key(seed)
    ks = jax.random.split(key, 16)
    inp = {}
    inp["x"] = jax.random.normal(ks[0], (N, IN_DIM), dtype=jnp.float32)
    inp["edge_index"] = jax.random.randint(ks[1], (2, E), 0, N, dtype=jnp.int32)
    inp["W1"] = jax.random.normal(ks[2], (IN_DIM, HID), dtype=jnp.float32) * 0.05
    inp["b1"] = jnp.zeros((HID,), dtype=jnp.float32)
    inp["W2"] = jax.random.normal(ks[3], (HID, HID), dtype=jnp.float32) * 0.05
    inp["b2"] = jnp.zeros((HID,), dtype=jnp.float32)
    inp["W3"] = jax.random.normal(ks[4], (HID, HID), dtype=jnp.float32) * 0.05
    inp["b3"] = jnp.zeros((HID,), dtype=jnp.float32)
    inp["gamma"] = jnp.ones((HID,), dtype=jnp.float32)
    inp["beta"] = jnp.zeros((HID,), dtype=jnp.float32)
    inp["Ws"] = jax.random.normal(ks[5], (HID, 4), dtype=jnp.float32) * 0.05
    inp["bs"] = jnp.zeros((4,), dtype=jnp.float32)
    inp["Wa"] = jax.random.normal(ks[6], (HID, 4), dtype=jnp.float32) * 0.05
    inp["ba"] = jnp.zeros((4,), dtype=jnp.float32)
    return inp

def _gcn(x, W, b, src, dst):
    n = x.shape[0]
    h = x @ W
    sl = jnp.arange(n, dtype=src.dtype)
    s = jnp.concatenate([src, sl])
    d = jnp.concatenate([dst, sl])
    deg = jax.ops.segment_sum(jnp.ones(s.shape[0], dtype=x.dtype), d, num_segments=n)
    dinv = jax.lax.rsqrt(jnp.maximum(deg, 1.0))
    norm = dinv[s] * dinv[d]
    msg = h[s] * norm[:, None]
    out = jax.ops.segment_sum(msg, d, num_segments=n)
    return out + b

def _bn(x, gamma, beta):
    mu = jnp.mean(x, axis=0)
    var = jnp.var(x, axis=0)
    return gamma * (x - mu) * jax.lax.rsqrt(var + 1e-5) + beta

def reference(x, edge_index, W1, b1, W2, b2, W3, b3, gamma, beta, Ws, bs, Wa, ba):
    src = edge_index[0]
    dst = edge_index[1]
    h = _gcn(x, W1, b1, src, dst)
    h = jax.nn.relu(_bn(h, gamma, beta))
    h = _gcn(h, W2, b2, src, dst)
    h = jax.nn.relu(_bn(h, gamma, beta))
    h = _gcn(h, W3, b3, src, dst)
    sizes = h @ Ws + bs
    aligns = h @ Wa + ba
    return (sizes, aligns)

if __name__ == "__main__":
    import jax
    _d = setup_inputs()
    print(jax.jit(kernel)(*tuple(_d.values())))

</pallas_src>

<mosaic_0001>
#map = affine_map<(d0, d1) -> (0, 0, 0)>
#map1 = affine_map<(d0, d1) -> (0, 0)>
module attributes {stable_mosaic.version = 14 : i64} {
  func.func @_deg_kernel(%arg0: i32, %arg1: i32, %arg2: memref<32x125x80xi32, #tpu.memory_space<hbm>>, %arg3: memref<80x16xf32, #tpu.memory_space<hbm>>, %arg4: memref<640x16xf32, #tpu.memory_space<hbm>>, %arg5: memref<2x10240x16xf32, #tpu.memory_space<hbm>>, %arg6: memref<125x80xi32, #tpu.memory_space<vmem>>, %arg7: memref<80x16xf32, #tpu.memory_space<vmem>>, %arg8: memref<10240x16xf32, #tpu.memory_space<vmem_shared>>, %arg9: memref<!tpu.dma_semaphore, #tpu.memory_space<semaphore_mem>>) attributes {dimension_semantics = [#tpu.dimension_semantics<core_parallel>, #tpu.dimension_semantics<subcore_parallel>], iteration_bounds = array<i64: 2, 16>, scalar_prefetch = 0 : i64, scratch_operands = 4 : i64, tpu.core_type = #tpu.core_type<sc_vector_subcore>, window_params = [{transform_indices = #map}, {transform_indices = #map1}, {transform_indices = #map1}, {transform_indices = #map}]} {
    %mul3A = arith.constant 16 : i32
    %mul3A_0 = arith.muli %arg0, %mul3A : i32
    %add3A = arith.addi %mul3A_0, %arg1 : i32
    %mul3A_1 = arith.constant 640 : i32
    %mul3A_2 = arith.muli %arg1, %mul3A_1 : i32
    "tpu.region"() ({
      %run_scoped3A = tpu.sem_alloc : memref<!tpu.dma_semaphore, #tpu.memory_space<semaphore_mem>>
      %dma_start3A = arith.constant 0 : i32
      %dma_start3A_64 = tpu.memref_slice %arg8[%mul3A_2, %dma_start3A] : memref<10240x16xf32, #tpu.memory_space<vmem_shared>> -> memref<640x16xf32, #tpu.memory_space<vmem_shared>>
      tpu.enqueue_dma source(%arg4 : memref<640x16xf32, #tpu.memory_space<hbm>>) target(%dma_start3A_64 : memref<640x16xf32, #tpu.memory_space<vmem_shared>>) target_semaphore(%run_scoped3A : memref<!tpu.dma_semaphore, #tpu.memory_space<semaphore_mem>>)
      %dma_wait3A_65 = arith.constant 0 : i32
      %dma_wait3A_66 = tpu.memref_slice %arg8[%mul3A_2, %dma_wait3A_65] : memref<10240x16xf32, #tpu.memory_space<vmem_shared>> -> memref<640x16xf32, #tpu.memory_space<vmem_shared>>
      tpu.wait_dma2 semaphore(%run_scoped3A : memref<!tpu.dma_semaphore, #tpu.memory_space<semaphore_mem>>) src(%arg4 : memref<640x16xf32, #tpu.memory_space<hbm>>) dst(%dma_wait3A_66 : memref<640x16xf32, #tpu.memory_space<vmem_shared>>)
      tpu.yield
    }) : () -> ()
    "tpu.region"() ({
      %run_scoped3A = tpu.sem_alloc : memref<!tpu.dma_semaphore, #tpu.memory_space<semaphore_mem>>
      %dma_start3A = arith.constant 0 : i32
      %dma_start3A_64 = arith.constant 0 : i32
      %dma_start3A_65 = tpu.memref_slice %arg2[%add3A, %dma_start3A, %dma_start3A_64] : memref<32x125x80xi32, #tpu.memory_space<hbm>> -> memref<1x125x80xi32, #tpu.memory_space<hbm>>
      %dma_start3A_66 = tpu.memref_squeeze %dma_start3A_65 : memref<1x125x80xi32, #tpu.memory_space<hbm>> -> memref<125x80xi32, #tpu.memory_space<hbm>>
      %dma_start3A_67 = arith.constant 0 : i32
      %dma_start3A_68 = arith.constant 0 : i32
      %dma_start3A_69 = tpu.memref_slice %arg2[%add3A, %dma_start3A_67, %dma_start3A_68] : memref<32x125x80xi32, #tpu.memory_space<hbm>> -> memref<1x125x80xi32, #tpu.memory_space<hbm>>
      %dma_start3A_70 = tpu.memref_squeeze %dma_start3A_69 : memref<1x125x80xi32, #tpu.memory_space<hbm>> -> memref<125x80xi32, #tpu.memory_space<hbm>>
      tpu.enqueue_dma source(%dma_start3A_70 : memref<125x80xi32, #tpu.memory_space<hbm>>) target(%arg6 : memref<125x80xi32, #tpu.memory_space<vmem>>) target_semaphore(%run_scoped3A : memref<!tpu.dma_semaphore, #tpu.memory_space<semaphore_mem>>)
      %dma_wait3A_71 = arith.constant 0 : i32
      %dma_wait3A_72 = arith.constant 0 : i32
      %dma_wait3A_73 = tpu.memref_slice %arg2[%add3A, %dma_wait3A_71, %dma_wait3A_72] : memref<32x125x80xi32, #tpu.memory_space<hbm>> -> memref<1x125x80xi32, #tpu.memory_space<hbm>>
      %dma_wait3A_74 = tpu.memref_squeeze %dma_wait3A_73 : memref<1x125x80xi32, #tpu.memory_space<hbm>> -> memref<125x80xi32, #tpu.memory_space<hbm>>
      %dma_wait3A_75 = arith.constant 0 : i32
      %dma_wait3A_76 = arith.constant 0 : i32
      %dma_wait3A_77 = tpu.memref_slice %arg2[%add3A, %dma_wait3A_75, %dma_wait3A_76] : memref<32x125x80xi32, #tpu.memory_space<hbm>> -> memref<1x125x80xi32, #tpu.memory_space<hbm>>
      %dma_wait3A_78 = tpu.memref_squeeze %dma_wait3A_77 : memref<1x125x80xi32, #tpu.memory_space<hbm>> -> memref<125x80xi32, #tpu.memory_space<hbm>>
      tpu.wait_dma2 semaphore(%run_scoped3A : memref<!tpu.dma_semaphore, #tpu.memory_space<semaphore_mem>>) src(%dma_wait3A_78 : memref<125x80xi32, #tpu.memory_space<hbm>>) dst(%arg6 : memref<125x80xi32, #tpu.memory_space<vmem>>)
      tpu.yield
    }) : () -> ()
    "tpu.region"() ({
      %run_scoped3A = tpu.sem_alloc : memref<!tpu.dma_semaphore, #tpu.memory_space<semaphore_mem>>
      tpu.enqueue_dma source(%arg3 : memref<80x16xf32, #tpu.memory_space<hbm>>) target(%arg7 : memref<80x16xf32, #tpu.memory_space<vmem>>) target_semaphore(%run_scoped3A : memref<!tpu.dma_semaphore, #tpu.memory_space<semaphore_mem>>)
      tpu.wait_dma2 semaphore(%run_scoped3A : memref<!tpu.dma_semaphore, #tpu.memory_space<semaphore_mem>>) src(%arg3 : memref<80x16xf32, #tpu.memory_space<hbm>>) dst(%arg7 : memref<80x16xf32, #tpu.memory_space<vmem>>)
      tpu.yield
    }) : () -> ()
    %barrier3A = arith.constant 0 : index
    tpu.barrier barrier_id(%barrier3A)
    %scan3A = arith.constant 0 : i32
    %scan3A_3 = arith.constant 0 : i32
    %scan3A_4 = arith.constant 125 : i32
    %scan3A_5 = arith.addi %scan3A_3, %scan3A_4 : i32
    %scan3A_6 = arith.constant 1 : i32
    scf.for %scan3A_64 = %scan3A_3 to %scan3A_5 step %scan3A_6  : i32 {
      %ge3A = arith.constant 8 : i32
      %ge3A_65 = arith.cmpi sge, %scan3A_64, %ge3A : i32
      %convert_element_type3A = arith.extui %ge3A_65 : i1 to i32
      %cond3A = arith.constant 0 : i32
      %cond3A_66 = arith.cmpi ne, %convert_element_type3A, %cond3A : i32
      scf.if %cond3A_66 {
        %sub3A = arith.constant 8 : i32
        %sub3A_72 = arith.subi %scan3A_64, %sub3A : i32
        %dma_wait3A_73 = arith.constant 0 : i32
        %dma_wait3A_74 = tpu.memref_slice %arg6[%sub3A_72, %dma_wait3A_73] : memref<125x80xi32, #tpu.memory_space<vmem>> -> memref<1x80xi32, #tpu.memory_space<vmem>>
        %dma_wait3A_75 = tpu.memref_squeeze %dma_wait3A_74 : memref<1x80xi32, #tpu.memory_space<vmem>> -> memref<80xi32, #tpu.memory_space<vmem>>
        %dma_wait3A_76 = arith.constant 0 : i32
        %dma_wait3A_77 = arith.constant 0 : i32
        %dma_wait3A_78 = tpu.memref_slice %arg8[%dma_wait3A_76, %dma_wait3A_77] : memref<10240x16xf32, #tpu.memory_space<vmem_shared>> -> memref<10240x16xf32, #tpu.memory_space<vmem_shared>>
        tpu.wait_indirect_dma semaphore(%arg9 : memref<!tpu.dma_semaphore, #tpu.memory_space<semaphore_mem>>) src(%arg7 : memref<80x16xf32, #tpu.memory_space<vmem>>) dst(%dma_wait3A_78 : memref<10240x16xf32, #tpu.memory_space<vmem_shared>>)
      } else {
      }
      %dma_start3A = arith.constant 0 : i32
      %dma_start3A_67 = tpu.memref_slice %arg6[%scan3A_64, %dma_start3A] : memref<125x80xi32, #tpu.memory_space<vmem>> -> memref<1x80xi32, #tpu.memory_space<vmem>>
      %dma_start3A_68 = tpu.memref_squeeze %dma_start3A_67 : memref<1x80xi32, #tpu.memory_space<vmem>> -> memref<80xi32, #tpu.memory_space<vmem>>
      %dma_start3A_69 = arith.constant 0 : i32
      %dma_start3A_70 = arith.constant 0 : i32
      %dma_start3A_71 = tpu.memref_slice %arg8[%dma_start3A_69, %dma_start3A_70] : memref<10240x16xf32, #tpu.memory_space<vmem_shared>> -> memref<10240x16xf32, #tpu.memory_space<vmem_shared>>
      tpu.enqueue_indirect_dma source(%arg7 : memref<80x16xf32, #tpu.memory_space<vmem>>) target(%dma_start3A_71 : memref<10240x16xf32, #tpu.memory_space<vmem_shared>>) offsets(%dma_start3A_68 : memref<80xi32, #tpu.memory_space<vmem>>) semaphore(%arg9 : memref<!tpu.dma_semaphore, #tpu.memory_space<semaphore_mem>>) {add = true}
    }
    %scan3A_7 = arith.constant 125 : i32
    %dma_wait3A = arith.constant 117 : i32
    %dma_wait3A_8 = arith.constant 0 : i32
    %dma_wait3A_9 = tpu.memref_slice %arg6[%dma_wait3A, %dma_wait3A_8] : memref<125x80xi32, #tpu.memory_space<vmem>> -> memref<1x80xi32, #tpu.memory_space<vmem>>
    %dma_wait3A_10 = tpu.memref_squeeze %dma_wait3A_9 : memref<1x80xi32, #tpu.memory_space<vmem>> -> memref<80xi32, #tpu.memory_space<vmem>>
    %dma_wait3A_11 = arith.constant 0 : i32
    %dma_wait3A_12 = arith.constant 0 : i32
    %dma_wait3A_13 = tpu.memref_slice %arg8[%dma_wait3A_11, %dma_wait3A_12] : memref<10240x16xf32, #tpu.memory_space<vmem_shared>> -> memref<10240x16xf32, #tpu.memory_space<vmem_shared>>
    tpu.wait_indirect_dma semaphore(%arg9 : memref<!tpu.dma_semaphore, #tpu.memory_space<semaphore_mem>>) src(%arg7 : memref<80x16xf32, #tpu.memory_space<vmem>>) dst(%dma_wait3A_13 : memref<10240x16xf32, #tpu.memory_space<vmem_shared>>)
    %dma_wait3A_14 = arith.constant 118 : i32
    %dma_wait3A_15 = arith.constant 0 : i32
    %dma_wait3A_16 = tpu.memref_slice %arg6[%dma_wait3A_14, %dma_wait3A_15] : memref<125x80xi32, #tpu.memory_space<vmem>> -> memref<1x80xi32, #tpu.memory_space<vmem>>
    %dma_wait3A_17 = tpu.memref_squeeze %dma_wait3A_16 : memref<1x80xi32, #tpu.memory_space<vmem>> -> memref<80xi32, #tpu.memory_space<vmem>>
    %dma_wait3A_18 = arith.constant 0 : i32
    %dma_wait3A_19 = arith.constant 0 : i32
    %dma_wait3A_20 = tpu.memref_slice %arg8[%dma_wait3A_18, %dma_wait3A_19] : memref<10240x16xf32, #tpu.memory_space<vmem_shared>> -> memref<10240x16xf32, #tpu.memory_space<vmem_shared>>
    tpu.wait_indirect_dma semaphore(%arg9 : memref<!tpu.dma_semaphore, #tpu.memory_space<semaphore_mem>>) src(%arg7 : memref<80x16xf32, #tpu.memory_space<vmem>>) dst(%dma_wait3A_20 : memref<10240x16xf32, #tpu.memory_space<vmem_shared>>)
    %dma_wait3A_21 = arith.constant 119 : i32
    %dma_wait3A_22 = arith.constant 0 : i32
    %dma_wait3A_23 = tpu.memref_slice %arg6[%dma_wait3A_21, %dma_wait3A_22] : memref<125x80xi32, #tpu.memory_space<vmem>> -> memref<1x80xi32, #tpu.memory_space<vmem>>
    %dma_wait3A_24 = tpu.memref_squeeze %dma_wait3A_23 : memref<1x80xi32, #tpu.memory_space<vmem>> -> memref<80xi32, #tpu.memory_space<vmem>>
    %dma_wait3A_25 = arith.constant 0 : i32
    %dma_wait3A_26 = arith.constant 0 : i32
    %dma_wait3A_27 = tpu.memref_slice %arg8[%dma_wait3A_25, %dma_wait3A_26] : memref<10240x16xf32, #tpu.memory_space<vmem_shared>> -> memref<10240x16xf32, #tpu.memory_space<vmem_shared>>
    tpu.wait_indirect_dma semaphore(%arg9 : memref<!tpu.dma_semaphore, #tpu.memory_space<semaphore_mem>>) src(%arg7 : memref<80x16xf32, #tpu.memory_space<vmem>>) dst(%dma_wait3A_27 : memref<10240x16xf32, #tpu.memory_space<vmem_shared>>)
    %dma_wait3A_28 = arith.constant 120 : i32
    %dma_wait3A_29 = arith.constant 0 : i32
    %dma_wait3A_30 = tpu.memref_slice %arg6[%dma_wait3A_28, %dma_wait3A_29] : memref<125x80xi32, #tpu.memory_space<vmem>> -> memref<1x80xi32, #tpu.memory_space<vmem>>
    %dma_wait3A_31 = tpu.memref_squeeze %dma_wait3A_30 : memref<1x80xi32, #tpu.memory_space<vmem>> -> memref<80xi32, #tpu.memory_space<vmem>>
    %dma_wait3A_32 = arith.constant 0 : i32
    %dma_wait3A_33 = arith.constant 0 : i32
    %dma_wait3A_34 = tpu.memref_slice %arg8[%dma_wait3A_32, %dma_wait3A_33] : memref<10240x16xf32, #tpu.memory_space<vmem_shared>> -> memref<10240x16xf32, #tpu.memory_space<vmem_shared>>
    tpu.wait_indirect_dma semaphore(%arg9 : memref<!tpu.dma_semaphore, #tpu.memory_space<semaphore_mem>>) src(%arg7 : memref<80x16xf32, #tpu.memory_space<vmem>>) dst(%dma_wait3A_34 : memref<10240x16xf32, #tpu.memory_space<vmem_shared>>)
    %dma_wait3A_35 = arith.constant 121 : i32
    %dma_wait3A_36 = arith.constant 0 : i32
    %dma_wait3A_37 = tpu.memref_slice %arg6[%dma_wait3A_35, %dma_wait3A_36] : memref<125x80xi32, #tpu.memory_space<vmem>> -> memref<1x80xi32, #tpu.memory_space<vmem>>
    %dma_wait3A_38 = tpu.memref_squeeze %dma_wait3A_37 : memref<1x80xi32, #tpu.memory_space<vmem>> -> memref<80xi32, #tpu.memory_space<vmem>>
    %dma_wait3A_39 = arith.constant 0 : i32
    %dma_wait3A_40 = arith.constant 0 : i32
    %dma_wait3A_41 = tpu.memref_slice %arg8[%dma_wait3A_39, %dma_wait3A_40] : memref<10240x16xf32, #tpu.memory_space<vmem_shared>> -> memref<10240x16xf32, #tpu.memory_space<vmem_shared>>
    tpu.wait_indirect_dma semaphore(%arg9 : memref<!tpu.dma_semaphore, #tpu.memory_space<semaphore_mem>>) src(%arg7 : memref<80x16xf32, #tpu.memory_space<vmem>>) dst(%dma_wait3A_41 : memref<10240x16xf32, #tpu.memory_space<vmem_shared>>)
    %dma_wait3A_42 = arith.constant 122 : i32
    %dma_wait3A_43 = arith.constant 0 : i32
    %dma_wait3A_44 = tpu.memref_slice %arg6[%dma_wait3A_42, %dma_wait3A_43] : memref<125x80xi32, #tpu.memory_space<vmem>> -> memref<1x80xi32, #tpu.memory_space<vmem>>
    %dma_wait3A_45 = tpu.memref_squeeze %dma_wait3A_44 : memref<1x80xi32, #tpu.memory_space<vmem>> -> memref<80xi32, #tpu.memory_space<vmem>>
    %dma_wait3A_46 = arith.constant 0 : i32
    %dma_wait3A_47 = arith.constant 0 : i32
    %dma_wait3A_48 = tpu.memref_slice %arg8[%dma_wait3A_46, %dma_wait3A_47] : memref<10240x16xf32, #tpu.memory_space<vmem_shared>> -> memref<10240x16xf32, #tpu.memory_space<vmem_shared>>
    tpu.wait_indirect_dma semaphore(%arg9 : memref<!tpu.dma_semaphore, #tpu.memory_space<semaphore_mem>>) src(%arg7 : memref<80x16xf32, #tpu.memory_space<vmem>>) dst(%dma_wait3A_48 : memref<10240x16xf32, #tpu.memory_space<vmem_shared>>)
    %dma_wait3A_49 = arith.constant 123 : i32
    %dma_wait3A_50 = arith.constant 0 : i32
    %dma_wait3A_51 = tpu.memref_slice %arg6[%dma_wait3A_49, %dma_wait3A_50] : memref<125x80xi32, #tpu.memory_space<vmem>> -> memref<1x80xi32, #tpu.memory_space<vmem>>
    %dma_wait3A_52 = tpu.memref_squeeze %dma_wait3A_51 : memref<1x80xi32, #tpu.memory_space<vmem>> -> memref<80xi32, #tpu.memory_space<vmem>>
    %dma_wait3A_53 = arith.constant 0 : i32
    %dma_wait3A_54 = arith.constant 0 : i32
    %dma_wait3A_55 = tpu.memref_slice %arg8[%dma_wait3A_53, %dma_wait3A_54] : memref<10240x16xf32, #tpu.memory_space<vmem_shared>> -> memref<10240x16xf32, #tpu.memory_space<vmem_shared>>
    tpu.wait_indirect_dma semaphore(%arg9 : memref<!tpu.dma_semaphore, #tpu.memory_space<semaphore_mem>>) src(%arg7 : memref<80x16xf32, #tpu.memory_space<vmem>>) dst(%dma_wait3A_55 : memref<10240x16xf32, #tpu.memory_space<vmem_shared>>)
    %dma_wait3A_56 = arith.constant 124 : i32
    %dma_wait3A_57 = arith.constant 0 : i32
    %dma_wait3A_58 = tpu.memref_slice %arg6[%dma_wait3A_56, %dma_wait3A_57] : memref<125x80xi32, #tpu.memory_space<vmem>> -> memref<1x80xi32, #tpu.memory_space<vmem>>
    %dma_wait3A_59 = tpu.memref_squeeze %dma_wait3A_58 : memref<1x80xi32, #tpu.memory_space<vmem>> -> memref<80xi32, #tpu.memory_space<vmem>>
    %dma_wait3A_60 = arith.constant 0 : i32
    %dma_wait3A_61 = arith.constant 0 : i32
    %dma_wait3A_62 = tpu.memref_slice %arg8[%dma_wait3A_60, %dma_wait3A_61] : memref<10240x16xf32, #tpu.memory_space<vmem_shared>> -> memref<10240x16xf32, #tpu.memory_space<vmem_shared>>
    tpu.wait_indirect_dma semaphore(%arg9 : memref<!tpu.dma_semaphore, #tpu.memory_space<semaphore_mem>>) src(%arg7 : memref<80x16xf32, #tpu.memory_space<vmem>>) dst(%dma_wait3A_62 : memref<10240x16xf32, #tpu.memory_space<vmem_shared>>)
    %barrier3A_63 = arith.constant 0 : index
    tpu.barrier barrier_id(%barrier3A_63)
    "tpu.region"() ({
      %run_scoped3A = tpu.sem_alloc : memref<!tpu.dma_semaphore, #tpu.memory_space<semaphore_mem>>
      %dma_start3A = arith.constant 0 : i32
      %dma_start3A_64 = tpu.memref_slice %arg5[%arg0, %mul3A_2, %dma_start3A] : memref<2x10240x16xf32, #tpu.memory_space<hbm>> -> memref<1x640x16xf32, #tpu.memory_space<hbm>>
      %dma_start3A_65 = tpu.memref_squeeze %dma_start3A_64 : memref<1x640x16xf32, #tpu.memory_space<hbm>> -> memref<640x16xf32, #tpu.memory_space<hbm>>
      %dma_start3A_66 = arith.constant 0 : i32
      %dma_start3A_67 = tpu.memref_slice %arg8[%mul3A_2, %dma_start3A_66] : memref<10240x16xf32, #tpu.memory_space<vmem_shared>> -> memref<640x16xf32, #tpu.memory_space<vmem_shared>>
      tpu.enqueue_dma source(%dma_start3A_67 : memref<640x16xf32, #tpu.memory_space<vmem_shared>>) target(%dma_start3A_65 : memref<640x16xf32, #tpu.memory_space<hbm>>) target_semaphore(%run_scoped3A : memref<!tpu.dma_semaphore, #tpu.memory_space<semaphore_mem>>)
      %dma_wait3A_68 = arith.constant 0 : i32
      %dma_wait3A_69 = tpu.memref_slice %arg5[%arg0, %mul3A_2, %dma_wait3A_68] : memref<2x10240x16xf32, #tpu.memory_space<hbm>> -> memref<1x640x16xf32, #tpu.memory_space<hbm>>
      %dma_wait3A_70 = tpu.memref_squeeze %dma_wait3A_69 : memref<1x640x16xf32, #tpu.memory_space<hbm>> -> memref<640x16xf32, #tpu.memory_space<hbm>>
      %dma_wait3A_71 = arith.constant 0 : i32
      %dma_wait3A_72 = tpu.memref_slice %arg8[%mul3A_2, %dma_wait3A_71] : memref<10240x16xf32, #tpu.memory_space<vmem_shared>> -> memref<640x16xf32, #tpu.memory_space<vmem_shared>>
      tpu.wait_dma2 semaphore(%run_scoped3A : memref<!tpu.dma_semaphore, #tpu.memory_space<semaphore_mem>>) src(%dma_wait3A_72 : memref<640x16xf32, #tpu.memory_space<vmem_shared>>) dst(%dma_wait3A_70 : memref<640x16xf32, #tpu.memory_space<hbm>>)
      tpu.yield
    }) : () -> ()
    return
  }
}

#map = affine_map<(d0, d1) -> (0, 0)>
#map1 = affine_map<(d0, d1) -> (0, 0, 0)>
module attributes {stable_mosaic.version = 14 : i64} {
  func.func @_edge_kernel(%arg0: i32, %arg1: i32, %arg2: memref<10240x64xf32, #tpu.memory_space<hbm>>, %arg3: memref<32x125x80xi32, #tpu.memory_space<hbm>>, %arg4: memref<32x125x80xi32, #tpu.memory_space<hbm>>, %arg5: memref<640x64xf32, #tpu.memory_space<hbm>>, %arg6: memref<2x10240x64xf32, #tpu.memory_space<hbm>>, %arg7: memref<125x80xi32, #tpu.memory_space<vmem>>, %arg8: memref<125x80xi32, #tpu.memory_space<vmem>>, %arg9: memref<12x80x64xf32, #tpu.memory_space<vmem>>, %arg10: memref<10240x64xf32, #tpu.memory_space<vmem_shared>>, %arg11: memref<!tpu.dma_semaphore, #tpu.memory_space<semaphore_mem>>, %arg12: memref<!tpu.dma_semaphore, #tpu.memory_space<semaphore_mem>>) attributes {dimension_semantics = [#tpu.dimension_semantics<core_parallel>, #tpu.dimension_semantics<subcore_parallel>], iteration_bounds = array<i64: 2, 16>, scalar_prefetch = 0 : i64, scratch_operands = 6 : i64, tpu.core_type = #tpu.core_type<sc_vector_subcore>, window_params = [{transform_indices = #map}, {transform_indices = #map1}, {transform_indices = #map1}, {transform_indices = #map}, {transform_indices = #map1}]} {
    %mul3A = arith.constant 16 : i32
    %mul3A_0 = arith.muli %arg0, %mul3A : i32
    %add3A = arith.addi %mul3A_0, %arg1 : i32
    %mul3A_1 = arith.constant 640 : i32
    %mul3A_2 = arith.muli %arg1, %mul3A_1 : i32
    "tpu.region"() ({
      %run_scoped3A = tpu.sem_alloc : memref<!tpu.dma_semaphore, #tpu.memory_space<semaphore_mem>>
      %dma_start3A_151 = arith.constant 0 : i32
      %dma_start3A_152 = tpu.memref_slice %arg10[%mul3A_2, %dma_start3A_151] : memref<10240x64xf32, #tpu.memory_space<vmem_shared>> -> memref<640x64xf32, #tpu.memory_space<vmem_shared>>
      tpu.enqueue_dma source(%arg5 : memref<640x64xf32, #tpu.memory_space<hbm>>) target(%dma_start3A_152 : memref<640x64xf32, #tpu.memory_space<vmem_shared>>) target_semaphore(%run_scoped3A : memref<!tpu.dma_semaphore, #tpu.memory_space<semaphore_mem>>)
      %dma_wait3A_153 = arith.constant 0 : i32
      %dma_wait3A_154 = tpu.memref_slice %arg10[%mul3A_2, %dma_wait3A_153] : memref<10240x64xf32, #tpu.memory_space<vmem_shared>> -> memref<640x64xf32, #tpu.memory_space<vmem_shared>>
      tpu.wait_dma2 semaphore(%run_scoped3A : memref<!tpu.dma_semaphore, #tpu.memory_space<semaphore_mem>>) src(%arg5 : memref<640x64xf32, #tpu.memory_space<hbm>>) dst(%dma_wait3A_154 : memref<640x64xf32, #tpu.memory_space<vmem_shared>>)
      tpu.yield
    }) : () -> ()
    "tpu.region"() ({
      %run_scoped3A = tpu.sem_alloc : memref<!tpu.dma_semaphore, #tpu.memory_space<semaphore_mem>>
      %dma_start3A_151 = arith.constant 0 : i32
      %dma_start3A_152 = arith.constant 0 : i32
      %dma_start3A_153 = tpu.memref_slice %arg3[%add3A, %dma_start3A_151, %dma_start3A_152] : memref<32x125x80xi32, #tpu.memory_space<hbm>> -> memref<1x125x80xi32, #tpu.memory_space<hbm>>
      %dma_start3A_154 = tpu.memref_squeeze %dma_start3A_153 : memref<1x125x80xi32, #tpu.memory_space<hbm>> -> memref<125x80xi32, #tpu.memory_space<hbm>>
      %dma_start3A_155 = arith.constant 0 : i32
      %dma_start3A_156 = arith.constant 0 : i32
      %dma_start3A_157 = tpu.memref_slice %arg3[%add3A, %dma_start3A_155, %dma_start3A_156] : memref<32x125x80xi32, #tpu.memory_space<hbm>> -> memref<1x125x80xi32, #tpu.memory_space<hbm>>
      %dma_start3A_158 = tpu.memref_squeeze %dma_start3A_157 : memref<1x125x80xi32, #tpu.memory_space<hbm>> -> memref<125x80xi32, #tpu.memory_space<hbm>>
      tpu.enqueue_dma source(%dma_start3A_158 : memref<125x80xi32, #tpu.memory_space<hbm>>) target(%arg7 : memref<125x80xi32, #tpu.memory_space<vmem>>) target_semaphore(%run_scoped3A : memref<!tpu.dma_semaphore, #tpu.memory_space<semaphore_mem>>)
      %dma_wait3A_159 = arith.constant 0 : i32
      %dma_wait3A_160 = arith.constant 0 : i32
      %dma_wait3A_161 = tpu.memref_slice %arg3[%add3A, %dma_wait3A_159, %dma_wait3A_160] : memref<32x125x80xi32, #tpu.memory_space<hbm>> -> memref<1x125x80xi32, #tpu.memory_space<hbm>>
      %dma_wait3A_162 = tpu.memref_squeeze %dma_wait3A_161 : memref<1x125x80xi32, #tpu.memory_space<hbm>> -> memref<125x80xi32, #tpu.memory_space<hbm>>
      %dma_wait3A_163 = arith.constant 0 : i32
      %dma_wait3A_164 = arith.constant 0 : i32
      %dma_wait3A_165 = tpu.memref_slice %arg3[%add3A, %dma_wait3A_163, %dma_wait3A_164] : memref<32x125x80xi32, #tpu.memory_space<hbm>> -> memref<1x125x80xi32, #tpu.memory_space<hbm>>
      %dma_wait3A_166 = tpu.memref_squeeze %dma_wait3A_165 : memref<1x125x80xi32, #tpu.memory_space<hbm>> -> memref<125x80xi32, #tpu.memory_space<hbm>>
      tpu.wait_dma2 semaphore(%run_scoped3A : memref<!tpu.dma_semaphore, #tpu.memory_space<semaphore_mem>>) src(%dma_wait3A_166 : memref<125x80xi32, #tpu.memory_space<hbm>>) dst(%arg7 : memref<125x80xi32, #tpu.memory_space<vmem>>)
      tpu.yield
    }) : () -> ()
    "tpu.region"() ({
      %run_scoped3A = tpu.sem_alloc : memref<!tpu.dma_semaphore, #tpu.memory_space<semaphore_mem>>
      %dma_start3A_151 = arith.constant 0 : i32
      %dma_start3A_152 = arith.constant 0 : i32
      %dma_start3A_153 = tpu.memref_slice %arg4[%add3A, %dma_start3A_151, %dma_start3A_152] : memref<32x125x80xi32, #tpu.memory_space<hbm>> -> memref<1x125x80xi32, #tpu.memory_space<hbm>>
      %dma_start3A_154 = tpu.memref_squeeze %dma_start3A_153 : memref<1x125x80xi32, #tpu.memory_space<hbm>> -> memref<125x80xi32, #tpu.memory_space<hbm>>
      %dma_start3A_155 = arith.constant 0 : i32
      %dma_start3A_156 = arith.constant 0 : i32
      %dma_start3A_157 = tpu.memref_slice %arg4[%add3A, %dma_start3A_155, %dma_start3A_156] : memref<32x125x80xi32, #tpu.memory_space<hbm>> -> memref<1x125x80xi32, #tpu.memory_space<hbm>>
      %dma_start3A_158 = tpu.memref_squeeze %dma_start3A_157 : memref<1x125x80xi32, #tpu.memory_space<hbm>> -> memref<125x80xi32, #tpu.memory_space<hbm>>
      tpu.enqueue_dma source(%dma_start3A_158 : memref<125x80xi32, #tpu.memory_space<hbm>>) target(%arg8 : memref<125x80xi32, #tpu.memory_space<vmem>>) target_semaphore(%run_scoped3A : memref<!tpu.dma_semaphore, #tpu.memory_space<semaphore_mem>>)
      %dma_wait3A_159 = arith.constant 0 : i32
      %dma_wait3A_160 = arith.constant 0 : i32
      %dma_wait3A_161 = tpu.memref_slice %arg4[%add3A, %dma_wait3A_159, %dma_wait3A_160] : memref<32x125x80xi32, #tpu.memory_space<hbm>> -> memref<1x125x80xi32, #tpu.memory_space<hbm>>
      %dma_wait3A_162 = tpu.memref_squeeze %dma_wait3A_161 : memref<1x125x80xi32, #tpu.memory_space<hbm>> -> memref<125x80xi32, #tpu.memory_space<hbm>>
      %dma_wait3A_163 = arith.constant 0 : i32
      %dma_wait3A_164 = arith.constant 0 : i32
      %dma_wait3A_165 = tpu.memref_slice %arg4[%add3A, %dma_wait3A_163, %dma_wait3A_164] : memref<32x125x80xi32, #tpu.memory_space<hbm>> -> memref<1x125x80xi32, #tpu.memory_space<hbm>>
      %dma_wait3A_166 = tpu.memref_squeeze %dma_wait3A_165 : memref<1x125x80xi32, #tpu.memory_space<hbm>> -> memref<125x80xi32, #tpu.memory_space<hbm>>
      tpu.wait_dma2 semaphore(%run_scoped3A : memref<!tpu.dma_semaphore, #tpu.memory_space<semaphore_mem>>) src(%dma_wait3A_166 : memref<125x80xi32, #tpu.memory_space<hbm>>) dst(%arg8 : memref<125x80xi32, #tpu.memory_space<vmem>>)
      tpu.yield
    }) : () -> ()
    %barrier3A = arith.constant 0 : index
    tpu.barrier barrier_id(%barrier3A)
    %dma_start3A = arith.constant 0 : i32
    %dma_start3A_3 = arith.constant 0 : i32
    %dma_start3A_4 = arith.constant 0 : i32
    %dma_start3A_5 = arith.constant 0 : i32
    %dma_start3A_6 = tpu.memref_slice %arg9[%dma_start3A_3, %dma_start3A_4, %dma_start3A_5] : memref<12x80x64xf32, #tpu.memory_space<vmem>> -> memref<1x80x64xf32, #tpu.memory_space<vmem>>
    %dma_start3A_7 = tpu.memref_squeeze %dma_start3A_6 : memref<1x80x64xf32, #tpu.memory_space<vmem>> -> memref<80x64xf32, #tpu.memory_space<vmem>>
    %dma_start3A_8 = arith.constant 0 : i32
    %dma_start3A_9 = tpu.memref_slice %arg7[%dma_start3A, %dma_start3A_8] : memref<125x80xi32, #tpu.memory_space<vmem>> -> memref<1x80xi32, #tpu.memory_space<vmem>>
    %dma_start3A_10 = tpu.memref_squeeze %dma_start3A_9 : memref<1x80xi32, #tpu.memory_space<vmem>> -> memref<80xi32, #tpu.memory_space<vmem>>
    %dma_start3A_11 = arith.constant 0 : i32
    %dma_start3A_12 = arith.constant 0 : i32
    %dma_start3A_13 = tpu.memref_slice %arg2[%dma_start3A_11, %dma_start3A_12] : memref<10240x64xf32, #tpu.memory_space<hbm>> -> memref<10240x64xf32, #tpu.memory_space<hbm>>
    tpu.enqueue_indirect_dma source(%dma_start3A_13 : memref<10240x64xf32, #tpu.memory_space<hbm>>) target(%dma_start3A_7 : memref<80x64xf32, #tpu.memory_space<vmem>>) offsets(%dma_start3A_10 : memref<80xi32, #tpu.memory_space<vmem>>) semaphore(%arg11 : memref<!tpu.dma_semaphore, #tpu.memory_space<semaphore_mem>>)
    %dma_start3A_14 = arith.constant 1 : i32
    %dma_start3A_15 = arith.constant 1 : i32
    %dma_start3A_16 = arith.constant 0 : i32
    %dma_start3A_17 = arith.constant 0 : i32
    %dma_start3A_18 = tpu.memref_slice %arg9[%dma_start3A_15, %dma_start3A_16, %dma_start3A_17] : memref<12x80x64xf32, #tpu.memory_space<vmem>> -> memref<1x80x64xf32, #tpu.memory_space<vmem>>
    %dma_start3A_19 = tpu.memref_squeeze %dma_start3A_18 : memref<1x80x64xf32, #tpu.memory_space<vmem>> -> memref<80x64xf32, #tpu.memory_space<vmem>>
    %dma_start3A_20 = arith.constant 0 : i32
    %dma_start3A_21 = tpu.memref_slice %arg7[%dma_start3A_14, %dma_start3A_20] : memref<125x80xi32, #tpu.memory_space<vmem>> -> memref<1x80xi32, #tpu.memory_space<vmem>>
    %dma_start3A_22 = tpu.memref_squeeze %dma_start3A_21 : memref<1x80xi32, #tpu.memory_space<vmem>> -> memref<80xi32, #tpu.memory_space<vmem>>
    %dma_start3A_23 = arith.constant 0 : i32
    %dma_start3A_24 = arith.constant 0 : i32
    %dma_start3A_25 = tpu.memref_slice %arg2[%dma_start3A_23, %dma_start3A_24] : memref<10240x64xf32, #tpu.memory_space<hbm>> -> memref<10240x64xf32, #tpu.memory_space<hbm>>
    tpu.enqueue_indirect_dma source(%dma_start3A_25 : memref<10240x64xf32, #tpu.memory_space<hbm>>) target(%dma_start3A_19 : memref<80x64xf32, #tpu.memory_space<vmem>>) offsets(%dma_start3A_22 : memref<80xi32, #tpu.memory_space<vmem>>) semaphore(%arg11 : memref<!tpu.dma_semaphore, #tpu.memory_space<semaphore_mem>>)
    %dma_start3A_26 = arith.constant 2 : i32
    %dma_start3A_27 = arith.constant 2 : i32
    %dma_start3A_28 = arith.constant 0 : i32
    %dma_start3A_29 = arith.constant 0 : i32
    %dma_start3A_30 = tpu.memref_slice %arg9[%dma_start3A_27, %dma_start3A_28, %dma_start3A_29] : memref<12x80x64xf32, #tpu.memory_space<vmem>> -> memref<1x80x64xf32, #tpu.memory_space<vmem>>
    %dma_start3A_31 = tpu.memref_squeeze %dma_start3A_30 : memref<1x80x64xf32, #tpu.memory_space<vmem>> -> memref<80x64xf32, #tpu.memory_space<vmem>>
    %dma_start3A_32 = arith.constant 0 : i32
    %dma_start3A_33 = tpu.memref_slice %arg7[%dma_start3A_26, %dma_start3A_32] : memref<125x80xi32, #tpu.memory_space<vmem>> -> memref<1x80xi32, #tpu.memory_space<vmem>>
    %dma_start3A_34 = tpu.memref_squeeze %dma_start3A_33 : memref<1x80xi32, #tpu.memory_space<vmem>> -> memref<80xi32, #tpu.memory_space<vmem>>
    %dma_start3A_35 = arith.constant 0 : i32
    %dma_start3A_36 = arith.constant 0 : i32
    %dma_start3A_37 = tpu.memref_slice %arg2[%dma_start3A_35, %dma_start3A_36] : memref<10240x64xf32, #tpu.memory_space<hbm>> -> memref<10240x64xf32, #tpu.memory_space<hbm>>
    tpu.enqueue_indirect_dma source(%dma_start3A_37 : memref<10240x64xf32, #tpu.memory_space<hbm>>) target(%dma_start3A_31 : memref<80x64xf32, #tpu.memory_space<vmem>>) offsets(%dma_start3A_34 : memref<80xi32, #tpu.memory_space<vmem>>) semaphore(%arg11 : memref<!tpu.dma_semaphore, #tpu.memory_space<semaphore_mem>>)
    %dma_start3A_38 = arith.constant 3 : i32
    %dma_start3A_39 = arith.constant 3 : i32
    %dma_start3A_40 = arith.constant 0 : i32
    %dma_start3A_41 = arith.constant 0 : i32
    %dma_start3A_42 = tpu.memref_slice %arg9[%dma_start3A_39, %dma_start3A_40, %dma_start3A_41] : memref<12x80x64xf32, #tpu.memory_space<vmem>> -> memref<1x80x64xf32, #tpu.memory_space<vmem>>
    %dma_start3A_43 = tpu.memref_squeeze %dma_start3A_42 : memref<1x80x64xf32, #tpu.memory_space<vmem>> -> memref<80x64xf32, #tpu.memory_space<vmem>>
    %dma_start3A_44 = arith.constant 0 : i32
    %dma_start3A_45 = tpu.memref_slice %arg7[%dma_start3A_38, %dma_start3A_44] : memref<125x80xi32, #tpu.memory_space<vmem>> -> memref<1x80xi32, #tpu.memory_space<vmem>>
    %dma_start3A_46 = tpu.memref_squeeze %dma_start3A_45 : memref<1x80xi32, #tpu.memory_space<vmem>> -> memref<80xi32, #tpu.memory_space<vmem>>
    %dma_start3A_47 = arith.constant 0 : i32
    %dma_start3A_48 = arith.constant 0 : i32
    %dma_start3A_49 = tpu.memref_slice %arg2[%dma_start3A_47, %dma_start3A_48] : memref<10240x64xf32, #tpu.memory_space<hbm>> -> memref<10240x64xf32, #tpu.memory_space<hbm>>
    tpu.enqueue_indirect_dma source(%dma_start3A_49 : memref<10240x64xf32, #tpu.memory_space<hbm>>) target(%dma_start3A_43 : memref<80x64xf32, #tpu.memory_space<vmem>>) offsets(%dma_start3A_46 : memref<80xi32, #tpu.memory_space<vmem>>) semaphore(%arg11 : memref<!tpu.dma_semaphore, #tpu.memory_space<semaphore_mem>>)
    %dma_start3A_50 = arith.constant 4 : i32
    %dma_start3A_51 = arith.constant 4 : i32
    %dma_start3A_52 = arith.constant 0 : i32
    %dma_start3A_53 = arith.constant 0 : i32
    %dma_start3A_54 = tpu.memref_slice %arg9[%dma_start3A_51, %dma_start3A_52, %dma_start3A_53] : memref<12x80x64xf32, #tpu.memory_space<vmem>> -> memref<1x80x64xf32, #tpu.memory_space<vmem>>
    %dma_start3A_55 = tpu.memref_squeeze %dma_start3A_54 : memref<1x80x64xf32, #tpu.memory_space<vmem>> -> memref<80x64xf32, #tpu.memory_space<vmem>>
    %dma_start3A_56 = arith.constant 0 : i32
    %dma_start3A_57 = tpu.memref_slice %arg7[%dma_start3A_50, %dma_start3A_56] : memref<125x80xi32, #tpu.memory_space<vmem>> -> memref<1x80xi32, #tpu.memory_space<vmem>>
    %dma_start3A_58 = tpu.memref_squeeze %dma_start3A_57 : memref<1x80xi32, #tpu.memory_space<vmem>> -> memref<80xi32, #tpu.memory_space<vmem>>
    %dma_start3A_59 = arith.constant 0 : i32
    %dma_start3A_60 = arith.constant 0 : i32
    %dma_start3A_61 = tpu.memref_slice %arg2[%dma_start3A_59, %dma_start3A_60] : memref<10240x64xf32, #tpu.memory_space<hbm>> -> memref<10240x64xf32, #tpu.memory_space<hbm>>
    tpu.enqueue_indirect_dma source(%dma_start3A_61 : memref<10240x64xf32, #tpu.memory_space<hbm>>) target(%dma_start3A_55 : memref<80x64xf32, #tpu.memory_space<vmem>>) offsets(%dma_start3A_58 : memref<80xi32, #tpu.memory_space<vmem>>) semaphore(%arg11 : memref<!tpu.dma_semaphore, #tpu.memory_space<semaphore_mem>>)
    %dma_start3A_62 = arith.constant 5 : i32
    %dma_start3A_63 = arith.constant 5 : i32
    %dma_start3A_64 = arith.constant 0 : i32
    %dma_start3A_65 = arith.constant 0 : i32
    %dma_start3A_66 = tpu.memref_slice %arg9[%dma_start3A_63, %dma_start3A_64, %dma_start3A_65] : memref<12x80x64xf32, #tpu.memory_space<vmem>> -> memref<1x80x64xf32, #tpu.memory_space<vmem>>
    %dma_start3A_67 = tpu.memref_squeeze %dma_start3A_66 : memref<1x80x64xf32, #tpu.memory_space<vmem>> -> memref<80x64xf32, #tpu.memory_space<vmem>>
    %dma_start3A_68 = arith.constant 0 : i32
    %dma_start3A_69 = tpu.memref_slice %arg7[%dma_start3A_62, %dma_start3A_68] : memref<125x80xi32, #tpu.memory_space<vmem>> -> memref<1x80xi32, #tpu.memory_space<vmem>>
    %dma_start3A_70 = tpu.memref_squeeze %dma_start3A_69 : memref<1x80xi32, #tpu.memory_space<vmem>> -> memref<80xi32, #tpu.memory_space<vmem>>
    %dma_start3A_71 = arith.constant 0 : i32
    %dma_start3A_72 = arith.constant 0 : i32
    %dma_start3A_73 = tpu.memref_slice %arg2[%dma_start3A_71, %dma_start3A_72] : memref<10240x64xf32, #tpu.memory_space<hbm>> -> memref<10240x64xf32, #tpu.memory_space<hbm>>
    tpu.enqueue_indirect_dma source(%dma_start3A_73 : memref<10240x64xf32, #tpu.memory_space<hbm>>) target(%dma_start3A_67 : memref<80x64xf32, #tpu.memory_space<vmem>>) offsets(%dma_start3A_70 : memref<80xi32, #tpu.memory_space<vmem>>) semaphore(%arg11 : memref<!tpu.dma_semaphore, #tpu.memory_space<semaphore_mem>>)
    %scan3A = arith.constant 0 : i32
    %scan3A_74 = arith.constant 0 : i32
    %scan3A_75 = arith.constant 125 : i32
    %scan3A_76 = arith.addi %scan3A_74, %scan3A_75 : i32
    %scan3A_77 = arith.constant 1 : i32
    scf.for %scan3A_151 = %scan3A_74 to %scan3A_76 step %scan3A_77  : i32 {
      %ge3A = arith.constant 6 : i32
      %ge3A_152 = arith.cmpi sge, %scan3A_151, %ge3A : i32
      %convert_element_type3A = arith.extui %ge3A_152 : i1 to i32
      %cond3A = arith.constant 0 : i32
      %cond3A_153 = arith.cmpi ne, %convert_element_type3A, %cond3A : i32
      scf.if %cond3A_153 {
        %sub3A = arith.constant 6 : i32
        %sub3A_206 = arith.subi %scan3A_151, %sub3A : i32
        %jit3A_207 = arith.constant 12 : i32
        %eq3A_208 = arith.constant 0 : i32
        %eq3A_209 = arith.cmpi eq, %jit3A_207, %eq3A_208 : i32
        %jit3A_210 = arith.constant 1 : i32
        %select_n3A_211 = arith.select %eq3A_209, %jit3A_210, %jit3A_207 : i32
        %rem3A_212 = arith.remsi %sub3A_206, %select_n3A_211 : i32
        %ne3A_213 = arith.constant 0 : i32
        %ne3A_214 = arith.cmpi ne, %rem3A_212, %ne3A_213 : i32
        %lt3A_215 = arith.constant 0 : i32
        %lt3A_216 = arith.cmpi slt, %rem3A_212, %lt3A_215 : i32
        %lt3A_217 = arith.constant 0 : i32
        %lt3A_218 = arith.cmpi slt, %select_n3A_211, %lt3A_217 : i32
        %ne3A_219 = arith.xori %lt3A_216, %lt3A_218 : i1
        %and3A_220 = arith.andi %ne3A_219, %ne3A_214 : i1
        %add3A_221 = arith.addi %rem3A_212, %select_n3A_211 : i32
        %select_n3A_222 = arith.select %and3A_220, %add3A_221, %rem3A_212 : i32
        %dma_wait3A_223 = arith.constant 0 : i32
        %dma_wait3A_224 = arith.constant 0 : i32
        %dma_wait3A_225 = tpu.memref_slice %arg9[%select_n3A_222, %dma_wait3A_223, %dma_wait3A_224] : memref<12x80x64xf32, #tpu.memory_space<vmem>> -> memref<1x80x64xf32, #tpu.memory_space<vmem>>
        %dma_wait3A_226 = tpu.memref_squeeze %dma_wait3A_225 : memref<1x80x64xf32, #tpu.memory_space<vmem>> -> memref<80x64xf32, #tpu.memory_space<vmem>>
        %dma_wait3A_227 = arith.constant 0 : i32
        %dma_wait3A_228 = tpu.memref_slice %arg8[%sub3A_206, %dma_wait3A_227] : memref<125x80xi32, #tpu.memory_space<vmem>> -> memref<1x80xi32, #tpu.memory_space<vmem>>
        %dma_wait3A_229 = tpu.memref_squeeze %dma_wait3A_228 : memref<1x80xi32, #tpu.memory_space<vmem>> -> memref<80xi32, #tpu.memory_space<vmem>>
        %dma_wait3A_230 = arith.constant 0 : i32
        %dma_wait3A_231 = arith.constant 0 : i32
        %dma_wait3A_232 = tpu.memref_slice %arg10[%dma_wait3A_230, %dma_wait3A_231] : memref<10240x64xf32, #tpu.memory_space<vmem_shared>> -> memref<10240x64xf32, #tpu.memory_space<vmem_shared>>
        tpu.wait_indirect_dma semaphore(%arg12 : memref<!tpu.dma_semaphore, #tpu.memory_space<semaphore_mem>>) src(%dma_wait3A_226 : memref<80x64xf32, #tpu.memory_space<vmem>>) dst(%dma_wait3A_232 : memref<10240x64xf32, #tpu.memory_space<vmem_shared>>)
      } else {
      }
      %add3A_154 = arith.constant 6 : i32
      %add3A_155 = arith.addi %scan3A_151, %add3A_154 : i32
      %lt3A = arith.constant 125 : i32
      %lt3A_156 = arith.cmpi slt, %add3A_155, %lt3A : i32
      %convert_element_type3A_157 = arith.extui %lt3A_156 : i1 to i32
      %cond3A_158 = arith.constant 0 : i32
      %cond3A_159 = arith.cmpi ne, %convert_element_type3A_157, %cond3A_158 : i32
      scf.if %cond3A_159 {
        %add3A_206 = arith.constant 6 : i32
        %add3A_207 = arith.addi %scan3A_151, %add3A_206 : i32
        %jit3A_208 = arith.constant 12 : i32
        %eq3A_209 = arith.constant 0 : i32
        %eq3A_210 = arith.cmpi eq, %jit3A_208, %eq3A_209 : i32
        %jit3A_211 = arith.constant 1 : i32
        %select_n3A_212 = arith.select %eq3A_210, %jit3A_211, %jit3A_208 : i32
        %rem3A_213 = arith.remsi %add3A_207, %select_n3A_212 : i32
        %ne3A_214 = arith.constant 0 : i32
        %ne3A_215 = arith.cmpi ne, %rem3A_213, %ne3A_214 : i32
        %lt3A_216 = arith.constant 0 : i32
        %lt3A_217 = arith.cmpi slt, %rem3A_213, %lt3A_216 : i32
        %lt3A_218 = arith.constant 0 : i32
        %lt3A_219 = arith.cmpi slt, %select_n3A_212, %lt3A_218 : i32
        %ne3A_220 = arith.xori %lt3A_217, %lt3A_219 : i1
        %and3A_221 = arith.andi %ne3A_220, %ne3A_215 : i1
        %add3A_222 = arith.addi %rem3A_213, %select_n3A_212 : i32
        %select_n3A_223 = arith.select %and3A_221, %add3A_222, %rem3A_213 : i32
        %dma_start3A_224 = arith.constant 0 : i32
        %dma_start3A_225 = arith.constant 0 : i32
        %dma_start3A_226 = tpu.memref_slice %arg9[%select_n3A_223, %dma_start3A_224, %dma_start3A_225] : memref<12x80x64xf32, #tpu.memory_space<vmem>> -> memref<1x80x64xf32, #tpu.memory_space<vmem>>
        %dma_start3A_227 = tpu.memref_squeeze %dma_start3A_226 : memref<1x80x64xf32, #tpu.memory_space<vmem>> -> memref<80x64xf32, #tpu.memory_space<vmem>>
        %dma_start3A_228 = arith.constant 0 : i32
        %dma_start3A_229 = tpu.memref_slice %arg7[%add3A_207, %dma_start3A_228] : memref<125x80xi32, #tpu.memory_space<vmem>> -> memref<1x80xi32, #tpu.memory_space<vmem>>
        %dma_start3A_230 = tpu.memref_squeeze %dma_start3A_229 : memref<1x80xi32, #tpu.memory_space<vmem>> -> memref<80xi32, #tpu.memory_space<vmem>>
        %dma_start3A_231 = arith.constant 0 : i32
        %dma_start3A_232 = arith.constant 0 : i32
        %dma_start3A_233 = tpu.memref_slice %arg2[%dma_start3A_231, %dma_start3A_232] : memref<10240x64xf32, #tpu.memory_space<hbm>> -> memref<10240x64xf32, #tpu.memory_space<hbm>>
        tpu.enqueue_indirect_dma source(%dma_start3A_233 : memref<10240x64xf32, #tpu.memory_space<hbm>>) target(%dma_start3A_227 : memref<80x64xf32, #tpu.memory_space<vmem>>) offsets(%dma_start3A_230 : memref<80xi32, #tpu.memory_space<vmem>>) semaphore(%arg11 : memref<!tpu.dma_semaphore, #tpu.memory_space<semaphore_mem>>)
      } else {
      }
      %jit3A = arith.constant 12 : i32
      %eq3A = arith.constant 0 : i32
      %eq3A_160 = arith.cmpi eq, %jit3A, %eq3A : i32
      %jit3A_161 = arith.constant 1 : i32
      %select_n3A = arith.select %eq3A_160, %jit3A_161, %jit3A : i32
      %rem3A = arith.remsi %scan3A_151, %select_n3A : i32
      %ne3A = arith.constant 0 : i32
      %ne3A_162 = arith.cmpi ne, %rem3A, %ne3A : i32
      %lt3A_163 = arith.constant 0 : i32
      %lt3A_164 = arith.cmpi slt, %rem3A, %lt3A_163 : i32
      %lt3A_165 = arith.constant 0 : i32
      %lt3A_166 = arith.cmpi slt, %select_n3A, %lt3A_165 : i32
      %ne3A_167 = arith.xori %lt3A_164, %lt3A_166 : i1
      %and3A = arith.andi %ne3A_167, %ne3A_162 : i1
      %add3A_168 = arith.addi %rem3A, %select_n3A : i32
      %select_n3A_169 = arith.select %and3A, %add3A_168, %rem3A : i32
      %dma_wait3A_170 = arith.constant 0 : i32
      %dma_wait3A_171 = arith.constant 0 : i32
      %dma_wait3A_172 = tpu.memref_slice %arg9[%select_n3A_169, %dma_wait3A_170, %dma_wait3A_171] : memref<12x80x64xf32, #tpu.memory_space<vmem>> -> memref<1x80x64xf32, #tpu.memory_space<vmem>>
      %dma_wait3A_173 = tpu.memref_squeeze %dma_wait3A_172 : memref<1x80x64xf32, #tpu.memory_space<vmem>> -> memref<80x64xf32, #tpu.memory_space<vmem>>
      %dma_wait3A_174 = arith.constant 0 : i32
      %dma_wait3A_175 = tpu.memref_slice %arg7[%scan3A_151, %dma_wait3A_174] : memref<125x80xi32, #tpu.memory_space<vmem>> -> memref<1x80xi32, #tpu.memory_space<vmem>>
      %dma_wait3A_176 = tpu.memref_squeeze %dma_wait3A_175 : memref<1x80xi32, #tpu.memory_space<vmem>> -> memref<80xi32, #tpu.memory_space<vmem>>
      %dma_wait3A_177 = arith.constant 0 : i32
      %dma_wait3A_178 = arith.constant 0 : i32
      %dma_wait3A_179 = tpu.memref_slice %arg2[%dma_wait3A_177, %dma_wait3A_178] : memref<10240x64xf32, #tpu.memory_space<hbm>> -> memref<10240x64xf32, #tpu.memory_space<hbm>>
      tpu.wait_indirect_dma semaphore(%arg11 : memref<!tpu.dma_semaphore, #tpu.memory_space<semaphore_mem>>) src(%dma_wait3A_179 : memref<10240x64xf32, #tpu.memory_space<hbm>>) dst(%dma_wait3A_173 : memref<80x64xf32, #tpu.memory_space<vmem>>)
      %jit3A_180 = arith.constant 12 : i32
      %eq3A_181 = arith.constant 0 : i32
      %eq3A_182 = arith.cmpi eq, %jit3A_180, %eq3A_181 : i32
      %jit3A_183 = arith.constant 1 : i32
      %select_n3A_184 = arith.select %eq3A_182, %jit3A_183, %jit3A_180 : i32
      %rem3A_185 = arith.remsi %scan3A_151, %select_n3A_184 : i32
      %ne3A_186 = arith.constant 0 : i32
      %ne3A_187 = arith.cmpi ne, %rem3A_185, %ne3A_186 : i32
      %lt3A_188 = arith.constant 0 : i32
      %lt3A_189 = arith.cmpi slt, %rem3A_185, %lt3A_188 : i32
      %lt3A_190 = arith.constant 0 : i32
      %lt3A_191 = arith.cmpi slt, %select_n3A_184, %lt3A_190 : i32
      %ne3A_192 = arith.xori %lt3A_189, %lt3A_191 : i1
      %and3A_193 = arith.andi %ne3A_192, %ne3A_187 : i1
      %add3A_194 = arith.addi %rem3A_185, %select_n3A_184 : i32
      %select_n3A_195 = arith.select %and3A_193, %add3A_194, %rem3A_185 : i32
      %dma_start3A_196 = arith.constant 0 : i32
      %dma_start3A_197 = arith.constant 0 : i32
      %dma_start3A_198 = tpu.memref_slice %arg9[%select_n3A_195, %dma_start3A_196, %dma_start3A_197] : memref<12x80x64xf32, #tpu.memory_space<vmem>> -> memref<1x80x64xf32, #tpu.memory_space<vmem>>
      %dma_start3A_199 = tpu.memref_squeeze %dma_start3A_198 : memref<1x80x64xf32, #tpu.memory_space<vmem>> -> memref<80x64xf32, #tpu.memory_space<vmem>>
      %dma_start3A_200 = arith.constant 0 : i32
      %dma_start3A_201 = tpu.memref_slice %arg8[%scan3A_151, %dma_start3A_200] : memref<125x80xi32, #tpu.memory_space<vmem>> -> memref<1x80xi32, #tpu.memory_space<vmem>>
      %dma_start3A_202 = tpu.memref_squeeze %dma_start3A_201 : memref<1x80xi32, #tpu.memory_space<vmem>> -> memref<80xi32, #tpu.memory_space<vmem>>
      %dma_start3A_203 = arith.constant 0 : i32
      %dma_start3A_204 = arith.constant 0 : i32
      %dma_start3A_205 = tpu.memref_slice %arg10[%dma_start3A_203, %dma_start3A_204] : memref<10240x64xf32, #tpu.memory_space<vmem_shared>> -> memref<10240x64xf32, #tpu.memory_space<vmem_shared>>
      tpu.enqueue_indirect_dma source(%dma_start3A_199 : memref<80x64xf32, #tpu.memory_space<vmem>>) target(%dma_start3A_205 : memref<10240x64xf32, #tpu.memory_space<vmem_shared>>) offsets(%dma_start3A_202 : memref<80xi32, #tpu.memory_space<vmem>>) semaphore(%arg12 : memref<!tpu.dma_semaphore, #tpu.memory_space<semaphore_mem>>) {add = true}
    }
    %scan3A_78 = arith.constant 125 : i32
    %dma_wait3A = arith.constant 11 : i32
    %dma_wait3A_79 = arith.constant 119 : i32
    %dma_wait3A_80 = arith.constant 0 : i32
    %dma_wait3A_81 = arith.constant 0 : i32
    %dma_wait3A_82 = tpu.memref_slice %arg9[%dma_wait3A, %dma_wait3A_80, %dma_wait3A_81] : memref<12x80x64xf32, #tpu.memory_space<vmem>> -> memref<1x80x64xf32, #tpu.memory_space<vmem>>
    %dma_wait3A_83 = tpu.memref_squeeze %dma_wait3A_82 : memref<1x80x64xf32, #tpu.memory_space<vmem>> -> memref<80x64xf32, #tpu.memory_space<vmem>>
    %dma_wait3A_84 = arith.constant 0 : i32
    %dma_wait3A_85 = tpu.memref_slice %arg8[%dma_wait3A_79, %dma_wait3A_84] : memref<125x80xi32, #tpu.memory_space<vmem>> -> memref<1x80xi32, #tpu.memory_space<vmem>>
    %dma_wait3A_86 = tpu.memref_squeeze %dma_wait3A_85 : memref<1x80xi32, #tpu.memory_space<vmem>> -> memref<80xi32, #tpu.memory_space<vmem>>
    %dma_wait3A_87 = arith.constant 0 : i32
    %dma_wait3A_88 = arith.constant 0 : i32
    %dma_wait3A_89 = tpu.memref_slice %arg10[%dma_wait3A_87, %dma_wait3A_88] : memref<10240x64xf32, #tpu.memory_space<vmem_shared>> -> memref<10240x64xf32, #tpu.memory_space<vmem_shared>>
    tpu.wait_indirect_dma semaphore(%arg12 : memref<!tpu.dma_semaphore, #tpu.memory_space<semaphore_mem>>) src(%dma_wait3A_83 : memref<80x64xf32, #tpu.memory_space<vmem>>) dst(%dma_wait3A_89 : memref<10240x64xf32, #tpu.memory_space<vmem_shared>>)
    %dma_wait3A_90 = arith.constant 0 : i32
    %dma_wait3A_91 = arith.constant 120 : i32
    %dma_wait3A_92 = arith.constant 0 : i32
    %dma_wait3A_93 = arith.constant 0 : i32
    %dma_wait3A_94 = tpu.memref_slice %arg9[%dma_wait3A_90, %dma_wait3A_92, %dma_wait3A_93] : memref<12x80x64xf32, #tpu.memory_space<vmem>> -> memref<1x80x64xf32, #tpu.memory_space<vmem>>
    %dma_wait3A_95 = tpu.memref_squeeze %dma_wait3A_94 : memref<1x80x64xf32, #tpu.memory_space<vmem>> -> memref<80x64xf32, #tpu.memory_space<vmem>>
    %dma_wait3A_96 = arith.constant 0 : i32
    %dma_wait3A_97 = tpu.memref_slice %arg8[%dma_wait3A_91, %dma_wait3A_96] : memref<125x80xi32, #tpu.memory_space<vmem>> -> memref<1x80xi32, #tpu.memory_space<vmem>>
    %dma_wait3A_98 = tpu.memref_squeeze %dma_wait3A_97 : memref<1x80xi32, #tpu.memory_space<vmem>> -> memref<80xi32, #tpu.memory_space<vmem>>
    %dma_wait3A_99 = arith.constant 0 : i32
    %dma_wait3A_100 = arith.constant 0 : i32
    %dma_wait3A_101 = tpu.memref_slice %arg10[%dma_wait3A_99, %dma_wait3A_100] : memref<10240x64xf32, #tpu.memory_space<vmem_shared>> -> memref<10240x64xf32, #tpu.memory_space<vmem_shared>>
    tpu.wait_indirect_dma semaphore(%arg12 : memref<!tpu.dma_semaphore, #tpu.memory_space<semaphore_mem>>) src(%dma_wait3A_95 : memref<80x64xf32, #tpu.memory_space<vmem>>) dst(%dma_wait3A_101 : memref<10240x64xf32, #tpu.memory_space<vmem_shared>>)
    %dma_wait3A_102 = arith.constant 1 : i32
    %dma_wait3A_103 = arith.constant 121 : i32
    %dma_wait3A_104 = arith.constant 0 : i32
    %dma_wait3A_105 = arith.constant 0 : i32
    %dma_wait3A_106 = tpu.memref_slice %arg9[%dma_wait3A_102, %dma_wait3A_104, %dma_wait3A_105] : memref<12x80x64xf32, #tpu.memory_space<vmem>> -> memref<1x80x64xf32, #tpu.memory_space<vmem>>
    %dma_wait3A_107 = tpu.memref_squeeze %dma_wait3A_106 : memref<1x80x64xf32, #tpu.memory_space<vmem>> -> memref<80x64xf32, #tpu.memory_space<vmem>>
    %dma_wait3A_108 = arith.constant 0 : i32
    %dma_wait3A_109 = tpu.memref_slice %arg8[%dma_wait3A_103, %dma_wait3A_108] : memref<125x80xi32, #tpu.memory_space<vmem>> -> memref<1x80xi32, #tpu.memory_space<vmem>>
    %dma_wait3A_110 = tpu.memref_squeeze %dma_wait3A_109 : memref<1x80xi32, #tpu.memory_space<vmem>> -> memref<80xi32, #tpu.memory_space<vmem>>
    %dma_wait3A_111 = arith.constant 0 : i32
    %dma_wait3A_112 = arith.constant 0 : i32
    %dma_wait3A_113 = tpu.memref_slice %arg10[%dma_wait3A_111, %dma_wait3A_112] : memref<10240x64xf32, #tpu.memory_space<vmem_shared>> -> memref<10240x64xf32, #tpu.memory_space<vmem_shared>>
    tpu.wait_indirect_dma semaphore(%arg12 : memref<!tpu.dma_semaphore, #tpu.memory_space<semaphore_mem>>) src(%dma_wait3A_107 : memref<80x64xf32, #tpu.memory_space<vmem>>) dst(%dma_wait3A_113 : memref<10240x64xf32, #tpu.memory_space<vmem_shared>>)
    %dma_wait3A_114 = arith.constant 2 : i32
    %dma_wait3A_115 = arith.constant 122 : i32
    %dma_wait3A_116 = arith.constant 0 : i32
    %dma_wait3A_117 = arith.constant 0 : i32
    %dma_wait3A_118 = tpu.memref_slice %arg9[%dma_wait3A_114, %dma_wait3A_116, %dma_wait3A_117] : memref<12x80x64xf32, #tpu.memory_space<vmem>> -> memref<1x80x64xf32, #tpu.memory_space<vmem>>
    %dma_wait3A_119 = tpu.memref_squeeze %dma_wait3A_118 : memref<1x80x64xf32, #tpu.memory_space<vmem>> -> memref<80x64xf32, #tpu.memory_space<vmem>>
    %dma_wait3A_120 = arith.constant 0 : i32
    %dma_wait3A_121 = tpu.memref_slice %arg8[%dma_wait3A_115, %dma_wait3A_120] : memref<125x80xi32, #tpu.memory_space<vmem>> -> memref<1x80xi32, #tpu.memory_space<vmem>>
    %dma_wait3A_122 = tpu.memref_squeeze %dma_wait3A_121 : memref<1x80xi32, #tpu.memory_space<vmem>> -> memref<80xi32, #tpu.memory_space<vmem>>
    %dma_wait3A_123 = arith.constant 0 : i32
    %dma_wait3A_124 = arith.constant 0 : i32
    %dma_wait3A_125 = tpu.memref_slice %arg10[%dma_wait3A_123, %dma_wait3A_124] : memref<10240x64xf32, #tpu.memory_space<vmem_shared>> -> memref<10240x64xf32, #tpu.memory_space<vmem_shared>>
    tpu.wait_indirect_dma semaphore(%arg12 : memref<!tpu.dma_semaphore, #tpu.memory_space<semaphore_mem>>) src(%dma_wait3A_119 : memref<80x64xf32, #tpu.memory_space<vmem>>) dst(%dma_wait3A_125 : memref<10240x64xf32, #tpu.memory_space<vmem_shared>>)
    %dma_wait3A_126 = arith.constant 3 : i32
    %dma_wait3A_127 = arith.constant 123 : i32
    %dma_wait3A_128 = arith.constant 0 : i32
    %dma_wait3A_129 = arith.constant 0 : i32
    %dma_wait3A_130 = tpu.memref_slice %arg9[%dma_wait3A_126, %dma_wait3A_128, %dma_wait3A_129] : memref<12x80x64xf32, #tpu.memory_space<vmem>> -> memref<1x80x64xf32, #tpu.memory_space<vmem>>
    %dma_wait3A_131 = tpu.memref_squeeze %dma_wait3A_130 : memref<1x80x64xf32, #tpu.memory_space<vmem>> -> memref<80x64xf32, #tpu.memory_space<vmem>>
    %dma_wait3A_132 = arith.constant 0 : i32
    %dma_wait3A_133 = tpu.memref_slice %arg8[%dma_wait3A_127, %dma_wait3A_132] : memref<125x80xi32, #tpu.memory_space<vmem>> -> memref<1x80xi32, #tpu.memory_space<vmem>>
    %dma_wait3A_134 = tpu.memref_squeeze %dma_wait3A_133 : memref<1x80xi32, #tpu.memory_space<vmem>> -> memref<80xi32, #tpu.memory_space<vmem>>
    %dma_wait3A_135 = arith.constant 0 : i32
    %dma_wait3A_136 = arith.constant 0 : i32
    %dma_wait3A_137 = tpu.memref_slice %arg10[%dma_wait3A_135, %dma_wait3A_136] : memref<10240x64xf32, #tpu.memory_space<vmem_shared>> -> memref<10240x64xf32, #tpu.memory_space<vmem_shared>>
    tpu.wait_indirect_dma semaphore(%arg12 : memref<!tpu.dma_semaphore, #tpu.memory_space<semaphore_mem>>) src(%dma_wait3A_131 : memref<80x64xf32, #tpu.memory_space<vmem>>) dst(%dma_wait3A_137 : memref<10240x64xf32, #tpu.memory_space<vmem_shared>>)
    %dma_wait3A_138 = arith.constant 4 : i32
    %dma_wait3A_139 = arith.constant 124 : i32
    %dma_wait3A_140 = arith.constant 0 : i32
    %dma_wait3A_141 = arith.constant 0 : i32
    %dma_wait3A_142 = tpu.memref_slice %arg9[%dma_wait3A_138, %dma_wait3A_140, %dma_wait3A_141] : memref<12x80x64xf32, #tpu.memory_space<vmem>> -> memref<1x80x64xf32, #tpu.memory_space<vmem>>
    %dma_wait3A_143 = tpu.memref_squeeze %dma_wait3A_142 : memref<1x80x64xf32, #tpu.memory_space<vmem>> -> memref<80x64xf32, #tpu.memory_space<vmem>>
    %dma_wait3A_144 = arith.constant 0 : i32
    %dma_wait3A_145 = tpu.memref_slice %arg8[%dma_wait3A_139, %dma_wait3A_144] : memref<125x80xi32, #tpu.memory_space<vmem>> -> memref<1x80xi32, #tpu.memory_space<vmem>>
    %dma_wait3A_146 = tpu.memref_squeeze %dma_wait3A_145 : memref<1x80xi32, #tpu.memory_space<vmem>> -> memref<80xi32, #tpu.memory_space<vmem>>
    %dma_wait3A_147 = arith.constant 0 : i32
    %dma_wait3A_148 = arith.constant 0 : i32
    %dma_wait3A_149 = tpu.memref_slice %arg10[%dma_wait3A_147, %dma_wait3A_148] : memref<10240x64xf32, #tpu.memory_space<vmem_shared>> -> memref<10240x64xf32, #tpu.memory_space<vmem_shared>>
    tpu.wait_indirect_dma semaphore(%arg12 : memref<!tpu.dma_semaphore, #tpu.memory_space<semaphore_mem>>) src(%dma_wait3A_143 : memref<80x64xf32, #tpu.memory_space<vmem>>) dst(%dma_wait3A_149 : memref<10240x64xf32, #tpu.memory_space<vmem_shared>>)
    %barrier3A_150 = arith.constant 0 : index
    tpu.barrier barrier_id(%barrier3A_150)
    "tpu.region"() ({
      %run_scoped3A = tpu.sem_alloc : memref<!tpu.dma_semaphore, #tpu.memory_space<semaphore_mem>>
      %dma_start3A_151 = arith.constant 0 : i32
      %dma_start3A_152 = tpu.memref_slice %arg6[%arg0, %mul3A_2, %dma_start3A_151] : memref<2x10240x64xf32, #tpu.memory_space<hbm>> -> memref<1x640x64xf32, #tpu.memory_space<hbm>>
      %dma_start3A_153 = tpu.memref_squeeze %dma_start3A_152 : memref<1x640x64xf32, #tpu.memory_space<hbm>> -> memref<640x64xf32, #tpu.memory_space<hbm>>
      %dma_start3A_154 = arith.constant 0 : i32
      %dma_start3A_155 = tpu.memref_slice %arg10[%mul3A_2, %dma_start3A_154] : memref<10240x64xf32, #tpu.memory_space<vmem_shared>> -> memref<640x64xf32, #tpu.memory_space<vmem_shared>>
      tpu.enqueue_dma source(%dma_start3A_155 : memref<640x64xf32, #tpu.memory_space<vmem_shared>>) target(%dma_start3A_153 : memref<640x64xf32, #tpu.memory_space<hbm>>) target_semaphore(%run_scoped3A : memref<!tpu.dma_semaphore, #tpu.memory_space<semaphore_mem>>)
      %dma_wait3A_156 = arith.constant 0 : i32
      %dma_wait3A_157 = tpu.memref_slice %arg6[%arg0, %mul3A_2, %dma_wait3A_156] : memref<2x10240x64xf32, #tpu.memory_space<hbm>> -> memref<1x640x64xf32, #tpu.memory_space<hbm>>
      %dma_wait3A_158 = tpu.memref_squeeze %dma_wait3A_157 : memref<1x640x64xf32, #tpu.memory_space<hbm>> -> memref<640x64xf32, #tpu.memory_space<hbm>>
      %dma_wait3A_159 = arith.constant 0 : i32
      %dma_wait3A_160 = tpu.memref_slice %arg10[%mul3A_2, %dma_wait3A_159] : memref<10240x64xf32, #tpu.memory_space<vmem_shared>> -> memref<640x64xf32, #tpu.memory_space<vmem_shared>>
      tpu.wait_dma2 semaphore(%run_scoped3A : memref<!tpu.dma_semaphore, #tpu.memory_space<semaphore_mem>>) src(%dma_wait3A_160 : memref<640x64xf32, #tpu.memory_space<vmem_shared>>) dst(%dma_wait3A_158 : memref<640x64xf32, #tpu.memory_space<hbm>>)
      tpu.yield
    }) : () -> ()
    return
  }
}

#map = affine_map<(d0, d1) -> (0, 0)>
#map1 = affine_map<(d0, d1) -> (0, 0, 0)>
module attributes {stable_mosaic.version = 14 : i64} {
  func.func @_edge_kernel(%arg0: i32, %arg1: i32, %arg2: memref<10240x64xf32, #tpu.memory_space<hbm>>, %arg3: memref<32x125x80xi32, #tpu.memory_space<hbm>>, %arg4: memref<32x125x80xi32, #tpu.memory_space<hbm>>, %arg5: memref<640x64xf32, #tpu.memory_space<hbm>>, %arg6: memref<2x10240x64xf32, #tpu.memory_space<hbm>>, %arg7: memref<125x80xi32, #tpu.memory_space<vmem>>, %arg8: memref<125x80xi32, #tpu.memory_space<vmem>>, %arg9: memref<12x80x64xf32, #tpu.memory_space<vmem>>, %arg10: memref<10240x64xf32, #tpu.memory_space<vmem_shared>>, %arg11: memref<!tpu.dma_semaphore, #tpu.memory_space<semaphore_mem>>, %arg12: memref<!tpu.dma_semaphore, #tpu.memory_space<semaphore_mem>>) attributes {dimension_semantics = [#tpu.dimension_semantics<core_parallel>, #tpu.dimension_semantics<subcore_parallel>], iteration_bounds = array<i64: 2, 16>, scalar_prefetch = 0 : i64, scratch_operands = 6 : i64, tpu.core_type = #tpu.core_type<sc_vector_subcore>, window_params = [{transform_indices = #map}, {transform_indices = #map1}, {transform_indices = #map1}, {transform_indices = #map}, {transform_indices = #map1}]} {
    %mul3A = arith.constant 16 : i32
    %mul3A_0 = arith.muli %arg0, %mul3A : i32
    %add3A = arith.addi %mul3A_0, %arg1 : i32
    %mul3A_1 = arith.constant 640 : i32
    %mul3A_2 = arith.muli %arg1, %mul3A_1 : i32
    "tpu.region"() ({
      %run_scoped3A = tpu.sem_alloc : memref<!tpu.dma_semaphore, #tpu.memory_space<semaphore_mem>>
      %dma_start3A_151 = arith.constant 0 : i32
      %dma_start3A_152 = tpu.memref_slice %arg10[%mul3A_2, %dma_start3A_151] : memref<10240x64xf32, #tpu.memory_space<vmem_shared>> -> memref<640x64xf32, #tpu.memory_space<vmem_shared>>
      tpu.enqueue_dma source(%arg5 : memref<640x64xf32, #tpu.memory_space<hbm>>) target(%dma_start3A_152 : memref<640x64xf32, #tpu.memory_space<vmem_shared>>) target_semaphore(%run_scoped3A : memref<!tpu.dma_semaphore, #tpu.memory_space<semaphore_mem>>)
      %dma_wait3A_153 = arith.constant 0 : i32
      %dma_wait3A_154 = tpu.memref_slice %arg10[%mul3A_2, %dma_wait3A_153] : memref<10240x64xf32, #tpu.memory_space<vmem_shared>> -> memref<640x64xf32, #tpu.memory_space<vmem_shared>>
      tpu.wait_dma2 semaphore(%run_scoped3A : memref<!tpu.dma_semaphore, #tpu.memory_space<semaphore_mem>>) src(%arg5 : memref<640x64xf32, #tpu.memory_space<hbm>>) dst(%dma_wait3A_154 : memref<640x64xf32, #tpu.memory_space<vmem_shared>>)
      tpu.yield
    }) : () -> ()
    "tpu.region"() ({
      %run_scoped3A = tpu.sem_alloc : memref<!tpu.dma_semaphore, #tpu.memory_space<semaphore_mem>>
      %dma_start3A_151 = arith.constant 0 : i32
      %dma_start3A_152 = arith.constant 0 : i32
      %dma_start3A_153 = tpu.memref_slice %arg3[%add3A, %dma_start3A_151, %dma_start3A_152] : memref<32x125x80xi32, #tpu.memory_space<hbm>> -> memref<1x125x80xi32, #tpu.memory_space<hbm>>
      %dma_start3A_154 = tpu.memref_squeeze %dma_start3A_153 : memref<1x125x80xi32, #tpu.memory_space<hbm>> -> memref<125x80xi32, #tpu.memory_space<hbm>>
      %dma_start3A_155 = arith.constant 0 : i32
      %dma_start3A_156 = arith.constant 0 : i32
      %dma_start3A_157 = tpu.memref_slice %arg3[%add3A, %dma_start3A_155, %dma_start3A_156] : memref<32x125x80xi32, #tpu.memory_space<hbm>> -> memref<1x125x80xi32, #tpu.memory_space<hbm>>
      %dma_start3A_158 = tpu.memref_squeeze %dma_start3A_157 : memref<1x125x80xi32, #tpu.memory_space<hbm>> -> memref<125x80xi32, #tpu.memory_space<hbm>>
      tpu.enqueue_dma source(%dma_start3A_158 : memref<125x80xi32, #tpu.memory_space<hbm>>) target(%arg7 : memref<125x80xi32, #tpu.memory_space<vmem>>) target_semaphore(%run_scoped3A : memref<!tpu.dma_semaphore, #tpu.memory_space<semaphore_mem>>)
      %dma_wait3A_159 = arith.constant 0 : i32
      %dma_wait3A_160 = arith.constant 0 : i32
      %dma_wait3A_161 = tpu.memref_slice %arg3[%add3A, %dma_wait3A_159, %dma_wait3A_160] : memref<32x125x80xi32, #tpu.memory_space<hbm>> -> memref<1x125x80xi32, #tpu.memory_space<hbm>>
      %dma_wait3A_162 = tpu.memref_squeeze %dma_wait3A_161 : memref<1x125x80xi32, #tpu.memory_space<hbm>> -> memref<125x80xi32, #tpu.memory_space<hbm>>
      %dma_wait3A_163 = arith.constant 0 : i32
      %dma_wait3A_164 = arith.constant 0 : i32
      %dma_wait3A_165 = tpu.memref_slice %arg3[%add3A, %dma_wait3A_163, %dma_wait3A_164] : memref<32x125x80xi32, #tpu.memory_space<hbm>> -> memref<1x125x80xi32, #tpu.memory_space<hbm>>
      %dma_wait3A_166 = tpu.memref_squeeze %dma_wait3A_165 : memref<1x125x80xi32, #tpu.memory_space<hbm>> -> memref<125x80xi32, #tpu.memory_space<hbm>>
      tpu.wait_dma2 semaphore(%run_scoped3A : memref<!tpu.dma_semaphore, #tpu.memory_space<semaphore_mem>>) src(%dma_wait3A_166 : memref<125x80xi32, #tpu.memory_space<hbm>>) dst(%arg7 : memref<125x80xi32, #tpu.memory_space<vmem>>)
      tpu.yield
    }) : () -> ()
    "tpu.region"() ({
      %run_scoped3A = tpu.sem_alloc : memref<!tpu.dma_semaphore, #tpu.memory_space<semaphore_mem>>
      %dma_start3A_151 = arith.constant 0 : i32
      %dma_start3A_152 = arith.constant 0 : i32
      %dma_start3A_153 = tpu.memref_slice %arg4[%add3A, %dma_start3A_151, %dma_start3A_152] : memref<32x125x80xi32, #tpu.memory_space<hbm>> -> memref<1x125x80xi32, #tpu.memory_space<hbm>>
      %dma_start3A_154 = tpu.memref_squeeze %dma_start3A_153 : memref<1x125x80xi32, #tpu.memory_space<hbm>> -> memref<125x80xi32, #tpu.memory_space<hbm>>
      %dma_start3A_155 = arith.constant 0 : i32
      %dma_start3A_156 = arith.constant 0 : i32
      %dma_start3A_157 = tpu.memref_slice %arg4[%add3A, %dma_start3A_155, %dma_start3A_156] : memref<32x125x80xi32, #tpu.memory_space<hbm>> -> memref<1x125x80xi32, #tpu.memory_space<hbm>>
      %dma_start3A_158 = tpu.memref_squeeze %dma_start3A_157 : memref<1x125x80xi32, #tpu.memory_space<hbm>> -> memref<125x80xi32, #tpu.memory_space<hbm>>
      tpu.enqueue_dma source(%dma_start3A_158 : memref<125x80xi32, #tpu.memory_space<hbm>>) target(%arg8 : memref<125x80xi32, #tpu.memory_space<vmem>>) target_semaphore(%run_scoped3A : memref<!tpu.dma_semaphore, #tpu.memory_space<semaphore_mem>>)
      %dma_wait3A_159 = arith.constant 0 : i32
      %dma_wait3A_160 = arith.constant 0 : i32
      %dma_wait3A_161 = tpu.memref_slice %arg4[%add3A, %dma_wait3A_159, %dma_wait3A_160] : memref<32x125x80xi32, #tpu.memory_space<hbm>> -> memref<1x125x80xi32, #tpu.memory_space<hbm>>
      %dma_wait3A_162 = tpu.memref_squeeze %dma_wait3A_161 : memref<1x125x80xi32, #tpu.memory_space<hbm>> -> memref<125x80xi32, #tpu.memory_space<hbm>>
      %dma_wait3A_163 = arith.constant 0 : i32
      %dma_wait3A_164 = arith.constant 0 : i32
      %dma_wait3A_165 = tpu.memref_slice %arg4[%add3A, %dma_wait3A_163, %dma_wait3A_164] : memref<32x125x80xi32, #tpu.memory_space<hbm>> -> memref<1x125x80xi32, #tpu.memory_space<hbm>>
      %dma_wait3A_166 = tpu.memref_squeeze %dma_wait3A_165 : memref<1x125x80xi32, #tpu.memory_space<hbm>> -> memref<125x80xi32, #tpu.memory_space<hbm>>
      tpu.wait_dma2 semaphore(%run_scoped3A : memref<!tpu.dma_semaphore, #tpu.memory_space<semaphore_mem>>) src(%dma_wait3A_166 : memref<125x80xi32, #tpu.memory_space<hbm>>) dst(%arg8 : memref<125x80xi32, #tpu.memory_space<vmem>>)
      tpu.yield
    }) : () -> ()
    %barrier3A = arith.constant 0 : index
    tpu.barrier barrier_id(%barrier3A)
    %dma_start3A = arith.constant 0 : i32
    %dma_start3A_3 = arith.constant 0 : i32
    %dma_start3A_4 = arith.constant 0 : i32
    %dma_start3A_5 = arith.constant 0 : i32
    %dma_start3A_6 = tpu.memref_slice %arg9[%dma_start3A_3, %dma_start3A_4, %dma_start3A_5] : memref<12x80x64xf32, #tpu.memory_space<vmem>> -> memref<1x80x64xf32, #tpu.memory_space<vmem>>
    %dma_start3A_7 = tpu.memref_squeeze %dma_start3A_6 : memref<1x80x64xf32, #tpu.memory_space<vmem>> -> memref<80x64xf32, #tpu.memory_space<vmem>>
    %dma_start3A_8 = arith.constant 0 : i32
    %dma_start3A_9 = tpu.memref_slice %arg7[%dma_start3A, %dma_start3A_8] : memref<125x80xi32, #tpu.memory_space<vmem>> -> memref<1x80xi32, #tpu.memory_space<vmem>>
    %dma_start3A_10 = tpu.memref_squeeze %dma_start3A_9 : memref<1x80xi32, #tpu.memory_space<vmem>> -> memref<80xi32, #tpu.memory_space<vmem>>
    %dma_start3A_11 = arith.constant 0 : i32
    %dma_start3A_12 = arith.constant 0 : i32
    %dma_start3A_13 = tpu.memref_slice %arg2[%dma_start3A_11, %dma_start3A_12] : memref<10240x64xf32, #tpu.memory_space<hbm>> -> memref<10240x64xf32, #tpu.memory_space<hbm>>
    tpu.enqueue_indirect_dma source(%dma_start3A_13 : memref<10240x64xf32, #tpu.memory_space<hbm>>) target(%dma_start3A_7 : memref<80x64xf32, #tpu.memory_space<vmem>>) offsets(%dma_start3A_10 : memref<80xi32, #tpu.memory_space<vmem>>) semaphore(%arg11 : memref<!tpu.dma_semaphore, #tpu.memory_space<semaphore_mem>>)
    %dma_start3A_14 = arith.constant 1 : i32
    %dma_start3A_15 = arith.constant 1 : i32
    %dma_start3A_16 = arith.constant 0 : i32
    %dma_start3A_17 = arith.constant 0 : i32
    %dma_start3A_18 = tpu.memref_slice %arg9[%dma_start3A_15, %dma_start3A_16, %dma_start3A_17] : memref<12x80x64xf32, #tpu.memory_space<vmem>> -> memref<1x80x64xf32, #tpu.memory_space<vmem>>
    %dma_start3A_19 = tpu.memref_squeeze %dma_start3A_18 : memref<1x80x64xf32, #tpu.memory_space<vmem>> -> memref<80x64xf32, #tpu.memory_space<vmem>>
    %dma_start3A_20 = arith.constant 0 : i32
    %dma_start3A_21 = tpu.memref_slice %arg7[%dma_start3A_14, %dma_start3A_20] : memref<125x80xi32, #tpu.memory_space<vmem>> -> memref<1x80xi32, #tpu.memory_space<vmem>>
    %dma_start3A_22 = tpu.memref_squeeze %dma_start3A_21 : memref<1x80xi32, #tpu.memory_space<vmem>> -> memref<80xi32, #tpu.memory_space<vmem>>
    %dma_start3A_23 = arith.constant 0 : i32
    %dma_start3A_24 = arith.constant 0 : i32
    %dma_start3A_25 = tpu.memref_slice %arg2[%dma_start3A_23, %dma_start3A_24] : memref<10240x64xf32, #tpu.memory_space<hbm>> -> memref<10240x64xf32, #tpu.memory_space<hbm>>
    tpu.enqueue_indirect_dma source(%dma_start3A_25 : memref<10240x64xf32, #tpu.memory_space<hbm>>) target(%dma_start3A_19 : memref<80x64xf32, #tpu.memory_space<vmem>>) offsets(%dma_start3A_22 : memref<80xi32, #tpu.memory_space<vmem>>) semaphore(%arg11 : memref<!tpu.dma_semaphore, #tpu.memory_space<semaphore_mem>>)
    %dma_start3A_26 = arith.constant 2 : i32
    %dma_start3A_27 = arith.constant 2 : i32
    %dma_start3A_28 = arith.constant 0 : i32
    %dma_start3A_29 = arith.constant 0 : i32
    %dma_start3A_30 = tpu.memref_slice %arg9[%dma_start3A_27, %dma_start3A_28, %dma_start3A_29] : memref<12x80x64xf32, #tpu.memory_space<vmem>> -> memref<1x80x64xf32, #tpu.memory_space<vmem>>
    %dma_start3A_31 = tpu.memref_squeeze %dma_start3A_30 : memref<1x80x64xf32, #tpu.memory_space<vmem>> -> memref<80x64xf32, #tpu.memory_space<vmem>>
    %dma_start3A_32 = arith.constant 0 : i32
    %dma_start3A_33 = tpu.memref_slice %arg7[%dma_start3A_26, %dma_start3A_32] : memref<125x80xi32, #tpu.memory_space<vmem>> -> memref<1x80xi32, #tpu.memory_space<vmem>>
    %dma_start3A_34 = tpu.memref_squeeze %dma_start3A_33 : memref<1x80xi32, #tpu.memory_space<vmem>> -> memref<80xi32, #tpu.memory_space<vmem>>
    %dma_start3A_35 = arith.constant 0 : i32
    %dma_start3A_36 = arith.constant 0 : i32
    %dma_start3A_37 = tpu.memref_slice %arg2[%dma_start3A_35, %dma_start3A_36] : memref<10240x64xf32, #tpu.memory_space<hbm>> -> memref<10240x64xf32, #tpu.memory_space<hbm>>
    tpu.enqueue_indirect_dma source(%dma_start3A_37 : memref<10240x64xf32, #tpu.memory_space<hbm>>) target(%dma_start3A_31 : memref<80x64xf32, #tpu.memory_space<vmem>>) offsets(%dma_start3A_34 : memref<80xi32, #tpu.memory_space<vmem>>) semaphore(%arg11 : memref<!tpu.dma_semaphore, #tpu.memory_space<semaphore_mem>>)
    %dma_start3A_38 = arith.constant 3 : i32
    %dma_start3A_39 = arith.constant 3 : i32
    %dma_start3A_40 = arith.constant 0 : i32
    %dma_start3A_41 = arith.constant 0 : i32
    %dma_start3A_42 = tpu.memref_slice %arg9[%dma_start3A_39, %dma_start3A_40, %dma_start3A_41] : memref<12x80x64xf32, #tpu.memory_space<vmem>> -> memref<1x80x64xf32, #tpu.memory_space<vmem>>
    %dma_start3A_43 = tpu.memref_squeeze %dma_start3A_42 : memref<1x80x64xf32, #tpu.memory_space<vmem>> -> memref<80x64xf32, #tpu.memory_space<vmem>>
    %dma_start3A_44 = arith.constant 0 : i32
    %dma_start3A_45 = tpu.memref_slice %arg7[%dma_start3A_38, %dma_start3A_44] : memref<125x80xi32, #tpu.memory_space<vmem>> -> memref<1x80xi32, #tpu.memory_space<vmem>>
    %dma_start3A_46 = tpu.memref_squeeze %dma_start3A_45 : memref<1x80xi32, #tpu.memory_space<vmem>> -> memref<80xi32, #tpu.memory_space<vmem>>
    %dma_start3A_47 = arith.constant 0 : i32
    %dma_start3A_48 = arith.constant 0 : i32
    %dma_start3A_49 = tpu.memref_slice %arg2[%dma_start3A_47, %dma_start3A_48] : memref<10240x64xf32, #tpu.memory_space<hbm>> -> memref<10240x64xf32, #tpu.memory_space<hbm>>
    tpu.enqueue_indirect_dma source(%dma_start3A_49 : memref<10240x64xf32, #tpu.memory_space<hbm>>) target(%dma_start3A_43 : memref<80x64xf32, #tpu.memory_space<vmem>>) offsets(%dma_start3A_46 : memref<80xi32, #tpu.memory_space<vmem>>) semaphore(%arg11 : memref<!tpu.dma_semaphore, #tpu.memory_space<semaphore_mem>>)
    %dma_start3A_50 = arith.constant 4 : i32
    %dma_start3A_51 = arith.constant 4 : i32
    %dma_start3A_52 = arith.constant 0 : i32
    %dma_start3A_53 = arith.constant 0 : i32
    %dma_start3A_54 = tpu.memref_slice %arg9[%dma_start3A_51, %dma_start3A_52, %dma_start3A_53] : memref<12x80x64xf32, #tpu.memory_space<vmem>> -> memref<1x80x64xf32, #tpu.memory_space<vmem>>
    %dma_start3A_55 = tpu.memref_squeeze %dma_start3A_54 : memref<1x80x64xf32, #tpu.memory_space<vmem>> -> memref<80x64xf32, #tpu.memory_space<vmem>>
    %dma_start3A_56 = arith.constant 0 : i32
    %dma_start3A_57 = tpu.memref_slice %arg7[%dma_start3A_50, %dma_start3A_56] : memref<125x80xi32, #tpu.memory_space<vmem>> -> memref<1x80xi32, #tpu.memory_space<vmem>>
    %dma_start3A_58 = tpu.memref_squeeze %dma_start3A_57 : memref<1x80xi32, #tpu.memory_space<vmem>> -> memref<80xi32, #tpu.memory_space<vmem>>
    %dma_start3A_59 = arith.constant 0 : i32
    %dma_start3A_60 = arith.constant 0 : i32
    %dma_start3A_61 = tpu.memref_slice %arg2[%dma_start3A_59, %dma_start3A_60] : memref<10240x64xf32, #tpu.memory_space<hbm>> -> memref<10240x64xf32, #tpu.memory_space<hbm>>
    tpu.enqueue_indirect_dma source(%dma_start3A_61 : memref<10240x64xf32, #tpu.memory_space<hbm>>) target(%dma_start3A_55 : memref<80x64xf32, #tpu.memory_space<vmem>>) offsets(%dma_start3A_58 : memref<80xi32, #tpu.memory_space<vmem>>) semaphore(%arg11 : memref<!tpu.dma_semaphore, #tpu.memory_space<semaphore_mem>>)
    %dma_start3A_62 = arith.constant 5 : i32
    %dma_start3A_63 = arith.constant 5 : i32
    %dma_start3A_64 = arith.constant 0 : i32
    %dma_start3A_65 = arith.constant 0 : i32
    %dma_start3A_66 = tpu.memref_slice %arg9[%dma_start3A_63, %dma_start3A_64, %dma_start3A_65] : memref<12x80x64xf32, #tpu.memory_space<vmem>> -> memref<1x80x64xf32, #tpu.memory_space<vmem>>
    %dma_start3A_67 = tpu.memref_squeeze %dma_start3A_66 : memref<1x80x64xf32, #tpu.memory_space<vmem>> -> memref<80x64xf32, #tpu.memory_space<vmem>>
    %dma_start3A_68 = arith.constant 0 : i32
    %dma_start3A_69 = tpu.memref_slice %arg7[%dma_start3A_62, %dma_start3A_68] : memref<125x80xi32, #tpu.memory_space<vmem>> -> memref<1x80xi32, #tpu.memory_space<vmem>>
    %dma_start3A_70 = tpu.memref_squeeze %dma_start3A_69 : memref<1x80xi32, #tpu.memory_space<vmem>> -> memref<80xi32, #tpu.memory_space<vmem>>
    %dma_start3A_71 = arith.constant 0 : i32
    %dma_start3A_72 = arith.constant 0 : i32
    %dma_start3A_73 = tpu.memref_slice %arg2[%dma_start3A_71, %dma_start3A_72] : memref<10240x64xf32, #tpu.memory_space<hbm>> -> memref<10240x64xf32, #tpu.memory_space<hbm>>
    tpu.enqueue_indirect_dma source(%dma_start3A_73 : memref<10240x64xf32, #tpu.memory_space<hbm>>) target(%dma_start3A_67 : memref<80x64xf32, #tpu.memory_space<vmem>>) offsets(%dma_start3A_70 : memref<80xi32, #tpu.memory_space<vmem>>) semaphore(%arg11 : memref<!tpu.dma_semaphore, #tpu.memory_space<semaphore_mem>>)
    %scan3A = arith.constant 0 : i32
    %scan3A_74 = arith.constant 0 : i32
    %scan3A_75 = arith.constant 125 : i32
    %scan3A_76 = arith.addi %scan3A_74, %scan3A_75 : i32
    %scan3A_77 = arith.constant 1 : i32
    scf.for %scan3A_151 = %scan3A_74 to %scan3A_76 step %scan3A_77  : i32 {
      %ge3A = arith.constant 6 : i32
      %ge3A_152 = arith.cmpi sge, %scan3A_151, %ge3A : i32
      %convert_element_type3A = arith.extui %ge3A_152 : i1 to i32
      %cond3A = arith.constant 0 : i32
      %cond3A_153 = arith.cmpi ne, %convert_element_type3A, %cond3A : i32
      scf.if %cond3A_153 {
        %sub3A = arith.constant 6 : i32
        %sub3A_206 = arith.subi %scan3A_151, %sub3A : i32
        %jit3A_207 = arith.constant 12 : i32
        %eq3A_208 = arith.constant 0 : i32
        %eq3A_209 = arith.cmpi eq, %jit3A_207, %eq3A_208 : i32
        %jit3A_210 = arith.constant 1 : i32
        %select_n3A_211 = arith.select %eq3A_209, %jit3A_210, %jit3A_207 : i32
        %rem3A_212 = arith.remsi %sub3A_206, %select_n3A_211 : i32
        %ne3A_213 = arith.constant 0 : i32
        %ne3A_214 = arith.cmpi ne, %rem3A_212, %ne3A_213 : i32
        %lt3A_215 = arith.constant 0 : i32
        %lt3A_216 = arith.cmpi slt, %rem3A_212, %lt3A_215 : i32
        %lt3A_217 = arith.constant 0 : i32
        %lt3A_218 = arith.cmpi slt, %select_n3A_211, %lt3A_217 : i32
        %ne3A_219 = arith.xori %lt3A_216, %lt3A_218 : i1
        %and3A_220 = arith.andi %ne3A_219, %ne3A_214 : i1
        %add3A_221 = arith.addi %rem3A_212, %select_n3A_211 : i32
        %select_n3A_222 = arith.select %and3A_220, %add3A_221, %rem3A_212 : i32
        %dma_wait3A_223 = arith.constant 0 : i32
        %dma_wait3A_224 = arith.constant 0 : i32
        %dma_wait3A_225 = tpu.memref_slice %arg9[%select_n3A_222, %dma_wait3A_223, %dma_wait3A_224] : memref<12x80x64xf32, #tpu.memory_space<vmem>> -> memref<1x80x64xf32, #tpu.memory_space<vmem>>
        %dma_wait3A_226 = tpu.memref_squeeze %dma_wait3A_225 : memref<1x80x64xf32, #tpu.memory_space<vmem>> -> memref<80x64xf32, #tpu.memory_space<vmem>>
        %dma_wait3A_227 = arith.constant 0 : i32
        %dma_wait3A_228 = tpu.memref_slice %arg8[%sub3A_206, %dma_wait3A_227] : memref<125x80xi32, #tpu.memory_space<vmem>> -> memref<1x80xi32, #tpu.memory_space<vmem>>
        %dma_wait3A_229 = tpu.memref_squeeze %dma_wait3A_228 : memref<1x80xi32, #tpu.memory_space<vmem>> -> memref<80xi32, #tpu.memory_space<vmem>>
        %dma_wait3A_230 = arith.constant 0 : i32
        %dma_wait3A_231 = arith.constant 0 : i32
        %dma_wait3A_232 = tpu.memref_slice %arg10[%dma_wait3A_230, %dma_wait3A_231] : memref<10240x64xf32, #tpu.memory_space<vmem_shared>> -> memref<10240x64xf32, #tpu.memory_space<vmem_shared>>
        tpu.wait_indirect_dma semaphore(%arg12 : memref<!tpu.dma_semaphore, #tpu.memory_space<semaphore_mem>>) src(%dma_wait3A_226 : memref<80x64xf32, #tpu.memory_space<vmem>>) dst(%dma_wait3A_232 : memref<10240x64xf32, #tpu.memory_space<vmem_shared>>)
      } else {
      }
      %add3A_154 = arith.constant 6 : i32
      %add3A_155 = arith.addi %scan3A_151, %add3A_154 : i32
      %lt3A = arith.constant 125 : i32
      %lt3A_156 = arith.cmpi slt, %add3A_155, %lt3A : i32
      %convert_element_type3A_157 = arith.extui %lt3A_156 : i1 to i32
      %cond3A_158 = arith.constant 0 : i32
      %cond3A_159 = arith.cmpi ne, %convert_element_type3A_157, %cond3A_158 : i32
      scf.if %cond3A_159 {
        %add3A_206 = arith.constant 6 : i32
        %add3A_207 = arith.addi %scan3A_151, %add3A_206 : i32
        %jit3A_208 = arith.constant 12 : i32
        %eq3A_209 = arith.constant 0 : i32
        %eq3A_210 = arith.cmpi eq, %jit3A_208, %eq3A_209 : i32
        %jit3A_211 = arith.constant 1 : i32
        %select_n3A_212 = arith.select %eq3A_210, %jit3A_211, %jit3A_208 : i32
        %rem3A_213 = arith.remsi %add3A_207, %select_n3A_212 : i32
        %ne3A_214 = arith.constant 0 : i32
        %ne3A_215 = arith.cmpi ne, %rem3A_213, %ne3A_214 : i32
        %lt3A_216 = arith.constant 0 : i32
        %lt3A_217 = arith.cmpi slt, %rem3A_213, %lt3A_216 : i32
        %lt3A_218 = arith.constant 0 : i32
        %lt3A_219 = arith.cmpi slt, %select_n3A_212, %lt3A_218 : i32
        %ne3A_220 = arith.xori %lt3A_217, %lt3A_219 : i1
        %and3A_221 = arith.andi %ne3A_220, %ne3A_215 : i1
        %add3A_222 = arith.addi %rem3A_213, %select_n3A_212 : i32
        %select_n3A_223 = arith.select %and3A_221, %add3A_222, %rem3A_213 : i32
        %dma_start3A_224 = arith.constant 0 : i32
        %dma_start3A_225 = arith.constant 0 : i32
        %dma_start3A_226 = tpu.memref_slice %arg9[%select_n3A_223, %dma_start3A_224, %dma_start3A_225] : memref<12x80x64xf32, #tpu.memory_space<vmem>> -> memref<1x80x64xf32, #tpu.memory_space<vmem>>
        %dma_start3A_227 = tpu.memref_squeeze %dma_start3A_226 : memref<1x80x64xf32, #tpu.memory_space<vmem>> -> memref<80x64xf32, #tpu.memory_space<vmem>>
        %dma_start3A_228 = arith.constant 0 : i32
        %dma_start3A_229 = tpu.memref_slice %arg7[%add3A_207, %dma_start3A_228] : memref<125x80xi32, #tpu.memory_space<vmem>> -> memref<1x80xi32, #tpu.memory_space<vmem>>
        %dma_start3A_230 = tpu.memref_squeeze %dma_start3A_229 : memref<1x80xi32, #tpu.memory_space<vmem>> -> memref<80xi32, #tpu.memory_space<vmem>>
        %dma_start3A_231 = arith.constant 0 : i32
        %dma_start3A_232 = arith.constant 0 : i32
        %dma_start3A_233 = tpu.memref_slice %arg2[%dma_start3A_231, %dma_start3A_232] : memref<10240x64xf32, #tpu.memory_space<hbm>> -> memref<10240x64xf32, #tpu.memory_space<hbm>>
        tpu.enqueue_indirect_dma source(%dma_start3A_233 : memref<10240x64xf32, #tpu.memory_space<hbm>>) target(%dma_start3A_227 : memref<80x64xf32, #tpu.memory_space<vmem>>) offsets(%dma_start3A_230 : memref<80xi32, #tpu.memory_space<vmem>>) semaphore(%arg11 : memref<!tpu.dma_semaphore, #tpu.memory_space<semaphore_mem>>)
      } else {
      }
      %jit3A = arith.constant 12 : i32
      %eq3A = arith.constant 0 : i32
      %eq3A_160 = arith.cmpi eq, %jit3A, %eq3A : i32
      %jit3A_161 = arith.constant 1 : i32
      %select_n3A = arith.select %eq3A_160, %jit3A_161, %jit3A : i32
      %rem3A = arith.remsi %scan3A_151, %select_n3A : i32
      %ne3A = arith.constant 0 : i32
      %ne3A_162 = arith.cmpi ne, %rem3A, %ne3A : i32
      %lt3A_163 = arith.constant 0 : i32
      %lt3A_164 = arith.cmpi slt, %rem3A, %lt3A_163 : i32
      %lt3A_165 = arith.constant 0 : i32
      %lt3A_166 = arith.cmpi slt, %select_n3A, %lt3A_165 : i32
      %ne3A_167 = arith.xori %lt3A_164, %lt3A_166 : i1
      %and3A = arith.andi %ne3A_167, %ne3A_162 : i1
      %add3A_168 = arith.addi %rem3A, %select_n3A : i32
      %select_n3A_169 = arith.select %and3A, %add3A_168, %rem3A : i32
      %dma_wait3A_170 = arith.constant 0 : i32
      %dma_wait3A_171 = arith.constant 0 : i32
      %dma_wait3A_172 = tpu.memref_slice %arg9[%select_n3A_169, %dma_wait3A_170, %dma_wait3A_171] : memref<12x80x64xf32, #tpu.memory_space<vmem>> -> memref<1x80x64xf32, #tpu.memory_space<vmem>>
      %dma_wait3A_173 = tpu.memref_squeeze %dma_wait3A_172 : memref<1x80x64xf32, #tpu.memory_space<vmem>> -> memref<80x64xf32, #tpu.memory_space<vmem>>
      %dma_wait3A_174 = arith.constant 0 : i32
      %dma_wait3A_175 = tpu.memref_slice %arg7[%scan3A_151, %dma_wait3A_174] : memref<125x80xi32, #tpu.memory_space<vmem>> -> memref<1x80xi32, #tpu.memory_space<vmem>>
      %dma_wait3A_176 = tpu.memref_squeeze %dma_wait3A_175 : memref<1x80xi32, #tpu.memory_space<vmem>> -> memref<80xi32, #tpu.memory_space<vmem>>
      %dma_wait3A_177 = arith.constant 0 : i32
      %dma_wait3A_178 = arith.constant 0 : i32
      %dma_wait3A_179 = tpu.memref_slice %arg2[%dma_wait3A_177, %dma_wait3A_178] : memref<10240x64xf32, #tpu.memory_space<hbm>> -> memref<10240x64xf32, #tpu.memory_space<hbm>>
      tpu.wait_indirect_dma semaphore(%arg11 : memref<!tpu.dma_semaphore, #tpu.memory_space<semaphore_mem>>) src(%dma_wait3A_179 : memref<10240x64xf32, #tpu.memory_space<hbm>>) dst(%dma_wait3A_173 : memref<80x64xf32, #tpu.memory_space<vmem>>)
      %jit3A_180 = arith.constant 12 : i32
      %eq3A_181 = arith.constant 0 : i32
      %eq3A_182 = arith.cmpi eq, %jit3A_180, %eq3A_181 : i32
      %jit3A_183 = arith.constant 1 : i32
      %select_n3A_184 = arith.select %eq3A_182, %jit3A_183, %jit3A_180 : i32
      %rem3A_185 = arith.remsi %scan3A_151, %select_n3A_184 : i32
      %ne3A_186 = arith.constant 0 : i32
      %ne3A_187 = arith.cmpi ne, %rem3A_185, %ne3A_186 : i32
      %lt3A_188 = arith.constant 0 : i32
      %lt3A_189 = arith.cmpi slt, %rem3A_185, %lt3A_188 : i32
      %lt3A_190 = arith.constant 0 : i32
      %lt3A_191 = arith.cmpi slt, %select_n3A_184, %lt3A_190 : i32
      %ne3A_192 = arith.xori %lt3A_189, %lt3A_191 : i1
      %and3A_193 = arith.andi %ne3A_192, %ne3A_187 : i1
      %add3A_194 = arith.addi %rem3A_185, %select_n3A_184 : i32
      %select_n3A_195 = arith.select %and3A_193, %add3A_194, %rem3A_185 : i32
      %dma_start3A_196 = arith.constant 0 : i32
      %dma_start3A_197 = arith.constant 0 : i32
      %dma_start3A_198 = tpu.memref_slice %arg9[%select_n3A_195, %dma_start3A_196, %dma_start3A_197] : memref<12x80x64xf32, #tpu.memory_space<vmem>> -> memref<1x80x64xf32, #tpu.memory_space<vmem>>
      %dma_start3A_199 = tpu.memref_squeeze %dma_start3A_198 : memref<1x80x64xf32, #tpu.memory_space<vmem>> -> memref<80x64xf32, #tpu.memory_space<vmem>>
      %dma_start3A_200 = arith.constant 0 : i32
      %dma_start3A_201 = tpu.memref_slice %arg8[%scan3A_151, %dma_start3A_200] : memref<125x80xi32, #tpu.memory_space<vmem>> -> memref<1x80xi32, #tpu.memory_space<vmem>>
      %dma_start3A_202 = tpu.memref_squeeze %dma_start3A_201 : memref<1x80xi32, #tpu.memory_space<vmem>> -> memref<80xi32, #tpu.memory_space<vmem>>
      %dma_start3A_203 = arith.constant 0 : i32
      %dma_start3A_204 = arith.constant 0 : i32
      %dma_start3A_205 = tpu.memref_slice %arg10[%dma_start3A_203, %dma_start3A_204] : memref<10240x64xf32, #tpu.memory_space<vmem_shared>> -> memref<10240x64xf32, #tpu.memory_space<vmem_shared>>
      tpu.enqueue_indirect_dma source(%dma_start3A_199 : memref<80x64xf32, #tpu.memory_space<vmem>>) target(%dma_start3A_205 : memref<10240x64xf32, #tpu.memory_space<vmem_shared>>) offsets(%dma_start3A_202 : memref<80xi32, #tpu.memory_space<vmem>>) semaphore(%arg12 : memref<!tpu.dma_semaphore, #tpu.memory_space<semaphore_mem>>) {add = true}
    }
    %scan3A_78 = arith.constant 125 : i32
    %dma_wait3A = arith.constant 11 : i32
    %dma_wait3A_79 = arith.constant 119 : i32
    %dma_wait3A_80 = arith.constant 0 : i32
    %dma_wait3A_81 = arith.constant 0 : i32
    %dma_wait3A_82 = tpu.memref_slice %arg9[%dma_wait3A, %dma_wait3A_80, %dma_wait3A_81] : memref<12x80x64xf32, #tpu.memory_space<vmem>> -> memref<1x80x64xf32, #tpu.memory_space<vmem>>
    %dma_wait3A_83 = tpu.memref_squeeze %dma_wait3A_82 : memref<1x80x64xf32, #tpu.memory_space<vmem>> -> memref<80x64xf32, #tpu.memory_space<vmem>>
    %dma_wait3A_84 = arith.constant 0 : i32
    %dma_wait3A_85 = tpu.memref_slice %arg8[%dma_wait3A_79, %dma_wait3A_84] : memref<125x80xi32, #tpu.memory_space<vmem>> -> memref<1x80xi32, #tpu.memory_space<vmem>>
    %dma_wait3A_86 = tpu.memref_squeeze %dma_wait3A_85 : memref<1x80xi32, #tpu.memory_space<vmem>> -> memref<80xi32, #tpu.memory_space<vmem>>
    %dma_wait3A_87 = arith.constant 0 : i32
    %dma_wait3A_88 = arith.constant 0 : i32
    %dma_wait3A_89 = tpu.memref_slice %arg10[%dma_wait3A_87, %dma_wait3A_88] : memref<10240x64xf32, #tpu.memory_space<vmem_shared>> -> memref<10240x64xf32, #tpu.memory_space<vmem_shared>>
    tpu.wait_indirect_dma semaphore(%arg12 : memref<!tpu.dma_semaphore, #tpu.memory_space<semaphore_mem>>) src(%dma_wait3A_83 : memref<80x64xf32, #tpu.memory_space<vmem>>) dst(%dma_wait3A_89 : memref<10240x64xf32, #tpu.memory_space<vmem_shared>>)
    %dma_wait3A_90 = arith.constant 0 : i32
    %dma_wait3A_91 = arith.constant 120 : i32
    %dma_wait3A_92 = arith.constant 0 : i32
    %dma_wait3A_93 = arith.constant 0 : i32
    %dma_wait3A_94 = tpu.memref_slice %arg9[%dma_wait3A_90, %dma_wait3A_92, %dma_wait3A_93] : memref<12x80x64xf32, #tpu.memory_space<vmem>> -> memref<1x80x64xf32, #tpu.memory_space<vmem>>
    %dma_wait3A_95 = tpu.memref_squeeze %dma_wait3A_94 : memref<1x80x64xf32, #tpu.memory_space<vmem>> -> memref<80x64xf32, #tpu.memory_space<vmem>>
    %dma_wait3A_96 = arith.constant 0 : i32
    %dma_wait3A_97 = tpu.memref_slice %arg8[%dma_wait3A_91, %dma_wait3A_96] : memref<125x80xi32, #tpu.memory_space<vmem>> -> memref<1x80xi32, #tpu.memory_space<vmem>>
    %dma_wait3A_98 = tpu.memref_squeeze %dma_wait3A_97 : memref<1x80xi32, #tpu.memory_space<vmem>> -> memref<80xi32, #tpu.memory_space<vmem>>
    %dma_wait3A_99 = arith.constant 0 : i32
    %dma_wait3A_100 = arith.constant 0 : i32
    %dma_wait3A_101 = tpu.memref_slice %arg10[%dma_wait3A_99, %dma_wait3A_100] : memref<10240x64xf32, #tpu.memory_space<vmem_shared>> -> memref<10240x64xf32, #tpu.memory_space<vmem_shared>>
    tpu.wait_indirect_dma semaphore(%arg12 : memref<!tpu.dma_semaphore, #tpu.memory_space<semaphore_mem>>) src(%dma_wait3A_95 : memref<80x64xf32, #tpu.memory_space<vmem>>) dst(%dma_wait3A_101 : memref<10240x64xf32, #tpu.memory_space<vmem_shared>>)
    %dma_wait3A_102 = arith.constant 1 : i32
    %dma_wait3A_103 = arith.constant 121 : i32
    %dma_wait3A_104 = arith.constant 0 : i32
    %dma_wait3A_105 = arith.constant 0 : i32
    %dma_wait3A_106 = tpu.memref_slice %arg9[%dma_wait3A_102, %dma_wait3A_104, %dma_wait3A_105] : memref<12x80x64xf32, #tpu.memory_space<vmem>> -> memref<1x80x64xf32, #tpu.memory_space<vmem>>
    %dma_wait3A_107 = tpu.memref_squeeze %dma_wait3A_106 : memref<1x80x64xf32, #tpu.memory_space<vmem>> -> memref<80x64xf32, #tpu.memory_space<vmem>>
    %dma_wait3A_108 = arith.constant 0 : i32
    %dma_wait3A_109 = tpu.memref_slice %arg8[%dma_wait3A_103, %dma_wait3A_108] : memref<125x80xi32, #tpu.memory_space<vmem>> -> memref<1x80xi32, #tpu.memory_space<vmem>>
    %dma_wait3A_110 = tpu.memref_squeeze %dma_wait3A_109 : memref<1x80xi32, #tpu.memory_space<vmem>> -> memref<80xi32, #tpu.memory_space<vmem>>
    %dma_wait3A_111 = arith.constant 0 : i32
    %dma_wait3A_112 = arith.constant 0 : i32
    %dma_wait3A_113 = tpu.memref_slice %arg10[%dma_wait3A_111, %dma_wait3A_112] : memref<10240x64xf32, #tpu.memory_space<vmem_shared>> -> memref<10240x64xf32, #tpu.memory_space<vmem_shared>>
    tpu.wait_indirect_dma semaphore(%arg12 : memref<!tpu.dma_semaphore, #tpu.memory_space<semaphore_mem>>) src(%dma_wait3A_107 : memref<80x64xf32, #tpu.memory_space<vmem>>) dst(%dma_wait3A_113 : memref<10240x64xf32, #tpu.memory_space<vmem_shared>>)
    %dma_wait3A_114 = arith.constant 2 : i32
    %dma_wait3A_115 = arith.constant 122 : i32
    %dma_wait3A_116 = arith.constant 0 : i32
    %dma_wait3A_117 = arith.constant 0 : i32
    %dma_wait3A_118 = tpu.memref_slice %arg9[%dma_wait3A_114, %dma_wait3A_116, %dma_wait3A_117] : memref<12x80x64xf32, #tpu.memory_space<vmem>> -> memref<1x80x64xf32, #tpu.memory_space<vmem>>
    %dma_wait3A_119 = tpu.memref_squeeze %dma_wait3A_118 : memref<1x80x64xf32, #tpu.memory_space<vmem>> -> memref<80x64xf32, #tpu.memory_space<vmem>>
    %dma_wait3A_120 = arith.constant 0 : i32
    %dma_wait3A_121 = tpu.memref_slice %arg8[%dma_wait3A_115, %dma_wait3A_120] : memref<125x80xi32, #tpu.memory_space<vmem>> -> memref<1x80xi32, #tpu.memory_space<vmem>>
    %dma_wait3A_122 = tpu.memref_squeeze %dma_wait3A_121 : memref<1x80xi32, #tpu.memory_space<vmem>> -> memref<80xi32, #tpu.memory_space<vmem>>
    %dma_wait3A_123 = arith.constant 0 : i32
    %dma_wait3A_124 = arith.constant 0 : i32
    %dma_wait3A_125 = tpu.memref_slice %arg10[%dma_wait3A_123, %dma_wait3A_124] : memref<10240x64xf32, #tpu.memory_space<vmem_shared>> -> memref<10240x64xf32, #tpu.memory_space<vmem_shared>>
    tpu.wait_indirect_dma semaphore(%arg12 : memref<!tpu.dma_semaphore, #tpu.memory_space<semaphore_mem>>) src(%dma_wait3A_119 : memref<80x64xf32, #tpu.memory_space<vmem>>) dst(%dma_wait3A_125 : memref<10240x64xf32, #tpu.memory_space<vmem_shared>>)
    %dma_wait3A_126 = arith.constant 3 : i32
    %dma_wait3A_127 = arith.constant 123 : i32
    %dma_wait3A_128 = arith.constant 0 : i32
    %dma_wait3A_129 = arith.constant 0 : i32
    %dma_wait3A_130 = tpu.memref_slice %arg9[%dma_wait3A_126, %dma_wait3A_128, %dma_wait3A_129] : memref<12x80x64xf32, #tpu.memory_space<vmem>> -> memref<1x80x64xf32, #tpu.memory_space<vmem>>
    %dma_wait3A_131 = tpu.memref_squeeze %dma_wait3A_130 : memref<1x80x64xf32, #tpu.memory_space<vmem>> -> memref<80x64xf32, #tpu.memory_space<vmem>>
    %dma_wait3A_132 = arith.constant 0 : i32
    %dma_wait3A_133 = tpu.memref_slice %arg8[%dma_wait3A_127, %dma_wait3A_132] : memref<125x80xi32, #tpu.memory_space<vmem>> -> memref<1x80xi32, #tpu.memory_space<vmem>>
    %dma_wait3A_134 = tpu.memref_squeeze %dma_wait3A_133 : memref<1x80xi32, #tpu.memory_space<vmem>> -> memref<80xi32, #tpu.memory_space<vmem>>
    %dma_wait3A_135 = arith.constant 0 : i32
    %dma_wait3A_136 = arith.constant 0 : i32
    %dma_wait3A_137 = tpu.memref_slice %arg10[%dma_wait3A_135, %dma_wait3A_136] : memref<10240x64xf32, #tpu.memory_space<vmem_shared>> -> memref<10240x64xf32, #tpu.memory_space<vmem_shared>>
    tpu.wait_indirect_dma semaphore(%arg12 : memref<!tpu.dma_semaphore, #tpu.memory_space<semaphore_mem>>) src(%dma_wait3A_131 : memref<80x64xf32, #tpu.memory_space<vmem>>) dst(%dma_wait3A_137 : memref<10240x64xf32, #tpu.memory_space<vmem_shared>>)
    %dma_wait3A_138 = arith.constant 4 : i32
    %dma_wait3A_139 = arith.constant 124 : i32
    %dma_wait3A_140 = arith.constant 0 : i32
    %dma_wait3A_141 = arith.constant 0 : i32
    %dma_wait3A_142 = tpu.memref_slice %arg9[%dma_wait3A_138, %dma_wait3A_140, %dma_wait3A_141] : memref<12x80x64xf32, #tpu.memory_space<vmem>> -> memref<1x80x64xf32, #tpu.memory_space<vmem>>
    %dma_wait3A_143 = tpu.memref_squeeze %dma_wait3A_142 : memref<1x80x64xf32, #tpu.memory_space<vmem>> -> memref<80x64xf32, #tpu.memory_space<vmem>>
    %dma_wait3A_144 = arith.constant 0 : i32
    %dma_wait3A_145 = tpu.memref_slice %arg8[%dma_wait3A_139, %dma_wait3A_144] : memref<125x80xi32, #tpu.memory_space<vmem>> -> memref<1x80xi32, #tpu.memory_space<vmem>>
    %dma_wait3A_146 = tpu.memref_squeeze %dma_wait3A_145 : memref<1x80xi32, #tpu.memory_space<vmem>> -> memref<80xi32, #tpu.memory_space<vmem>>
    %dma_wait3A_147 = arith.constant 0 : i32
    %dma_wait3A_148 = arith.constant 0 : i32
    %dma_wait3A_149 = tpu.memref_slice %arg10[%dma_wait3A_147, %dma_wait3A_148] : memref<10240x64xf32, #tpu.memory_space<vmem_shared>> -> memref<10240x64xf32, #tpu.memory_space<vmem_shared>>
    tpu.wait_indirect_dma semaphore(%arg12 : memref<!tpu.dma_semaphore, #tpu.memory_space<semaphore_mem>>) src(%dma_wait3A_143 : memref<80x64xf32, #tpu.memory_space<vmem>>) dst(%dma_wait3A_149 : memref<10240x64xf32, #tpu.memory_space<vmem_shared>>)
    %barrier3A_150 = arith.constant 0 : index
    tpu.barrier barrier_id(%barrier3A_150)
    "tpu.region"() ({
      %run_scoped3A = tpu.sem_alloc : memref<!tpu.dma_semaphore, #tpu.memory_space<semaphore_mem>>
      %dma_start3A_151 = arith.constant 0 : i32
      %dma_start3A_152 = tpu.memref_slice %arg6[%arg0, %mul3A_2, %dma_start3A_151] : memref<2x10240x64xf32, #tpu.memory_space<hbm>> -> memref<1x640x64xf32, #tpu.memory_space<hbm>>
      %dma_start3A_153 = tpu.memref_squeeze %dma_start3A_152 : memref<1x640x64xf32, #tpu.memory_space<hbm>> -> memref<640x64xf32, #tpu.memory_space<hbm>>
      %dma_start3A_154 = arith.constant 0 : i32
      %dma_start3A_155 = tpu.memref_slice %arg10[%mul3A_2, %dma_start3A_154] : memref<10240x64xf32, #tpu.memory_space<vmem_shared>> -> memref<640x64xf32, #tpu.memory_space<vmem_shared>>
      tpu.enqueue_dma source(%dma_start3A_155 : memref<640x64xf32, #tpu.memory_space<vmem_shared>>) target(%dma_start3A_153 : memref<640x64xf32, #tpu.memory_space<hbm>>) target_semaphore(%run_scoped3A : memref<!tpu.dma_semaphore, #tpu.memory_space<semaphore_mem>>)
      %dma_wait3A_156 = arith.constant 0 : i32
      %dma_wait3A_157 = tpu.memref_slice %arg6[%arg0, %mul3A_2, %dma_wait3A_156] : memref<2x10240x64xf32, #tpu.memory_space<hbm>> -> memref<1x640x64xf32, #tpu.memory_space<hbm>>
      %dma_wait3A_158 = tpu.memref_squeeze %dma_wait3A_157 : memref<1x640x64xf32, #tpu.memory_space<hbm>> -> memref<640x64xf32, #tpu.memory_space<hbm>>
      %dma_wait3A_159 = arith.constant 0 : i32
      %dma_wait3A_160 = tpu.memref_slice %arg10[%mul3A_2, %dma_wait3A_159] : memref<10240x64xf32, #tpu.memory_space<vmem_shared>> -> memref<640x64xf32, #tpu.memory_space<vmem_shared>>
      tpu.wait_dma2 semaphore(%run_scoped3A : memref<!tpu.dma_semaphore, #tpu.memory_space<semaphore_mem>>) src(%dma_wait3A_160 : memref<640x64xf32, #tpu.memory_space<vmem_shared>>) dst(%dma_wait3A_158 : memref<640x64xf32, #tpu.memory_space<hbm>>)
      tpu.yield
    }) : () -> ()
    return
  }
}

#map = affine_map<(d0, d1) -> (0, 0)>
#map1 = affine_map<(d0, d1) -> (0, 0, 0)>
module attributes {stable_mosaic.version = 14 : i64} {
  func.func @_edge_kernel(%arg0: i32, %arg1: i32, %arg2: memref<10240x64xf32, #tpu.memory_space<hbm>>, %arg3: memref<32x125x80xi32, #tpu.memory_space<hbm>>, %arg4: memref<32x125x80xi32, #tpu.memory_space<hbm>>, %arg5: memref<640x64xf32, #tpu.memory_space<hbm>>, %arg6: memref<2x10240x64xf32, #tpu.memory_space<hbm>>, %arg7: memref<125x80xi32, #tpu.memory_space<vmem>>, %arg8: memref<125x80xi32, #tpu.memory_space<vmem>>, %arg9: memref<12x80x64xf32, #tpu.memory_space<vmem>>, %arg10: memref<10240x64xf32, #tpu.memory_space<vmem_shared>>, %arg11: memref<!tpu.dma_semaphore, #tpu.memory_space<semaphore_mem>>, %arg12: memref<!tpu.dma_semaphore, #tpu.memory_space<semaphore_mem>>) attributes {dimension_semantics = [#tpu.dimension_semantics<core_parallel>, #tpu.dimension_semantics<subcore_parallel>], iteration_bounds = array<i64: 2, 16>, scalar_prefetch = 0 : i64, scratch_operands = 6 : i64, tpu.core_type = #tpu.core_type<sc_vector_subcore>, window_params = [{transform_indices = #map}, {transform_indices = #map1}, {transform_indices = #map1}, {transform_indices = #map}, {transform_indices = #map1}]} {
    %mul3A = arith.constant 16 : i32
    %mul3A_0 = arith.muli %arg0, %mul3A : i32
    %add3A = arith.addi %mul3A_0, %arg1 : i32
    %mul3A_1 = arith.constant 640 : i32
    %mul3A_2 = arith.muli %arg1, %mul3A_1 : i32
    "tpu.region"() ({
      %run_scoped3A = tpu.sem_alloc : memref<!tpu.dma_semaphore, #tpu.memory_space<semaphore_mem>>
      %dma_start3A_151 = arith.constant 0 : i32
      %dma_start3A_152 = tpu.memref_slice %arg10[%mul3A_2, %dma_start3A_151] : memref<10240x64xf32, #tpu.memory_space<vmem_shared>> -> memref<640x64xf32, #tpu.memory_space<vmem_shared>>
      tpu.enqueue_dma source(%arg5 : memref<640x64xf32, #tpu.memory_space<hbm>>) target(%dma_start3A_152 : memref<640x64xf32, #tpu.memory_space<vmem_shared>>) target_semaphore(%run_scoped3A : memref<!tpu.dma_semaphore, #tpu.memory_space<semaphore_mem>>)
      %dma_wait3A_153 = arith.constant 0 : i32
      %dma_wait3A_154 = tpu.memref_slice %arg10[%mul3A_2, %dma_wait3A_153] : memref<10240x64xf32, #tpu.memory_space<vmem_shared>> -> memref<640x64xf32, #tpu.memory_space<vmem_shared>>
      tpu.wait_dma2 semaphore(%run_scoped3A : memref<!tpu.dma_semaphore, #tpu.memory_space<semaphore_mem>>) src(%arg5 : memref<640x64xf32, #tpu.memory_space<hbm>>) dst(%dma_wait3A_154 : memref<640x64xf32, #tpu.memory_space<vmem_shared>>)
      tpu.yield
    }) : () -> ()
    "tpu.region"() ({
      %run_scoped3A = tpu.sem_alloc : memref<!tpu.dma_semaphore, #tpu.memory_space<semaphore_mem>>
      %dma_start3A_151 = arith.constant 0 : i32
      %dma_start3A_152 = arith.constant 0 : i32
      %dma_start3A_153 = tpu.memref_slice %arg3[%add3A, %dma_start3A_151, %dma_start3A_152] : memref<32x125x80xi32, #tpu.memory_space<hbm>> -> memref<1x125x80xi32, #tpu.memory_space<hbm>>
      %dma_start3A_154 = tpu.memref_squeeze %dma_start3A_153 : memref<1x125x80xi32, #tpu.memory_space<hbm>> -> memref<125x80xi32, #tpu.memory_space<hbm>>
      %dma_start3A_155 = arith.constant 0 : i32
      %dma_start3A_156 = arith.constant 0 : i32
      %dma_start3A_157 = tpu.memref_slice %arg3[%add3A, %dma_start3A_155, %dma_start3A_156] : memref<32x125x80xi32, #tpu.memory_space<hbm>> -> memref<1x125x80xi32, #tpu.memory_space<hbm>>
      %dma_start3A_158 = tpu.memref_squeeze %dma_start3A_157 : memref<1x125x80xi32, #tpu.memory_space<hbm>> -> memref<125x80xi32, #tpu.memory_space<hbm>>
      tpu.enqueue_dma source(%dma_start3A_158 : memref<125x80xi32, #tpu.memory_space<hbm>>) target(%arg7 : memref<125x80xi32, #tpu.memory_space<vmem>>) target_semaphore(%run_scoped3A : memref<!tpu.dma_semaphore, #tpu.memory_space<semaphore_mem>>)
      %dma_wait3A_159 = arith.constant 0 : i32
      %dma_wait3A_160 = arith.constant 0 : i32
      %dma_wait3A_161 = tpu.memref_slice %arg3[%add3A, %dma_wait3A_159, %dma_wait3A_160] : memref<32x125x80xi32, #tpu.memory_space<hbm>> -> memref<1x125x80xi32, #tpu.memory_space<hbm>>
      %dma_wait3A_162 = tpu.memref_squeeze %dma_wait3A_161 : memref<1x125x80xi32, #tpu.memory_space<hbm>> -> memref<125x80xi32, #tpu.memory_space<hbm>>
      %dma_wait3A_163 = arith.constant 0 : i32
      %dma_wait3A_164 = arith.constant 0 : i32
      %dma_wait3A_165 = tpu.memref_slice %arg3[%add3A, %dma_wait3A_163, %dma_wait3A_164] : memref<32x125x80xi32, #tpu.memory_space<hbm>> -> memref<1x125x80xi32, #tpu.memory_space<hbm>>
      %dma_wait3A_166 = tpu.memref_squeeze %dma_wait3A_165 : memref<1x125x80xi32, #tpu.memory_space<hbm>> -> memref<125x80xi32, #tpu.memory_space<hbm>>
      tpu.wait_dma2 semaphore(%run_scoped3A : memref<!tpu.dma_semaphore, #tpu.memory_space<semaphore_mem>>) src(%dma_wait3A_166 : memref<125x80xi32, #tpu.memory_space<hbm>>) dst(%arg7 : memref<125x80xi32, #tpu.memory_space<vmem>>)
      tpu.yield
    }) : () -> ()
    "tpu.region"() ({
      %run_scoped3A = tpu.sem_alloc : memref<!tpu.dma_semaphore, #tpu.memory_space<semaphore_mem>>
      %dma_start3A_151 = arith.constant 0 : i32
      %dma_start3A_152 = arith.constant 0 : i32
      %dma_start3A_153 = tpu.memref_slice %arg4[%add3A, %dma_start3A_151, %dma_start3A_152] : memref<32x125x80xi32, #tpu.memory_space<hbm>> -> memref<1x125x80xi32, #tpu.memory_space<hbm>>
      %dma_start3A_154 = tpu.memref_squeeze %dma_start3A_153 : memref<1x125x80xi32, #tpu.memory_space<hbm>> -> memref<125x80xi32, #tpu.memory_space<hbm>>
      %dma_start3A_155 = arith.constant 0 : i32
      %dma_start3A_156 = arith.constant 0 : i32
      %dma_start3A_157 = tpu.memref_slice %arg4[%add3A, %dma_start3A_155, %dma_start3A_156] : memref<32x125x80xi32, #tpu.memory_space<hbm>> -> memref<1x125x80xi32, #tpu.memory_space<hbm>>
      %dma_start3A_158 = tpu.memref_squeeze %dma_start3A_157 : memref<1x125x80xi32, #tpu.memory_space<hbm>> -> memref<125x80xi32, #tpu.memory_space<hbm>>
      tpu.enqueue_dma source(%dma_start3A_158 : memref<125x80xi32, #tpu.memory_space<hbm>>) target(%arg8 : memref<125x80xi32, #tpu.memory_space<vmem>>) target_semaphore(%run_scoped3A : memref<!tpu.dma_semaphore, #tpu.memory_space<semaphore_mem>>)
      %dma_wait3A_159 = arith.constant 0 : i32
      %dma_wait3A_160 = arith.constant 0 : i32
      %dma_wait3A_161 = tpu.memref_slice %arg4[%add3A, %dma_wait3A_159, %dma_wait3A_160] : memref<32x125x80xi32, #tpu.memory_space<hbm>> -> memref<1x125x80xi32, #tpu.memory_space<hbm>>
      %dma_wait3A_162 = tpu.memref_squeeze %dma_wait3A_161 : memref<1x125x80xi32, #tpu.memory_space<hbm>> -> memref<125x80xi32, #tpu.memory_space<hbm>>
      %dma_wait3A_163 = arith.constant 0 : i32
      %dma_wait3A_164 = arith.constant 0 : i32
      %dma_wait3A_165 = tpu.memref_slice %arg4[%add3A, %dma_wait3A_163, %dma_wait3A_164] : memref<32x125x80xi32, #tpu.memory_space<hbm>> -> memref<1x125x80xi32, #tpu.memory_space<hbm>>
      %dma_wait3A_166 = tpu.memref_squeeze %dma_wait3A_165 : memref<1x125x80xi32, #tpu.memory_space<hbm>> -> memref<125x80xi32, #tpu.memory_space<hbm>>
      tpu.wait_dma2 semaphore(%run_scoped3A : memref<!tpu.dma_semaphore, #tpu.memory_space<semaphore_mem>>) src(%dma_wait3A_166 : memref<125x80xi32, #tpu.memory_space<hbm>>) dst(%arg8 : memref<125x80xi32, #tpu.memory_space<vmem>>)
      tpu.yield
    }) : () -> ()
    %barrier3A = arith.constant 0 : index
    tpu.barrier barrier_id(%barrier3A)
    %dma_start3A = arith.constant 0 : i32
    %dma_start3A_3 = arith.constant 0 : i32
    %dma_start3A_4 = arith.constant 0 : i32
    %dma_start3A_5 = arith.constant 0 : i32
    %dma_start3A_6 = tpu.memref_slice %arg9[%dma_start3A_3, %dma_start3A_4, %dma_start3A_5] : memref<12x80x64xf32, #tpu.memory_space<vmem>> -> memref<1x80x64xf32, #tpu.memory_space<vmem>>
    %dma_start3A_7 = tpu.memref_squeeze %dma_start3A_6 : memref<1x80x64xf32, #tpu.memory_space<vmem>> -> memref<80x64xf32, #tpu.memory_space<vmem>>
    %dma_start3A_8 = arith.constant 0 : i32
    %dma_start3A_9 = tpu.memref_slice %arg7[%dma_start3A, %dma_start3A_8] : memref<125x80xi32, #tpu.memory_space<vmem>> -> memref<1x80xi32, #tpu.memory_space<vmem>>
    %dma_start3A_10 = tpu.memref_squeeze %dma_start3A_9 : memref<1x80xi32, #tpu.memory_space<vmem>> -> memref<80xi32, #tpu.memory_space<vmem>>
    %dma_start3A_11 = arith.constant 0 : i32
    %dma_start3A_12 = arith.constant 0 : i32
    %dma_start3A_13 = tpu.memref_slice %arg2[%dma_start3A_11, %dma_start3A_12] : memref<10240x64xf32, #tpu.memory_space<hbm>> -> memref<10240x64xf32, #tpu.memory_space<hbm>>
    tpu.enqueue_indirect_dma source(%dma_start3A_13 : memref<10240x64xf32, #tpu.memory_space<hbm>>) target(%dma_start3A_7 : memref<80x64xf32, #tpu.memory_space<vmem>>) offsets(%dma_start3A_10 : memref<80xi32, #tpu.memory_space<vmem>>) semaphore(%arg11 : memref<!tpu.dma_semaphore, #tpu.memory_space<semaphore_mem>>)
    %dma_start3A_14 = arith.constant 1 : i32
    %dma_start3A_15 = arith.constant 1 : i32
    %dma_start3A_16 = arith.constant 0 : i32
    %dma_start3A_17 = arith.constant 0 : i32
    %dma_start3A_18 = tpu.memref_slice %arg9[%dma_start3A_15, %dma_start3A_16, %dma_start3A_17] : memref<12x80x64xf32, #tpu.memory_space<vmem>> -> memref<1x80x64xf32, #tpu.memory_space<vmem>>
    %dma_start3A_19 = tpu.memref_squeeze %dma_start3A_18 : memref<1x80x64xf32, #tpu.memory_space<vmem>> -> memref<80x64xf32, #tpu.memory_space<vmem>>
    %dma_start3A_20 = arith.constant 0 : i32
    %dma_start3A_21 = tpu.memref_slice %arg7[%dma_start3A_14, %dma_start3A_20] : memref<125x80xi32, #tpu.memory_space<vmem>> -> memref<1x80xi32, #tpu.memory_space<vmem>>
    %dma_start3A_22 = tpu.memref_squeeze %dma_start3A_21 : memref<1x80xi32, #tpu.memory_space<vmem>> -> memref<80xi32, #tpu.memory_space<vmem>>
    %dma_start3A_23 = arith.constant 0 : i32
    %dma_start3A_24 = arith.constant 0 : i32
    %dma_start3A_25 = tpu.memref_slice %arg2[%dma_start3A_23, %dma_start3A_24] : memref<10240x64xf32, #tpu.memory_space<hbm>> -> memref<10240x64xf32, #tpu.memory_space<hbm>>
    tpu.enqueue_indirect_dma source(%dma_start3A_25 : memref<10240x64xf32, #tpu.memory_space<hbm>>) target(%dma_start3A_19 : memref<80x64xf32, #tpu.memory_space<vmem>>) offsets(%dma_start3A_22 : memref<80xi32, #tpu.memory_space<vmem>>) semaphore(%arg11 : memref<!tpu.dma_semaphore, #tpu.memory_space<semaphore_mem>>)
    %dma_start3A_26 = arith.constant 2 : i32
    %dma_start3A_27 = arith.constant 2 : i32
    %dma_start3A_28 = arith.constant 0 : i32
    %dma_start3A_29 = arith.constant 0 : i32
    %dma_start3A_30 = tpu.memref_slice %arg9[%dma_start3A_27, %dma_start3A_28, %dma_start3A_29] : memref<12x80x64xf32, #tpu.memory_space<vmem>> -> memref<1x80x64xf32, #tpu.memory_space<vmem>>
    %dma_start3A_31 = tpu.memref_squeeze %dma_start3A_30 : memref<1x80x64xf32, #tpu.memory_space<vmem>> -> memref<80x64xf32, #tpu.memory_space<vmem>>
    %dma_start3A_32 = arith.constant 0 : i32
    %dma_start3A_33 = tpu.memref_slice %arg7[%dma_start3A_26, %dma_start3A_32] : memref<125x80xi32, #tpu.memory_space<vmem>> -> memref<1x80xi32, #tpu.memory_space<vmem>>
    %dma_start3A_34 = tpu.memref_squeeze %dma_start3A_33 : memref<1x80xi32, #tpu.memory_space<vmem>> -> memref<80xi32, #tpu.memory_space<vmem>>
    %dma_start3A_35 = arith.constant 0 : i32
    %dma_start3A_36 = arith.constant 0 : i32
    %dma_start3A_37 = tpu.memref_slice %arg2[%dma_start3A_35, %dma_start3A_36] : memref<10240x64xf32, #tpu.memory_space<hbm>> -> memref<10240x64xf32, #tpu.memory_space<hbm>>
    tpu.enqueue_indirect_dma source(%dma_start3A_37 : memref<10240x64xf32, #tpu.memory_space<hbm>>) target(%dma_start3A_31 : memref<80x64xf32, #tpu.memory_space<vmem>>) offsets(%dma_start3A_34 : memref<80xi32, #tpu.memory_space<vmem>>) semaphore(%arg11 : memref<!tpu.dma_semaphore, #tpu.memory_space<semaphore_mem>>)
    %dma_start3A_38 = arith.constant 3 : i32
    %dma_start3A_39 = arith.constant 3 : i32
    %dma_start3A_40 = arith.constant 0 : i32
    %dma_start3A_41 = arith.constant 0 : i32
    %dma_start3A_42 = tpu.memref_slice %arg9[%dma_start3A_39, %dma_start3A_40, %dma_start3A_41] : memref<12x80x64xf32, #tpu.memory_space<vmem>> -> memref<1x80x64xf32, #tpu.memory_space<vmem>>
    %dma_start3A_43 = tpu.memref_squeeze %dma_start3A_42 : memref<1x80x64xf32, #tpu.memory_space<vmem>> -> memref<80x64xf32, #tpu.memory_space<vmem>>
    %dma_start3A_44 = arith.constant 0 : i32
    %dma_start3A_45 = tpu.memref_slice %arg7[%dma_start3A_38, %dma_start3A_44] : memref<125x80xi32, #tpu.memory_space<vmem>> -> memref<1x80xi32, #tpu.memory_space<vmem>>
    %dma_start3A_46 = tpu.memref_squeeze %dma_start3A_45 : memref<1x80xi32, #tpu.memory_space<vmem>> -> memref<80xi32, #tpu.memory_space<vmem>>
    %dma_start3A_47 = arith.constant 0 : i32
    %dma_start3A_48 = arith.constant 0 : i32
    %dma_start3A_49 = tpu.memref_slice %arg2[%dma_start3A_47, %dma_start3A_48] : memref<10240x64xf32, #tpu.memory_space<hbm>> -> memref<10240x64xf32, #tpu.memory_space<hbm>>
    tpu.enqueue_indirect_dma source(%dma_start3A_49 : memref<10240x64xf32, #tpu.memory_space<hbm>>) target(%dma_start3A_43 : memref<80x64xf32, #tpu.memory_space<vmem>>) offsets(%dma_start3A_46 : memref<80xi32, #tpu.memory_space<vmem>>) semaphore(%arg11 : memref<!tpu.dma_semaphore, #tpu.memory_space<semaphore_mem>>)
    %dma_start3A_50 = arith.constant 4 : i32
    %dma_start3A_51 = arith.constant 4 : i32
    %dma_start3A_52 = arith.constant 0 : i32
    %dma_start3A_53 = arith.constant 0 : i32
    %dma_start3A_54 = tpu.memref_slice %arg9[%dma_start3A_51, %dma_start3A_52, %dma_start3A_53] : memref<12x80x64xf32, #tpu.memory_space<vmem>> -> memref<1x80x64xf32, #tpu.memory_space<vmem>>
    %dma_start3A_55 = tpu.memref_squeeze %dma_start3A_54 : memref<1x80x64xf32, #tpu.memory_space<vmem>> -> memref<80x64xf32, #tpu.memory_space<vmem>>
    %dma_start3A_56 = arith.constant 0 : i32
    %dma_start3A_57 = tpu.memref_slice %arg7[%dma_start3A_50, %dma_start3A_56] : memref<125x80xi32, #tpu.memory_space<vmem>> -> memref<1x80xi32, #tpu.memory_space<vmem>>
    %dma_start3A_58 = tpu.memref_squeeze %dma_start3A_57 : memref<1x80xi32, #tpu.memory_space<vmem>> -> memref<80xi32, #tpu.memory_space<vmem>>
    %dma_start3A_59 = arith.constant 0 : i32
    %dma_start3A_60 = arith.constant 0 : i32
    %dma_start3A_61 = tpu.memref_slice %arg2[%dma_start3A_59, %dma_start3A_60] : memref<10240x64xf32, #tpu.memory_space<hbm>> -> memref<10240x64xf32, #tpu.memory_space<hbm>>
    tpu.enqueue_indirect_dma source(%dma_start3A_61 : memref<10240x64xf32, #tpu.memory_space<hbm>>) target(%dma_start3A_55 : memref<80x64xf32, #tpu.memory_space<vmem>>) offsets(%dma_start3A_58 : memref<80xi32, #tpu.memory_space<vmem>>) semaphore(%arg11 : memref<!tpu.dma_semaphore, #tpu.memory_space<semaphore_mem>>)
    %dma_start3A_62 = arith.constant 5 : i32
    %dma_start3A_63 = arith.constant 5 : i32
    %dma_start3A_64 = arith.constant 0 : i32
    %dma_start3A_65 = arith.constant 0 : i32
    %dma_start3A_66 = tpu.memref_slice %arg9[%dma_start3A_63, %dma_start3A_64, %dma_start3A_65] : memref<12x80x64xf32, #tpu.memory_space<vmem>> -> memref<1x80x64xf32, #tpu.memory_space<vmem>>
    %dma_start3A_67 = tpu.memref_squeeze %dma_start3A_66 : memref<1x80x64xf32, #tpu.memory_space<vmem>> -> memref<80x64xf32, #tpu.memory_space<vmem>>
    %dma_start3A_68 = arith.constant 0 : i32
    %dma_start3A_69 = tpu.memref_slice %arg7[%dma_start3A_62, %dma_start3A_68] : memref<125x80xi32, #tpu.memory_space<vmem>> -> memref<1x80xi32, #tpu.memory_space<vmem>>
    %dma_start3A_70 = tpu.memref_squeeze %dma_start3A_69 : memref<1x80xi32, #tpu.memory_space<vmem>> -> memref<80xi32, #tpu.memory_space<vmem>>
    %dma_start3A_71 = arith.constant 0 : i32
    %dma_start3A_72 = arith.constant 0 : i32
    %dma_start3A_73 = tpu.memref_slice %arg2[%dma_start3A_71, %dma_start3A_72] : memref<10240x64xf32, #tpu.memory_space<hbm>> -> memref<10240x64xf32, #tpu.memory_space<hbm>>
    tpu.enqueue_indirect_dma source(%dma_start3A_73 : memref<10240x64xf32, #tpu.memory_space<hbm>>) target(%dma_start3A_67 : memref<80x64xf32, #tpu.memory_space<vmem>>) offsets(%dma_start3A_70 : memref<80xi32, #tpu.memory_space<vmem>>) semaphore(%arg11 : memref<!tpu.dma_semaphore, #tpu.memory_space<semaphore_mem>>)
    %scan3A = arith.constant 0 : i32
    %scan3A_74 = arith.constant 0 : i32
    %scan3A_75 = arith.constant 125 : i32
    %scan3A_76 = arith.addi %scan3A_74, %scan3A_75 : i32
    %scan3A_77 = arith.constant 1 : i32
    scf.for %scan3A_151 = %scan3A_74 to %scan3A_76 step %scan3A_77  : i32 {
      %ge3A = arith.constant 6 : i32
      %ge3A_152 = arith.cmpi sge, %scan3A_151, %ge3A : i32
      %convert_element_type3A = arith.extui %ge3A_152 : i1 to i32
      %cond3A = arith.constant 0 : i32
      %cond3A_153 = arith.cmpi ne, %convert_element_type3A, %cond3A : i32
      scf.if %cond3A_153 {
        %sub3A = arith.constant 6 : i32
        %sub3A_206 = arith.subi %scan3A_151, %sub3A : i32
        %jit3A_207 = arith.constant 12 : i32
        %eq3A_208 = arith.constant 0 : i32
        %eq3A_209 = arith.cmpi eq, %jit3A_207, %eq3A_208 : i32
        %jit3A_210 = arith.constant 1 : i32
        %select_n3A_211 = arith.select %eq3A_209, %jit3A_210, %jit3A_207 : i32
        %rem3A_212 = arith.remsi %sub3A_206, %select_n3A_211 : i32
        %ne3A_213 = arith.constant 0 : i32
        %ne3A_214 = arith.cmpi ne, %rem3A_212, %ne3A_213 : i32
        %lt3A_215 = arith.constant 0 : i32
        %lt3A_216 = arith.cmpi slt, %rem3A_212, %lt3A_215 : i32
        %lt3A_217 = arith.constant 0 : i32
        %lt3A_218 = arith.cmpi slt, %select_n3A_211, %lt3A_217 : i32
        %ne3A_219 = arith.xori %lt3A_216, %lt3A_218 : i1
        %and3A_220 = arith.andi %ne3A_219, %ne3A_214 : i1
        %add3A_221 = arith.addi %rem3A_212, %select_n3A_211 : i32
        %select_n3A_222 = arith.select %and3A_220, %add3A_221, %rem3A_212 : i32
        %dma_wait3A_223 = arith.constant 0 : i32
        %dma_wait3A_224 = arith.constant 0 : i32
        %dma_wait3A_225 = tpu.memref_slice %arg9[%select_n3A_222, %dma_wait3A_223, %dma_wait3A_224] : memref<12x80x64xf32, #tpu.memory_space<vmem>> -> memref<1x80x64xf32, #tpu.memory_space<vmem>>
        %dma_wait3A_226 = tpu.memref_squeeze %dma_wait3A_225 : memref<1x80x64xf32, #tpu.memory_space<vmem>> -> memref<80x64xf32, #tpu.memory_space<vmem>>
        %dma_wait3A_227 = arith.constant 0 : i32
        %dma_wait3A_228 = tpu.memref_slice %arg8[%sub3A_206, %dma_wait3A_227] : memref<125x80xi32, #tpu.memory_space<vmem>> -> memref<1x80xi32, #tpu.memory_space<vmem>>
        %dma_wait3A_229 = tpu.memref_squeeze %dma_wait3A_228 : memref<1x80xi32, #tpu.memory_space<vmem>> -> memref<80xi32, #tpu.memory_space<vmem>>
        %dma_wait3A_230 = arith.constant 0 : i32
        %dma_wait3A_231 = arith.constant 0 : i32
        %dma_wait3A_232 = tpu.memref_slice %arg10[%dma_wait3A_230, %dma_wait3A_231] : memref<10240x64xf32, #tpu.memory_space<vmem_shared>> -> memref<10240x64xf32, #tpu.memory_space<vmem_shared>>
        tpu.wait_indirect_dma semaphore(%arg12 : memref<!tpu.dma_semaphore, #tpu.memory_space<semaphore_mem>>) src(%dma_wait3A_226 : memref<80x64xf32, #tpu.memory_space<vmem>>) dst(%dma_wait3A_232 : memref<10240x64xf32, #tpu.memory_space<vmem_shared>>)
      } else {
      }
      %add3A_154 = arith.constant 6 : i32
      %add3A_155 = arith.addi %scan3A_151, %add3A_154 : i32
      %lt3A = arith.constant 125 : i32
      %lt3A_156 = arith.cmpi slt, %add3A_155, %lt3A : i32
      %convert_element_type3A_157 = arith.extui %lt3A_156 : i1 to i32
      %cond3A_158 = arith.constant 0 : i32
      %cond3A_159 = arith.cmpi ne, %convert_element_type3A_157, %cond3A_158 : i32
      scf.if %cond3A_159 {
        %add3A_206 = arith.constant 6 : i32
        %add3A_207 = arith.addi %scan3A_151, %add3A_206 : i32
        %jit3A_208 = arith.constant 12 : i32
        %eq3A_209 = arith.constant 0 : i32
        %eq3A_210 = arith.cmpi eq, %jit3A_208, %eq3A_209 : i32
        %jit3A_211 = arith.constant 1 : i32
        %select_n3A_212 = arith.select %eq3A_210, %jit3A_211, %jit3A_208 : i32
        %rem3A_213 = arith.remsi %add3A_207, %select_n3A_212 : i32
        %ne3A_214 = arith.constant 0 : i32
        %ne3A_215 = arith.cmpi ne, %rem3A_213, %ne3A_214 : i32
        %lt3A_216 = arith.constant 0 : i32
        %lt3A_217 = arith.cmpi slt, %rem3A_213, %lt3A_216 : i32
        %lt3A_218 = arith.constant 0 : i32
        %lt3A_219 = arith.cmpi slt, %select_n3A_212, %lt3A_218 : i32
        %ne3A_220 = arith.xori %lt3A_217, %lt3A_219 : i1
        %and3A_221 = arith.andi %ne3A_220, %ne3A_215 : i1
        %add3A_222 = arith.addi %rem3A_213, %select_n3A_212 : i32
        %select_n3A_223 = arith.select %and3A_221, %add3A_222, %rem3A_213 : i32
        %dma_start3A_224 = arith.constant 0 : i32
        %dma_start3A_225 = arith.constant 0 : i32
        %dma_start3A_226 = tpu.memref_slice %arg9[%select_n3A_223, %dma_start3A_224, %dma_start3A_225] : memref<12x80x64xf32, #tpu.memory_space<vmem>> -> memref<1x80x64xf32, #tpu.memory_space<vmem>>
        %dma_start3A_227 = tpu.memref_squeeze %dma_start3A_226 : memref<1x80x64xf32, #tpu.memory_space<vmem>> -> memref<80x64xf32, #tpu.memory_space<vmem>>
        %dma_start3A_228 = arith.constant 0 : i32
        %dma_start3A_229 = tpu.memref_slice %arg7[%add3A_207, %dma_start3A_228] : memref<125x80xi32, #tpu.memory_space<vmem>> -> memref<1x80xi32, #tpu.memory_space<vmem>>
        %dma_start3A_230 = tpu.memref_squeeze %dma_start3A_229 : memref<1x80xi32, #tpu.memory_space<vmem>> -> memref<80xi32, #tpu.memory_space<vmem>>
        %dma_start3A_231 = arith.constant 0 : i32
        %dma_start3A_232 = arith.constant 0 : i32
        %dma_start3A_233 = tpu.memref_slice %arg2[%dma_start3A_231, %dma_start3A_232] : memref<10240x64xf32, #tpu.memory_space<hbm>> -> memref<10240x64xf32, #tpu.memory_space<hbm>>
        tpu.enqueue_indirect_dma source(%dma_start3A_233 : memref<10240x64xf32, #tpu.memory_space<hbm>>) target(%dma_start3A_227 : memref<80x64xf32, #tpu.memory_space<vmem>>) offsets(%dma_start3A_230 : memref<80xi32, #tpu.memory_space<vmem>>) semaphore(%arg11 : memref<!tpu.dma_semaphore, #tpu.memory_space<semaphore_mem>>)
      } else {
      }
      %jit3A = arith.constant 12 : i32
      %eq3A = arith.constant 0 : i32
      %eq3A_160 = arith.cmpi eq, %jit3A, %eq3A : i32
      %jit3A_161 = arith.constant 1 : i32
      %select_n3A = arith.select %eq3A_160, %jit3A_161, %jit3A : i32
      %rem3A = arith.remsi %scan3A_151, %select_n3A : i32
      %ne3A = arith.constant 0 : i32
      %ne3A_162 = arith.cmpi ne, %rem3A, %ne3A : i32
      %lt3A_163 = arith.constant 0 : i32
      %lt3A_164 = arith.cmpi slt, %rem3A, %lt3A_163 : i32
      %lt3A_165 = arith.constant 0 : i32
      %lt3A_166 = arith.cmpi slt, %select_n3A, %lt3A_165 : i32
      %ne3A_167 = arith.xori %lt3A_164, %lt3A_166 : i1
      %and3A = arith.andi %ne3A_167, %ne3A_162 : i1
      %add3A_168 = arith.addi %rem3A, %select_n3A : i32
      %select_n3A_169 = arith.select %and3A, %add3A_168, %rem3A : i32
      %dma_wait3A_170 = arith.constant 0 : i32
      %dma_wait3A_171 = arith.constant 0 : i32
      %dma_wait3A_172 = tpu.memref_slice %arg9[%select_n3A_169, %dma_wait3A_170, %dma_wait3A_171] : memref<12x80x64xf32, #tpu.memory_space<vmem>> -> memref<1x80x64xf32, #tpu.memory_space<vmem>>
      %dma_wait3A_173 = tpu.memref_squeeze %dma_wait3A_172 : memref<1x80x64xf32, #tpu.memory_space<vmem>> -> memref<80x64xf32, #tpu.memory_space<vmem>>
      %dma_wait3A_174 = arith.constant 0 : i32
      %dma_wait3A_175 = tpu.memref_slice %arg7[%scan3A_151, %dma_wait3A_174] : memref<125x80xi32, #tpu.memory_space<vmem>> -> memref<1x80xi32, #tpu.memory_space<vmem>>
      %dma_wait3A_176 = tpu.memref_squeeze %dma_wait3A_175 : memref<1x80xi32, #tpu.memory_space<vmem>> -> memref<80xi32, #tpu.memory_space<vmem>>
      %dma_wait3A_177 = arith.constant 0 : i32
      %dma_wait3A_178 = arith.constant 0 : i32
      %dma_wait3A_179 = tpu.memref_slice %arg2[%dma_wait3A_177, %dma_wait3A_178] : memref<10240x64xf32, #tpu.memory_space<hbm>> -> memref<10240x64xf32, #tpu.memory_space<hbm>>
      tpu.wait_indirect_dma semaphore(%arg11 : memref<!tpu.dma_semaphore, #tpu.memory_space<semaphore_mem>>) src(%dma_wait3A_179 : memref<10240x64xf32, #tpu.memory_space<hbm>>) dst(%dma_wait3A_173 : memref<80x64xf32, #tpu.memory_space<vmem>>)
      %jit3A_180 = arith.constant 12 : i32
      %eq3A_181 = arith.constant 0 : i32
      %eq3A_182 = arith.cmpi eq, %jit3A_180, %eq3A_181 : i32
      %jit3A_183 = arith.constant 1 : i32
      %select_n3A_184 = arith.select %eq3A_182, %jit3A_183, %jit3A_180 : i32
      %rem3A_185 = arith.remsi %scan3A_151, %select_n3A_184 : i32
      %ne3A_186 = arith.constant 0 : i32
      %ne3A_187 = arith.cmpi ne, %rem3A_185, %ne3A_186 : i32
      %lt3A_188 = arith.constant 0 : i32
      %lt3A_189 = arith.cmpi slt, %rem3A_185, %lt3A_188 : i32
      %lt3A_190 = arith.constant 0 : i32
      %lt3A_191 = arith.cmpi slt, %select_n3A_184, %lt3A_190 : i32
      %ne3A_192 = arith.xori %lt3A_189, %lt3A_191 : i1
      %and3A_193 = arith.andi %ne3A_192, %ne3A_187 : i1
      %add3A_194 = arith.addi %rem3A_185, %select_n3A_184 : i32
      %select_n3A_195 = arith.select %and3A_193, %add3A_194, %rem3A_185 : i32
      %dma_start3A_196 = arith.constant 0 : i32
      %dma_start3A_197 = arith.constant 0 : i32
      %dma_start3A_198 = tpu.memref_slice %arg9[%select_n3A_195, %dma_start3A_196, %dma_start3A_197] : memref<12x80x64xf32, #tpu.memory_space<vmem>> -> memref<1x80x64xf32, #tpu.memory_space<vmem>>
      %dma_start3A_199 = tpu.memref_squeeze %dma_start3A_198 : memref<1x80x64xf32, #tpu.memory_space<vmem>> -> memref<80x64xf32, #tpu.memory_space<vmem>>
      %dma_start3A_200 = arith.constant 0 : i32
      %dma_start3A_201 = tpu.memref_slice %arg8[%scan3A_151, %dma_start3A_200] : memref<125x80xi32, #tpu.memory_space<vmem>> -> memref<1x80xi32, #tpu.memory_space<vmem>>
      %dma_start3A_202 = tpu.memref_squeeze %dma_start3A_201 : memref<1x80xi32, #tpu.memory_space<vmem>> -> memref<80xi32, #tpu.memory_space<vmem>>
      %dma_start3A_203 = arith.constant 0 : i32
      %dma_start3A_204 = arith.constant 0 : i32
      %dma_start3A_205 = tpu.memref_slice %arg10[%dma_start3A_203, %dma_start3A_204] : memref<10240x64xf32, #tpu.memory_space<vmem_shared>> -> memref<10240x64xf32, #tpu.memory_space<vmem_shared>>
      tpu.enqueue_indirect_dma source(%dma_start3A_199 : memref<80x64xf32, #tpu.memory_space<vmem>>) target(%dma_start3A_205 : memref<10240x64xf32, #tpu.memory_space<vmem_shared>>) offsets(%dma_start3A_202 : memref<80xi32, #tpu.memory_space<vmem>>) semaphore(%arg12 : memref<!tpu.dma_semaphore, #tpu.memory_space<semaphore_mem>>) {add = true}
    }
    %scan3A_78 = arith.constant 125 : i32
    %dma_wait3A = arith.constant 11 : i32
    %dma_wait3A_79 = arith.constant 119 : i32
    %dma_wait3A_80 = arith.constant 0 : i32
    %dma_wait3A_81 = arith.constant 0 : i32
    %dma_wait3A_82 = tpu.memref_slice %arg9[%dma_wait3A, %dma_wait3A_80, %dma_wait3A_81] : memref<12x80x64xf32, #tpu.memory_space<vmem>> -> memref<1x80x64xf32, #tpu.memory_space<vmem>>
    %dma_wait3A_83 = tpu.memref_squeeze %dma_wait3A_82 : memref<1x80x64xf32, #tpu.memory_space<vmem>> -> memref<80x64xf32, #tpu.memory_space<vmem>>
    %dma_wait3A_84 = arith.constant 0 : i32
    %dma_wait3A_85 = tpu.memref_slice %arg8[%dma_wait3A_79, %dma_wait3A_84] : memref<125x80xi32, #tpu.memory_space<vmem>> -> memref<1x80xi32, #tpu.memory_space<vmem>>
    %dma_wait3A_86 = tpu.memref_squeeze %dma_wait3A_85 : memref<1x80xi32, #tpu.memory_space<vmem>> -> memref<80xi32, #tpu.memory_space<vmem>>
    %dma_wait3A_87 = arith.constant 0 : i32
    %dma_wait3A_88 = arith.constant 0 : i32
    %dma_wait3A_89 = tpu.memref_slice %arg10[%dma_wait3A_87, %dma_wait3A_88] : memref<10240x64xf32, #tpu.memory_space<vmem_shared>> -> memref<10240x64xf32, #tpu.memory_space<vmem_shared>>
    tpu.wait_indirect_dma semaphore(%arg12 : memref<!tpu.dma_semaphore, #tpu.memory_space<semaphore_mem>>) src(%dma_wait3A_83 : memref<80x64xf32, #tpu.memory_space<vmem>>) dst(%dma_wait3A_89 : memref<10240x64xf32, #tpu.memory_space<vmem_shared>>)
    %dma_wait3A_90 = arith.constant 0 : i32
    %dma_wait3A_91 = arith.constant 120 : i32
    %dma_wait3A_92 = arith.constant 0 : i32
    %dma_wait3A_93 = arith.constant 0 : i32
    %dma_wait3A_94 = tpu.memref_slice %arg9[%dma_wait3A_90, %dma_wait3A_92, %dma_wait3A_93] : memref<12x80x64xf32, #tpu.memory_space<vmem>> -> memref<1x80x64xf32, #tpu.memory_space<vmem>>
    %dma_wait3A_95 = tpu.memref_squeeze %dma_wait3A_94 : memref<1x80x64xf32, #tpu.memory_space<vmem>> -> memref<80x64xf32, #tpu.memory_space<vmem>>
    %dma_wait3A_96 = arith.constant 0 : i32
    %dma_wait3A_97 = tpu.memref_slice %arg8[%dma_wait3A_91, %dma_wait3A_96] : memref<125x80xi32, #tpu.memory_space<vmem>> -> memref<1x80xi32, #tpu.memory_space<vmem>>
    %dma_wait3A_98 = tpu.memref_squeeze %dma_wait3A_97 : memref<1x80xi32, #tpu.memory_space<vmem>> -> memref<80xi32, #tpu.memory_space<vmem>>
    %dma_wait3A_99 = arith.constant 0 : i32
    %dma_wait3A_100 = arith.constant 0 : i32
    %dma_wait3A_101 = tpu.memref_slice %arg10[%dma_wait3A_99, %dma_wait3A_100] : memref<10240x64xf32, #tpu.memory_space<vmem_shared>> -> memref<10240x64xf32, #tpu.memory_space<vmem_shared>>
    tpu.wait_indirect_dma semaphore(%arg12 : memref<!tpu.dma_semaphore, #tpu.memory_space<semaphore_mem>>) src(%dma_wait3A_95 : memref<80x64xf32, #tpu.memory_space<vmem>>) dst(%dma_wait3A_101 : memref<10240x64xf32, #tpu.memory_space<vmem_shared>>)
    %dma_wait3A_102 = arith.constant 1 : i32
    %dma_wait3A_103 = arith.constant 121 : i32
    %dma_wait3A_104 = arith.constant 0 : i32
    %dma_wait3A_105 = arith.constant 0 : i32
    %dma_wait3A_106 = tpu.memref_slice %arg9[%dma_wait3A_102, %dma_wait3A_104, %dma_wait3A_105] : memref<12x80x64xf32, #tpu.memory_space<vmem>> -> memref<1x80x64xf32, #tpu.memory_space<vmem>>
    %dma_wait3A_107 = tpu.memref_squeeze %dma_wait3A_106 : memref<1x80x64xf32, #tpu.memory_space<vmem>> -> memref<80x64xf32, #tpu.memory_space<vmem>>
    %dma_wait3A_108 = arith.constant 0 : i32
    %dma_wait3A_109 = tpu.memref_slice %arg8[%dma_wait3A_103, %dma_wait3A_108] : memref<125x80xi32, #tpu.memory_space<vmem>> -> memref<1x80xi32, #tpu.memory_space<vmem>>
    %dma_wait3A_110 = tpu.memref_squeeze %dma_wait3A_109 : memref<1x80xi32, #tpu.memory_space<vmem>> -> memref<80xi32, #tpu.memory_space<vmem>>
    %dma_wait3A_111 = arith.constant 0 : i32
    %dma_wait3A_112 = arith.constant 0 : i32
    %dma_wait3A_113 = tpu.memref_slice %arg10[%dma_wait3A_111, %dma_wait3A_112] : memref<10240x64xf32, #tpu.memory_space<vmem_shared>> -> memref<10240x64xf32, #tpu.memory_space<vmem_shared>>
    tpu.wait_indirect_dma semaphore(%arg12 : memref<!tpu.dma_semaphore, #tpu.memory_space<semaphore_mem>>) src(%dma_wait3A_107 : memref<80x64xf32, #tpu.memory_space<vmem>>) dst(%dma_wait3A_113 : memref<10240x64xf32, #tpu.memory_space<vmem_shared>>)
    %dma_wait3A_114 = arith.constant 2 : i32
    %dma_wait3A_115 = arith.constant 122 : i32
    %dma_wait3A_116 = arith.constant 0 : i32
    %dma_wait3A_117 = arith.constant 0 : i32
    %dma_wait3A_118 = tpu.memref_slice %arg9[%dma_wait3A_114, %dma_wait3A_116, %dma_wait3A_117] : memref<12x80x64xf32, #tpu.memory_space<vmem>> -> memref<1x80x64xf32, #tpu.memory_space<vmem>>
    %dma_wait3A_119 = tpu.memref_squeeze %dma_wait3A_118 : memref<1x80x64xf32, #tpu.memory_space<vmem>> -> memref<80x64xf32, #tpu.memory_space<vmem>>
    %dma_wait3A_120 = arith.constant 0 : i32
    %dma_wait3A_121 = tpu.memref_slice %arg8[%dma_wait3A_115, %dma_wait3A_120] : memref<125x80xi32, #tpu.memory_space<vmem>> -> memref<1x80xi32, #tpu.memory_space<vmem>>
    %dma_wait3A_122 = tpu.memref_squeeze %dma_wait3A_121 : memref<1x80xi32, #tpu.memory_space<vmem>> -> memref<80xi32, #tpu.memory_space<vmem>>
    %dma_wait3A_123 = arith.constant 0 : i32
    %dma_wait3A_124 = arith.constant 0 : i32
    %dma_wait3A_125 = tpu.memref_slice %arg10[%dma_wait3A_123, %dma_wait3A_124] : memref<10240x64xf32, #tpu.memory_space<vmem_shared>> -> memref<10240x64xf32, #tpu.memory_space<vmem_shared>>
    tpu.wait_indirect_dma semaphore(%arg12 : memref<!tpu.dma_semaphore, #tpu.memory_space<semaphore_mem>>) src(%dma_wait3A_119 : memref<80x64xf32, #tpu.memory_space<vmem>>) dst(%dma_wait3A_125 : memref<10240x64xf32, #tpu.memory_space<vmem_shared>>)
    %dma_wait3A_126 = arith.constant 3 : i32
    %dma_wait3A_127 = arith.constant 123 : i32
    %dma_wait3A_128 = arith.constant 0 : i32
    %dma_wait3A_129 = arith.constant 0 : i32
    %dma_wait3A_130 = tpu.memref_slice %arg9[%dma_wait3A_126, %dma_wait3A_128, %dma_wait3A_129] : memref<12x80x64xf32, #tpu.memory_space<vmem>> -> memref<1x80x64xf32, #tpu.memory_space<vmem>>
    %dma_wait3A_131 = tpu.memref_squeeze %dma_wait3A_130 : memref<1x80x64xf32, #tpu.memory_space<vmem>> -> memref<80x64xf32, #tpu.memory_space<vmem>>
    %dma_wait3A_132 = arith.constant 0 : i32
    %dma_wait3A_133 = tpu.memref_slice %arg8[%dma_wait3A_127, %dma_wait3A_132] : memref<125x80xi32, #tpu.memory_space<vmem>> -> memref<1x80xi32, #tpu.memory_space<vmem>>
    %dma_wait3A_134 = tpu.memref_squeeze %dma_wait3A_133 : memref<1x80xi32, #tpu.memory_space<vmem>> -> memref<80xi32, #tpu.memory_space<vmem>>
    %dma_wait3A_135 = arith.constant 0 : i32
    %dma_wait3A_136 = arith.constant 0 : i32
    %dma_wait3A_137 = tpu.memref_slice %arg10[%dma_wait3A_135, %dma_wait3A_136] : memref<10240x64xf32, #tpu.memory_space<vmem_shared>> -> memref<10240x64xf32, #tpu.memory_space<vmem_shared>>
    tpu.wait_indirect_dma semaphore(%arg12 : memref<!tpu.dma_semaphore, #tpu.memory_space<semaphore_mem>>) src(%dma_wait3A_131 : memref<80x64xf32, #tpu.memory_space<vmem>>) dst(%dma_wait3A_137 : memref<10240x64xf32, #tpu.memory_space<vmem_shared>>)
    %dma_wait3A_138 = arith.constant 4 : i32
    %dma_wait3A_139 = arith.constant 124 : i32
    %dma_wait3A_140 = arith.constant 0 : i32
    %dma_wait3A_141 = arith.constant 0 : i32
    %dma_wait3A_142 = tpu.memref_slice %arg9[%dma_wait3A_138, %dma_wait3A_140, %dma_wait3A_141] : memref<12x80x64xf32, #tpu.memory_space<vmem>> -> memref<1x80x64xf32, #tpu.memory_space<vmem>>
    %dma_wait3A_143 = tpu.memref_squeeze %dma_wait3A_142 : memref<1x80x64xf32, #tpu.memory_space<vmem>> -> memref<80x64xf32, #tpu.memory_space<vmem>>
    %dma_wait3A_144 = arith.constant 0 : i32
    %dma_wait3A_145 = tpu.memref_slice %arg8[%dma_wait3A_139, %dma_wait3A_144] : memref<125x80xi32, #tpu.memory_space<vmem>> -> memref<1x80xi32, #tpu.memory_space<vmem>>
    %dma_wait3A_146 = tpu.memref_squeeze %dma_wait3A_145 : memref<1x80xi32, #tpu.memory_space<vmem>> -> memref<80xi32, #tpu.memory_space<vmem>>
    %dma_wait3A_147 = arith.constant 0 : i32
    %dma_wait3A_148 = arith.constant 0 : i32
    %dma_wait3A_149 = tpu.memref_slice %arg10[%dma_wait3A_147, %dma_wait3A_148] : memref<10240x64xf32, #tpu.memory_space<vmem_shared>> -> memref<10240x64xf32, #tpu.memory_space<vmem_shared>>
    tpu.wait_indirect_dma semaphore(%arg12 : memref<!tpu.dma_semaphore, #tpu.memory_space<semaphore_mem>>) src(%dma_wait3A_143 : memref<80x64xf32, #tpu.memory_space<vmem>>) dst(%dma_wait3A_149 : memref<10240x64xf32, #tpu.memory_space<vmem_shared>>)
    %barrier3A_150 = arith.constant 0 : index
    tpu.barrier barrier_id(%barrier3A_150)
    "tpu.region"() ({
      %run_scoped3A = tpu.sem_alloc : memref<!tpu.dma_semaphore, #tpu.memory_space<semaphore_mem>>
      %dma_start3A_151 = arith.constant 0 : i32
      %dma_start3A_152 = tpu.memref_slice %arg6[%arg0, %mul3A_2, %dma_start3A_151] : memref<2x10240x64xf32, #tpu.memory_space<hbm>> -> memref<1x640x64xf32, #tpu.memory_space<hbm>>
      %dma_start3A_153 = tpu.memref_squeeze %dma_start3A_152 : memref<1x640x64xf32, #tpu.memory_space<hbm>> -> memref<640x64xf32, #tpu.memory_space<hbm>>
      %dma_start3A_154 = arith.constant 0 : i32
      %dma_start3A_155 = tpu.memref_slice %arg10[%mul3A_2, %dma_start3A_154] : memref<10240x64xf32, #tpu.memory_space<vmem_shared>> -> memref<640x64xf32, #tpu.memory_space<vmem_shared>>
      tpu.enqueue_dma source(%dma_start3A_155 : memref<640x64xf32, #tpu.memory_space<vmem_shared>>) target(%dma_start3A_153 : memref<640x64xf32, #tpu.memory_space<hbm>>) target_semaphore(%run_scoped3A : memref<!tpu.dma_semaphore, #tpu.memory_space<semaphore_mem>>)
      %dma_wait3A_156 = arith.constant 0 : i32
      %dma_wait3A_157 = tpu.memref_slice %arg6[%arg0, %mul3A_2, %dma_wait3A_156] : memref<2x10240x64xf32, #tpu.memory_space<hbm>> -> memref<1x640x64xf32, #tpu.memory_space<hbm>>
      %dma_wait3A_158 = tpu.memref_squeeze %dma_wait3A_157 : memref<1x640x64xf32, #tpu.memory_space<hbm>> -> memref<640x64xf32, #tpu.memory_space<hbm>>
      %dma_wait3A_159 = arith.constant 0 : i32
      %dma_wait3A_160 = tpu.memref_slice %arg10[%mul3A_2, %dma_wait3A_159] : memref<10240x64xf32, #tpu.memory_space<vmem_shared>> -> memref<640x64xf32, #tpu.memory_space<vmem_shared>>
      tpu.wait_dma2 semaphore(%run_scoped3A : memref<!tpu.dma_semaphore, #tpu.memory_space<semaphore_mem>>) src(%dma_wait3A_160 : memref<640x64xf32, #tpu.memory_space<vmem_shared>>) dst(%dma_wait3A_158 : memref<640x64xf32, #tpu.memory_space<hbm>>)
      tpu.yield
    }) : () -> ()
    return
  }
}

module attributes {stable_mosaic.version = 14 : i64} {
  func.func @_prep_body(%arg0: memref<10240x128xf32, #tpu.memory_space<vmem>>, %arg1: memref<128x64xf32, #tpu.memory_space<vmem>>, %arg2: memref<2x10240x16xf32, #tpu.memory_space<vmem>>, %arg3: memref<10240x64xf32, #tpu.memory_space<vmem>>, %arg4: memref<10240x1xf32, #tpu.memory_space<vmem>>) attributes {dimension_semantics = [], scalar_prefetch = 0 : i64, scratch_operands = 0 : i64, tpu.core_type = #tpu.core_type<tc>} {
    %get3A = arith.constant 0 : index
    %get3A_0 = arith.constant 0 : index
    %get3A_1 = arith.constant 0 : index
    %get3A_2 = vector.load %arg2[%get3A, %get3A_0, %get3A_1] : memref<2x10240x16xf32, #tpu.memory_space<vmem>>, vector<1x10240x1xf32>
    %get3A_3 = vector.shape_cast %get3A_2 : vector<1x10240x1xf32> to vector<10240x1xf32>
    %get3A_4 = arith.constant 1 : index
    %get3A_5 = arith.constant 0 : index
    %get3A_6 = arith.constant 0 : index
    %get3A_7 = vector.load %arg2[%get3A_4, %get3A_5, %get3A_6] : memref<2x10240x16xf32, #tpu.memory_space<vmem>>, vector<1x10240x1xf32>
    %get3A_8 = vector.shape_cast %get3A_7 : vector<1x10240x1xf32> to vector<10240x1xf32>
    %add3A = arith.addf %get3A_3, %get3A_8 : vector<10240x1xf32>
    %add3A_9 = arith.constant 1.000000e+00 : f32
    %add3A_10 = vector.broadcast %add3A_9 : f32 to vector<10240x1xf32>
    %add3A_11 = arith.addf %add3A, %add3A_10 : vector<10240x1xf32>
    %max3A = arith.constant 1.000000e+00 : f32
    %max3A_12 = vector.broadcast %max3A : f32 to vector<10240x1xf32>
    %max3A_13 = arith.maximumf %add3A_11, %max3A_12 : vector<10240x1xf32>
    %rsqrt3A = math.rsqrt %max3A_13 : vector<10240x1xf32>
    %swap3A = arith.constant 0 : index
    %swap3A_14 = arith.constant 0 : index
    %swap3A_15 = vector.load %arg4[%swap3A, %swap3A_14] : memref<10240x1xf32, #tpu.memory_space<vmem>>, vector<10240x1xf32>
    tpu.vector_store %arg4[%swap3A, %swap3A_14], %rsqrt3A {strides = array<i32>} : memref<10240x1xf32, #tpu.memory_space<vmem>>, vector<10240x1xf32>,
    %get3A_16 = arith.constant 0 : index
    %get3A_17 = arith.constant 0 : index
    %get3A_18 = vector.load %arg0[%get3A_16, %get3A_17] : memref<10240x128xf32, #tpu.memory_space<vmem>>, vector<10240x128xf32>
    %get3A_19 = arith.constant 0 : index
    %get3A_20 = arith.constant 0 : index
    %get3A_21 = vector.load %arg1[%get3A_19, %get3A_20] : memref<128x64xf32, #tpu.memory_space<vmem>>, vector<128x64xf32>
    %dot_general3A = arith.constant dense<0.000000e+00> : vector<10240x64xf32>
    %dot_general3A_22 = tpu.matmul %get3A_18, %get3A_21, %dot_general3A {dimension_numbers = #tpu.dot_dimension_numbers<[1], [0], [0], [1], [0, 0, 1, 1], [], []>, transpose_lhs_hint = false} : vector<10240x128xf32>, vector<128x64xf32>, vector<10240x64xf32> -> vector<10240x64xf32>
    %mul3A = vector.broadcast %rsqrt3A : vector<10240x1xf32> to vector<10240x64xf32>
    %mul3A_23 = arith.mulf %dot_general3A_22, %mul3A : vector<10240x64xf32>
    %swap3A_24 = arith.constant 0 : index
    %swap3A_25 = arith.constant 0 : index
    %swap3A_26 = vector.load %arg3[%swap3A_24, %swap3A_25] : memref<10240x64xf32, #tpu.memory_space<vmem>>, vector<10240x64xf32>
    tpu.vector_store %arg3[%swap3A_24, %swap3A_25], %mul3A_23 {strides = array<i32>} : memref<10240x64xf32, #tpu.memory_space<vmem>>, vector<10240x64xf32>,
    return
  }
}

module attributes {stable_mosaic.version = 14 : i64} {
  func.func @_mid_body(%arg0: memref<2x10240x64xf32, #tpu.memory_space<vmem>>, %arg1: memref<10240x64xf32, #tpu.memory_space<vmem>>, %arg2: memref<10240x1xf32, #tpu.memory_space<vmem>>, %arg3: memref<1x64xf32, #tpu.memory_space<vmem>>, %arg4: memref<1x64xf32, #tpu.memory_space<vmem>>, %arg5: memref<1x64xf32, #tpu.memory_space<vmem>>, %arg6: memref<64x64xf32, #tpu.memory_space<vmem>>, %arg7: memref<10240x64xf32, #tpu.memory_space<vmem>>) attributes {dimension_semantics = [], scalar_prefetch = 0 : i64, scratch_operands = 0 : i64, tpu.core_type = #tpu.core_type<tc>} {
    %get3A = arith.constant 0 : index
    %get3A_0 = arith.constant 0 : index
    %get3A_1 = vector.load %arg2[%get3A, %get3A_0] : memref<10240x1xf32, #tpu.memory_space<vmem>>, vector<10240x1xf32>
    %get3A_2 = arith.constant 0 : index
    %get3A_3 = arith.constant 0 : index
    %get3A_4 = arith.constant 0 : index
    %get3A_5 = vector.load %arg0[%get3A_2, %get3A_3, %get3A_4] : memref<2x10240x64xf32, #tpu.memory_space<vmem>>, vector<1x10240x64xf32>
    %get3A_6 = vector.shape_cast %get3A_5 : vector<1x10240x64xf32> to vector<10240x64xf32>
    %get3A_7 = arith.constant 1 : index
    %get3A_8 = arith.constant 0 : index
    %get3A_9 = arith.constant 0 : index
    %get3A_10 = vector.load %arg0[%get3A_7, %get3A_8, %get3A_9] : memref<2x10240x64xf32, #tpu.memory_space<vmem>>, vector<1x10240x64xf32>
    %get3A_11 = vector.shape_cast %get3A_10 : vector<1x10240x64xf32> to vector<10240x64xf32>
    %add3A = arith.addf %get3A_6, %get3A_11 : vector<10240x64xf32>
    %get3A_12 = arith.constant 0 : index
    %get3A_13 = arith.constant 0 : index
    %get3A_14 = vector.load %arg1[%get3A_12, %get3A_13] : memref<10240x64xf32, #tpu.memory_space<vmem>>, vector<10240x64xf32>
    %add3A_15 = arith.addf %add3A, %get3A_14 : vector<10240x64xf32>
    %mul3A = vector.broadcast %get3A_1 : vector<10240x1xf32> to vector<10240x64xf32>
    %mul3A_16 = arith.mulf %mul3A, %add3A_15 : vector<10240x64xf32>
    %get3A_17 = arith.constant 0 : index
    %get3A_18 = arith.constant 0 : index
    %get3A_19 = vector.load %arg3[%get3A_17, %get3A_18] : memref<1x64xf32, #tpu.memory_space<vmem>>, vector<1x64xf32>
    %add3A_20 = vector.broadcast %get3A_19 : vector<1x64xf32> to vector<10240x64xf32>
    %add3A_21 = arith.addf %mul3A_16, %add3A_20 : vector<10240x64xf32>
    %iota3A = tpu.iota {dimensions = array<i32: 0>} : vector<10240x64xi32>
    %lt3A = arith.constant 10000 : i32
    %lt3A_22 = vector.broadcast %lt3A : i32 to vector<10240x64xi32>
    %lt3A_23 = arith.cmpi slt, %iota3A, %lt3A_22 : vector<10240x64xi32>
    %jit3A = arith.constant 0.000000e+00 : f32
    %broadcast_in_dim3A = vector.broadcast %jit3A : f32 to vector<10240x64xf32>
    %select_n3A = arith.select %lt3A_23, %add3A_21, %broadcast_in_dim3A : vector<10240x64xi1>, vector<10240x64xf32>
    %reduce_sum3A = arith.constant dense<0.000000e+00> : vector<64xf32>
    %reduce_sum3A_24 = vector.multi_reduction <add>, %select_n3A, %reduce_sum3A [0] : vector<10240x64xf32> to vector<64xf32>
    %broadcast_in_dim3A_25 = vector.shape_cast %reduce_sum3A_24 : vector<64xf32> to vector<1x64xf32>
    %mul3A_26 = arith.constant 9.99999974E-5 : f32
    %mul3A_27 = vector.broadcast %mul3A_26 : f32 to vector<1x64xf32>
    %mul3A_28 = arith.mulf %broadcast_in_dim3A_25, %mul3A_27 : vector<1x64xf32>
    %sub3A = vector.broadcast %mul3A_28 : vector<1x64xf32> to vector<10240x64xf32>
    %sub3A_29 = arith.subf %add3A_21, %sub3A : vector<10240x64xf32>
    %jit3A_30 = arith.constant 0.000000e+00 : f32
    %broadcast_in_dim3A_31 = vector.broadcast %jit3A_30 : f32 to vector<10240x64xf32>
    %select_n3A_32 = arith.select %lt3A_23, %sub3A_29, %broadcast_in_dim3A_31 : vector<10240x64xi1>, vector<10240x64xf32>
    %mul3A_33 = arith.mulf %select_n3A_32, %select_n3A_32 : vector<10240x64xf32>
    %reduce_sum3A_34 = arith.constant dense<0.000000e+00> : vector<64xf32>
    %reduce_sum3A_35 = vector.multi_reduction <add>, %mul3A_33, %reduce_sum3A_34 [0] : vector<10240x64xf32> to vector<64xf32>
    %broadcast_in_dim3A_36 = vector.shape_cast %reduce_sum3A_35 : vector<64xf32> to vector<1x64xf32>
    %mul3A_37 = arith.constant 9.99999974E-5 : f32
    %mul3A_38 = vector.broadcast %mul3A_37 : f32 to vector<1x64xf32>
    %mul3A_39 = arith.mulf %broadcast_in_dim3A_36, %mul3A_38 : vector<1x64xf32>
    %get3A_40 = arith.constant 0 : index
    %get3A_41 = arith.constant 0 : index
    %get3A_42 = vector.load %arg4[%get3A_40, %get3A_41] : memref<1x64xf32, #tpu.memory_space<vmem>>, vector<1x64xf32>
    %sub3A_43 = vector.broadcast %mul3A_28 : vector<1x64xf32> to vector<10240x64xf32>
    %sub3A_44 = arith.subf %add3A_21, %sub3A_43 : vector<10240x64xf32>
    %mul3A_45 = vector.broadcast %get3A_42 : vector<1x64xf32> to vector<10240x64xf32>
    %mul3A_46 = arith.mulf %mul3A_45, %sub3A_44 : vector<10240x64xf32>
    %add3A_47 = arith.constant 9.99999974E-6 : f32
    %add3A_48 = vector.broadcast %add3A_47 : f32 to vector<1x64xf32>
    %add3A_49 = arith.addf %mul3A_39, %add3A_48 : vector<1x64xf32>
    %rsqrt3A = math.rsqrt %add3A_49 : vector<1x64xf32>
    %mul3A_50 = vector.broadcast %rsqrt3A : vector<1x64xf32> to vector<10240x64xf32>
    %mul3A_51 = arith.mulf %mul3A_46, %mul3A_50 : vector<10240x64xf32>
    %get3A_52 = arith.constant 0 : index
    %get3A_53 = arith.constant 0 : index
    %get3A_54 = vector.load %arg5[%get3A_52, %get3A_53] : memref<1x64xf32, #tpu.memory_space<vmem>>, vector<1x64xf32>
    %add3A_55 = vector.broadcast %get3A_54 : vector<1x64xf32> to vector<10240x64xf32>
    %add3A_56 = arith.addf %mul3A_51, %add3A_55 : vector<10240x64xf32>
    %max3A = arith.constant 0.000000e+00 : f32
    %max3A_57 = vector.broadcast %max3A : f32 to vector<10240x64xf32>
    %max3A_58 = arith.maximumf %add3A_56, %max3A_57 : vector<10240x64xf32>
    %get3A_59 = arith.constant 0 : index
    %get3A_60 = arith.constant 0 : index
    %get3A_61 = vector.load %arg6[%get3A_59, %get3A_60] : memref<64x64xf32, #tpu.memory_space<vmem>>, vector<64x64xf32>
    %dot_general3A = arith.constant dense<0.000000e+00> : vector<10240x64xf32>
    %dot_general3A_62 = tpu.matmul %max3A_58, %get3A_61, %dot_general3A {dimension_numbers = #tpu.dot_dimension_numbers<[1], [0], [0], [1], [0, 0, 1, 1], [], []>, transpose_lhs_hint = false} : vector<10240x64xf32>, vector<64x64xf32>, vector<10240x64xf32> -> vector<10240x64xf32>
    %mul3A_63 = vector.broadcast %get3A_1 : vector<10240x1xf32> to vector<10240x64xf32>
    %mul3A_64 = arith.mulf %dot_general3A_62, %mul3A_63 : vector<10240x64xf32>
    %swap3A = arith.constant 0 : index
    %swap3A_65 = arith.constant 0 : index
    %swap3A_66 = vector.load %arg7[%swap3A, %swap3A_65] : memref<10240x64xf32, #tpu.memory_space<vmem>>, vector<10240x64xf32>
    tpu.vector_store %arg7[%swap3A, %swap3A_65], %mul3A_64 {strides = array<i32>} : memref<10240x64xf32, #tpu.memory_space<vmem>>, vector<10240x64xf32>,
    return
  }
}

module attributes {stable_mosaic.version = 14 : i64} {
  func.func @_head_body(%arg0: memref<2x10240x64xf32, #tpu.memory_space<vmem>>, %arg1: memref<10240x64xf32, #tpu.memory_space<vmem>>, %arg2: memref<10240x1xf32, #tpu.memory_space<vmem>>, %arg3: memref<1x64xf32, #tpu.memory_space<vmem>>, %arg4: memref<64x4xf32, #tpu.memory_space<vmem>>, %arg5: memref<1x4xf32, #tpu.memory_space<vmem>>, %arg6: memref<64x4xf32, #tpu.memory_space<vmem>>, %arg7: memref<1x4xf32, #tpu.memory_space<vmem>>, %arg8: memref<10240x4xf32, #tpu.memory_space<vmem>>, %arg9: memref<10240x4xf32, #tpu.memory_space<vmem>>) attributes {dimension_semantics = [], scalar_prefetch = 0 : i64, scratch_operands = 0 : i64, tpu.core_type = #tpu.core_type<tc>} {
    %get3A = arith.constant 0 : index
    %get3A_0 = arith.constant 0 : index
    %get3A_1 = vector.load %arg2[%get3A, %get3A_0] : memref<10240x1xf32, #tpu.memory_space<vmem>>, vector<10240x1xf32>
    %get3A_2 = arith.constant 0 : index
    %get3A_3 = arith.constant 0 : index
    %get3A_4 = arith.constant 0 : index
    %get3A_5 = vector.load %arg0[%get3A_2, %get3A_3, %get3A_4] : memref<2x10240x64xf32, #tpu.memory_space<vmem>>, vector<1x10240x64xf32>
    %get3A_6 = vector.shape_cast %get3A_5 : vector<1x10240x64xf32> to vector<10240x64xf32>
    %get3A_7 = arith.constant 1 : index
    %get3A_8 = arith.constant 0 : index
    %get3A_9 = arith.constant 0 : index
    %get3A_10 = vector.load %arg0[%get3A_7, %get3A_8, %get3A_9] : memref<2x10240x64xf32, #tpu.memory_space<vmem>>, vector<1x10240x64xf32>
    %get3A_11 = vector.shape_cast %get3A_10 : vector<1x10240x64xf32> to vector<10240x64xf32>
    %add3A = arith.addf %get3A_6, %get3A_11 : vector<10240x64xf32>
    %get3A_12 = arith.constant 0 : index
    %get3A_13 = arith.constant 0 : index
    %get3A_14 = vector.load %arg1[%get3A_12, %get3A_13] : memref<10240x64xf32, #tpu.memory_space<vmem>>, vector<10240x64xf32>
    %add3A_15 = arith.addf %add3A, %get3A_14 : vector<10240x64xf32>
    %mul3A = vector.broadcast %get3A_1 : vector<10240x1xf32> to vector<10240x64xf32>
    %mul3A_16 = arith.mulf %mul3A, %add3A_15 : vector<10240x64xf32>
    %get3A_17 = arith.constant 0 : index
    %get3A_18 = arith.constant 0 : index
    %get3A_19 = vector.load %arg3[%get3A_17, %get3A_18] : memref<1x64xf32, #tpu.memory_space<vmem>>, vector<1x64xf32>
    %add3A_20 = vector.broadcast %get3A_19 : vector<1x64xf32> to vector<10240x64xf32>
    %add3A_21 = arith.addf %mul3A_16, %add3A_20 : vector<10240x64xf32>
    %get3A_22 = arith.constant 0 : index
    %get3A_23 = arith.constant 0 : index
    %get3A_24 = vector.load %arg4[%get3A_22, %get3A_23] : memref<64x4xf32, #tpu.memory_space<vmem>>, vector<64x4xf32>
    %dot_general3A = arith.constant dense<0.000000e+00> : vector<10240x4xf32>
    %dot_general3A_25 = tpu.matmul %add3A_21, %get3A_24, %dot_general3A {dimension_numbers = #tpu.dot_dimension_numbers<[1], [0], [0], [1], [0, 0, 1, 1], [], []>, transpose_lhs_hint = false} : vector<10240x64xf32>, vector<64x4xf32>, vector<10240x4xf32> -> vector<10240x4xf32>
    %get3A_26 = arith.constant 0 : index
    %get3A_27 = arith.constant 0 : index
    %get3A_28 = vector.load %arg5[%get3A_26, %get3A_27] : memref<1x4xf32, #tpu.memory_space<vmem>>, vector<1x4xf32>
    %add3A_29 = vector.broadcast %get3A_28 : vector<1x4xf32> to vector<10240x4xf32>
    %add3A_30 = arith.addf %dot_general3A_25, %add3A_29 : vector<10240x4xf32>
    %swap3A = arith.constant 0 : index
    %swap3A_31 = arith.constant 0 : index
    %swap3A_32 = vector.load %arg8[%swap3A, %swap3A_31] : memref<10240x4xf32, #tpu.memory_space<vmem>>, vector<10240x4xf32>
    tpu.vector_store %arg8[%swap3A, %swap3A_31], %add3A_30 {strides = array<i32>} : memref<10240x4xf32, #tpu.memory_space<vmem>>, vector<10240x4xf32>,
    %get3A_33 = arith.constant 0 : index
    %get3A_34 = arith.constant 0 : index
    %get3A_35 = vector.load %arg6[%get3A_33, %get3A_34] : memref<64x4xf32, #tpu.memory_space<vmem>>, vector<64x4xf32>
    %dot_general3A_36 = arith.constant dense<0.000000e+00> : vector<10240x4xf32>
    %dot_general3A_37 = tpu.matmul %add3A_21, %get3A_35, %dot_general3A_36 {dimension_numbers = #tpu.dot_dimension_numbers<[1], [0], [0], [1], [0, 0, 1, 1], [], []>, transpose_lhs_hint = false} : vector<10240x64xf32>, vector<64x4xf32>, vector<10240x4xf32> -> vector<10240x4xf32>
    %get3A_38 = arith.constant 0 : index
    %get3A_39 = arith.constant 0 : index
    %get3A_40 = vector.load %arg7[%get3A_38, %get3A_39] : memref<1x4xf32, #tpu.memory_space<vmem>>, vector<1x4xf32>
    %add3A_41 = vector.broadcast %get3A_40 : vector<1x4xf32> to vector<10240x4xf32>
    %add3A_42 = arith.addf %dot_general3A_37, %add3A_41 : vector<10240x4xf32>
    %swap3A_43 = arith.constant 0 : index
    %swap3A_44 = arith.constant 0 : index
    %swap3A_45 = vector.load %arg9[%swap3A_43, %swap3A_44] : memref<10240x4xf32, #tpu.memory_space<vmem>>, vector<10240x4xf32>
    tpu.vector_store %arg9[%swap3A_43, %swap3A_44], %add3A_42 {strides = array<i32>} : memref<10240x4xf32, #tpu.memory_space<vmem>>, vector<10240x4xf32>,
    return
  }
}

</mosaic_0001>

<sc_bundles>
// kernel: kernel.10.cloned.1.call-start
scs
__scs_entry_jumppad:
0x0: {  	(pc) =	sbr.rel $0x88, $3  }
0x1: {  	(tag) =	ssettag $0x0;
	lr =	simm.s32 $0x1  }
0x2: {  	[smem:$0x3F93] =	sst lr;
	_ =	strace $0xD0000000  }
0x3: {  	_ = 	snop  }
0x4: {  	_ = 	snop  }
0x5: {  	_ = 	snop  }
0x6: {  	_ = 	snop  }
0x7: {  	_ = 	snop  }
__scs_overlays_trampoline_lowered:
0x8: {  	[smem:$0x3FA2] =	sst s0  }
0x9: {  	[smem:$0x3FA3] =	sst s1  }
0xa: {  	[smem:$0x3FA4] =	sst s2  }
0xb: {  	[smem:$0x3FA5] =	sst s3  }
0xc: {  	[smem:$0x3FA6] =	sst s4  }
0xd: {  	[smem:$0x3FA7] =	sst s5  }
0xe: {  	[smem:$0x3FA8] =	sst s6  }
0xf: {  	[smem:$0x3FA9] =	sst s7  }
0x10: {  	[smem:$0x3FAA] =	sst s8  }
0x11: {  	[smem:$0x3FAB] =	sst s9;
	s0 =	simm.s32 @!p0 $0x0  }
0x12: {  	s1 =	sld [smem:$0x3F91];
	s0 =	simm.s32 @p0 $0x1  }
0x13: {  	[smem:$0x3FAC] =	sst s0;
	s0 =	simm.s32 @!p1 $0x0  }
0x14: {  	s2 =	sld [smem:$0x3F90];
	s0 =	simm.s32 @p1 $0x1  }
0x15: {  	[smem:$0x3FAD] =	sst s0;
	s0 =	simm.s32 @!p2 $0x0  }
0x16: {  	s3 =	sld [smem:$0x3FDB];
	s0 =	simm.s32 @p2 $0x1  }
0x17: {  	s4 =	simm.s32 $0x1BF5;
	[smem:$0x3FAF] =	sst s0  }
0x18: {  	s0 =	sld [smem:$0x3F92];
	_ =	swait.ge [sflag:s4], $0x0  }
0x19: {  	s7 =	sld [smem:$0x3F93]  }
0x1a: {  	s8 =	sadd.s32 $0xFFFFE003, lr  }
0x1b: {  	s9 =	sadd.s32 $0xFFFFFEF7, lr;
	s5 =	simm.s32 $0xFFFFFFFF;
	p2 =	slt.u32 s8, $0xFFFFF086  }
0x1c: {  	p1 =	slt.u32 s9, $0xF7A;
	s5 =	simm.s32 @!p2 $0x0  }
0x1d: {  	s5 =	simm.s32 @p1 $0x1;
	p0 =	seq.s32 s7, s2  }
0x1e: {  	s7 =	smul.u32 @!p0 $0xF7A, s2;
	p2 =	seq.s32 @!p0 s5, $0x0  }
0x1f: {  	s9 =	smul.u32 $0xF7A, s1;
	s8 =	simm.s32 @!p0 $0x1BF5;
	p2 =	por !p2, p0  }
0x20: {  	[sflag:s8] =	ssyncset.s32 @!p0 $0xFFFFF086;
	s6 =	sadd.s32 @!p0 s3, s7;
	s7 =	simm.s32 @!p0 $0x108  }
0x21: {  	s3 =	sadd.s32 s3, s9;
	s6 =	sadd.s32 @!p0 $0x88, s6;
	s7 =	simm.s32 @p2 $0x1082  }
0x22: {  	[simem:s7], [sflag:s8] =	dma.local @!p0 [hbm:s6], $0xF7A  }
0x23: {  	s9 =	sor.u32 $0xD0000000, s2;
	s6 =	simm.s32 $0x108;
	_ =	swait.ge @!p0 [sflag:s8], $0x0  }
0x24: {  	s3 =	sadd.s32 $0x88, s3;
	s6 =	simm.s32 @!p1 $0x1082;
	[sflag:s4] =	ssyncset.s32 $0xFFFFF086  }
0x25: {  	[simem:s6], [sflag:s4] =	dma.local [hbm:s3], $0xF7A  }
0x26: {  	[smem:$0x3F93] =	sst s1;
	(tag) =	ssettag s2;
	_ =	strace s9  }
0x27: {  	s1 =	sld [smem:$0x3FA3]  }
0x28: {  	s2 =	sld [smem:$0x3FA4]  }
0x29: {  	s4 =	sld [smem:$0x3FA6]  }
0x2a: {  	p0 =	seq.s32 s5, $0x0;
	s5 =	sld [smem:$0x3FA7]  }
0x2b: {  	s6 =	sld [smem:$0x3FA8]  }
0x2c: {  	s7 =	sld [smem:$0x3FA9]  }
0x2d: {  	s3 =	simm.s32 $0x108;
	s8 =	sld [smem:$0x3FAA]  }
0x2e: {  	s3 =	simm.s32 @!p0 $0x1082;
	s9 =	sld [smem:$0x3FAB]  }
0x2f: {  	lr =	sadd.s32 s0, s3;
	s0 =	sld [smem:$0x3FA2]  }
0x30: {  	s3 =	sld [smem:$0x3FA5]  }
0x31: {  	[smem:$0x3FAE] =	sst s10  }
0x32: {  	s10 =	sld [smem:$0x3FAC];
	_ =	sdelay $0x3  }
0x33: {  	p0 =	seq.s32 s10, $0x1;
	s10 =	sld [smem:$0x3FAE];
	_ =	sdelay $0x3  }
0x34: {  	[smem:$0x3FAE] =	sst s10  }
0x35: {  	s10 =	sld [smem:$0x3FAD];
	_ =	sdelay $0x3  }
0x36: {  	p1 =	seq.s32 s10, $0x1;
	s10 =	sld [smem:$0x3FAE];
	_ =	sdelay $0x3  }
0x37: {  	[smem:$0x3FAE] =	sst s10  }
0x38: {  	s10 =	sld [smem:$0x3FAF]  }
0x39: {  	_ = 	snop;
	(pc) =	sbr.ind lr, $3  }
0x3a: {  	_ = 	snop  }
0x3b: {  	_ = 	snop  }
0x3c: {  	p2 =	seq.s32 s10, $0x1;
	s10 =	sld [smem:$0x3FAE]  }
0x3d: {  	_ =	shalt  }
0x3e: {  	_ =	shalt  }
0x3f: {  	_ =	shalt  }
0x40: {  	_ =	shalt  }
0x41: {  	_ =	shalt  }
0x42: {  	_ =	shalt  }
0x43: {  	_ =	shalt  }
0x44: {  	_ =	shalt  }
0x45: {  	_ =	shalt  }
0x46: {  	_ =	shalt  }
0x47: {  	_ =	shalt  }
0x48: {  	_ =	shalt  }
0x49: {  	_ =	shalt  }
0x4a: {  	_ =	shalt  }
0x4b: {  	_ =	shalt  }
0x4c: {  	_ =	shalt  }
0x4d: {  	_ =	shalt  }
0x4e: {  	_ =	shalt  }
0x4f: {  	_ =	shalt  }
0x50: {  	_ =	shalt  }
0x51: {  	_ =	shalt  }
0x52: {  	_ =	shalt  }
0x53: {  	_ =	shalt  }
0x54: {  	_ =	shalt  }
0x55: {  	_ =	shalt  }
0x56: {  	_ =	shalt  }
0x57: {  	_ =	shalt  }
0x58: {  	_ =	shalt  }
0x59: {  	_ =	shalt  }
0x5a: {  	_ =	shalt  }
0x5b: {  	_ =	shalt  }
0x5c: {  	_ =	shalt  }
0x5d: {  	_ =	shalt  }
0x5e: {  	_ =	shalt  }
0x5f: {  	_ =	shalt  }
0x60: {  	_ =	shalt  }
0x61: {  	_ =	shalt  }
0x62: {  	_ =	shalt  }
0x63: {  	_ =	shalt  }
0x64: {  	_ =	shalt  }
0x65: {  	_ =	shalt  }
0x66: {  	_ =	shalt  }
0x67: {  	_ =	shalt  }
0x68: {  	_ =	shalt  }
0x69: {  	_ =	shalt  }
0x6a: {  	_ =	shalt  }
0x6b: {  	_ =	shalt  }
0x6c: {  	_ =	shalt  }
0x6d: {  	_ =	shalt  }
0x6e: {  	_ =	shalt  }
0x6f: {  	_ =	shalt  }
0x70: {  	_ =	shalt  }
0x71: {  	_ =	shalt  }
0x72: {  	_ =	shalt  }
0x73: {  	_ =	shalt  }
0x74: {  	_ =	shalt  }
0x75: {  	_ =	shalt  }
0x76: {  	_ =	shalt  }
0x77: {  	_ =	shalt  }
0x78: {  	_ =	shalt  }
0x79: {  	_ =	shalt  }
0x7a: {  	_ =	shalt  }
0x7b: {  	_ =	shalt  }
0x7c: {  	_ =	shalt  }
0x7d: {  	_ =	shalt  }
0x7e: {  	_ =	shalt  }
0x7f: {  	_ =	shalt  }
0x80: {  	_ =	shalt  }
0x81: {  	_ =	shalt  }
0x82: {  	_ =	shalt  }
0x83: {  	_ =	shalt  }
0x84: {  	_ =	shalt  }
0x85: {  	_ =	shalt  }
0x86: {  	_ =	shalt  }
0x87: {  	_ =	shalt  }
.Lfunc_end0:
.L_simem_size_0:
called_computation_lowered:
.L_overlay_start_0:
0x88: {  	s2 =	sld [smem:$0x3FD9]  }
0x89: {  	s3 =	sld [smem:$0x3FFE];
	_ =	sdelay $0x1  }
0x8a: {  	s1 =	srdreg.scid  }
0x8b: {  	s0 =	sand.u32 $0x1, s1  }
0x8c: {  	s14 =	sshll.u32 s0, $0xA;
	s2 =	sadd.s32 s3, s2  }
0x8d: {  	s2 =	sadd.s32 s2, s14  }
0x8e: {  	[smem:$0x3FBA] =	sst s2  }
0x8f: {  	_ = 	snop  }
0x90: {  	s2 =	sld [smem:$0x3FD0];
	_ =	sdelay $0x2  }
0x91: {  	s15 =	simm.s32 $0xA;
	s4 =	simm.s32 $0x10  }
0x92: {  	[smem:s4], [sflag:s15] =	dma.local [hbm:s2], $0x1  }
0x93: {  	_ =	swait.eq [sflag:s15], $0x1  }
0x94: {  	[sflag:s15] =	ssyncset.done $0x0  }
0x95: {  	s16 =	sld [smem:$0x10];
	[sflag:s15] =	ssyncadd.s32 $0xFFFFFFFF  }
0x96: {  	s17 =	sld [smem:$0x11];
	(tm) =	ssettm $0x1  }
0x97: {  	s18 =	sld [smem:$0x3FFB];
	_ =	sdelay $0x3  }
0x98: {  	_ =	strace s18  }
0x99: {  	s4 =	sld [smem:$0x3FFC];
	_ =	sdelay $0x3  }
0x9a: {  	_ =	strace s4  }
0x9b: {  	s4 =	sld [smem:$0x3FFD];
	_ =	sdelay $0x3  }
0x9c: {  	_ =	strace s4  }
0x9d: {  	_ =	strace $0x8FFFFFFF  }
0x9e: {  	s19 =	sld [smem:$0x3FDB];
	_ =	sdelay $0x1  }
0x9f: {  	s5 =	simm.s32 $_scs_section_size  }
0xa0: {  	s6 =	simm.s32 $_size__tile_overlayer_lowered;
	s7 =	simm.s32 $_tile_overlayer_lowered  }
0xa1: {  	s22 =	simm.s32 $0x1BFF;
	s21 =	sshll.u32 s7, $0x1;
	s4 =	sadd.s32 s5, s19  }
0xa2: {  	s8 =	simm.s32 $0x0;
	s20 =	sshll.u32 s6, $0x1;
	s6 =	sadd.s32 s21, s4  }
0xa3: {  	[timem:s8], [sflag:s22] =	dma.local [hbm:s6], s20  }
0xa4: {  	_ =	swait.ge [sflag:s22], s20  }
0xa5: {  	s5 =	ssub.s32 $0x0, s20;
	[sflag:s22] =	ssyncset.done $0x0  }
0xa6: {  	[sflag:s22] =	ssyncadd.s32 s5;
	_ =	sdelay $0x1  }
0xa7: {  	s23 =	simm.s32 $0x1B8B  }
0xa8: {  	_ =	swait.ge [sflag:s23], $0x1  }
0xa9: {  	[sflag:s23] =	ssyncset.done $0x0  }
0xaa: {  	s25 =	simm.s32 $0x1B8E;
	s24 =	sld [smem:$0x3FFE];
	[sflag:s23] =	ssyncadd.s32 $0xFFFFFFFF  }
0xab: {  	s26 =	simm.s32 $execute0_lowered;
	[smem:$0x3FD2] =	sst s25  }
0xac: {  	s6 =	sshll.u32 s26, $0x1;
	_ =	strace $0x80000046;
	[dreg:$0x1] =	wrdreg $0xFFFFFFFF  }
0xad: {  	s28 =	simm.s32 $_size_execute0_lowered;
	s4 =	sadd.s32 s4, s6;
	[dreg:$0x0] =	wrdreg $0x0  }
0xae: {  	s6 =	sshll.u32 s28, $0x1;
	[dreg:$0x2] =	wrdreg s4  }
0xaf: {  	[dreg:$0x3] =	wrdreg s6  }
0xb0: {  	[dreg:$0x4] =	wrdreg $0xC0  }
0xb1: {  	_ =	task [dreg:s8], $0x5FFFF  }
0xb2: {  	[dreg:$0x1] =	wrdreg $0xFFFFFFFF  }
0xb3: {  	[dreg:$0x0] =	wrdreg $0x60  }
0xb4: {  	[dreg:$0x2] =	wrdreg s24  }
0xb5: {  	[dreg:$0x3] =	wrdreg s16  }
0xb6: {  	[dreg:$0x4] =	wrdreg s17  }
0xb7: {  	[dreg:$0x5] =	wrdreg $0x2C100  }
0xb8: {  	[dreg:$0x6] =	wrdreg $0x9  }
0xb9: {  	_ =	task.clear_ibuf [dreg:s8], $0x7FFFF;
	_ =	strace $0x90000046  }
0xba: {  	s29 =	simm.s32 $0x9;
	_ =	strace $0x80000048  }
0xbb: {  	_ =	swait.ge [sflag:s29], $0x1  }
0xbc: {  	[sflag:s29] =	ssyncadd.s32 $0xFFFFFFFF  }
0xbd: {  	_ =	strace $0x90000048  }
0xbe: {  	_ =	sfence  }
0xbf: {  	s30 =	sld [smem:$0x0];
	_ =	sdelay $0x2  }
0xc0: {  	s31 =	sshll.u32 s1, $0xD;
	s1 =	sshrl.u32 s1, $0x2  }
0xc1: {  	s3 =	sand.u32 $0x4000, s31;
	s1 =	sadd.s32 s1, s30  }
0xc2: {  	s0 =	sor.u32 s3, s0;
	s1 =	sshll.u32 s1, $0x11  }
0xc3: {  	s0 =	sor.u32 s1, s0  }
0xc4: {  	s0 =	sadd.s32 $0x8F2B, s0  }
0xc5: {  	[sflag:s0] =	ssyncadd.remote.s32 $0x1  }
0xc6: {  	_ =	sfence.sel $0xFFFF  }
0xc7: {  	[dreg:$0x0] =	wrdreg $0xFFFFFFFF;
	(pc) =	sbr.abs _section_cstart, $3  }
0xc8: {  	[dreg:$0x1] =	wrdreg $0xFFFFFFFF  }
0xc9: {  	_ =	task.clear_ibuf [dreg:s8], $0x2FFFF;
	_ =	strace $0x9FFFFFFF  }
0xca: {  	(tm) =	ssettm $0x7FFFFFFF  }
0xcb: {  	_ =	shalt  }
tec
execute0_lowered:
.L_overlay_start_1:
0x0: {  	(tag) =	ssettag $0x1  }
0x1: {  	s6 =	rddreg [dreg:$0x0]  }
0x2: {  	s2 =	rddreg [dreg:$0x1]  }
0x3: {  	s3 =	rddreg [dreg:$0x2]  }
0x4: {  	s0 =	srdreg.scid;
	s4 =	rddreg [dreg:$0x3]  }
0x5: {  	s1 =	stileid.u32;
	s5 =	simm.s32 $0x0;
	s14 =	simm.s32 $0x1  }
0x6: {  	s15 =	simm.s32 $0x0;
	s7 =	sand.u32 $0x1, s0;
	s0 =	rddreg [dreg:$0x4]  }
0x7: {  	s9 =	smul.u32 $0x2800, s1;
	[smem:$0x7FF] =	sst s5;
	s11 =	sshll.u32 s1, $0x6  }
0x8: {  	s8 =	sshll.u32 s7, $0x4;
	s10 =	smul.u32 $0x28000, s7;
	s7 =	ssub.s32 $0x2, s7  }
0x9: {  	_ =	strace $0x80000047;
	s8 =	sor.u32 s1, s8;
	s31 =	sshrl.u32 s7, $0x1  }
0xa: {  	s8 =	smul.u32 $0x4E2, s8;
	s10 =	sadd.s32 s9, s10;
	s12 =	ssub.s32 s7, s31  }
0xb: {  	s13 =	sadd.s32 s9, s4;
	s10 =	sshrl.u32 s10, $0x3;
	s9 =	smax.u32 s12, $0x1  }
0xc: {  	s12 =	simm.s32 $0x2710;
	s8 =	sadd.s32 s8, s6;
	s10 =	sadd.s32 s10, s6  }
0xd: {  	s6 =	sor.u32 $0x1C02, s11;
	s11 =	simm.s32 $0x2;
	s7 =	sadd.s32 $0xCA00, s8  }
0xe: {  	s8 =	sadd.s32 $0x16800, s10;
	s10 =	sshrl.u32 s13, $0x3;
	s13 =	simm.s32 $0x50  }
.LBB2_1:
0xf: {  	[spmem:s10], [sflag:s6] =	dma.local [hbm:s3], $0x500  }
0x10: {  	_ =	swait.ge [sflag:s11], $0x500  }
0x11: {  	[sflag:s11] =	ssyncset.done $0x0  }
0x12: {  	[sflag:s11] =	ssyncadd.s32 $0xFFFFFB00  }
0x13: {  	[tilespmem:s5], [sflag:$0x2] =	stream.linear.gather [hbm4b:s7+s5], $0x2710, $0x38;
	[tilespmem:$0x5410] =	vst v63  }
0x14: {  	_ =	swait.ge [sflag:s11], $0x2710  }
0x15: {  	[sflag:s11] =	ssyncset.done $0x0  }
0x16: {  	[sflag:s11] =	ssyncadd.s32 $0xFFFFD8F0  }
0x17: {  	[tilespmem:s12], [sflag:$0x2] =	stream.linear.gather [hbm4b:s2+s5], $0x500, $0x38;
	[tilespmem:$0x5410] =	vst v63  }
0x18: {  	_ =	swait.ge [sflag:s11], $0x500  }
0x19: {  	[sflag:s11] =	ssyncset.done $0x0  }
0x1a: {  	p0 =	por $0x1, $0x1;
	[sflag:s11] =	ssyncadd.s32 $0xFFFFFB00  }
0x1b: {  	s17 =	simm.s32 @!p0 $0x1;
	[bflag:$0x0] =	sbarrier.arrive $0xFFFF  }
0x1c: {  	_ =	swait.ge @!p0 [sflag:s17], $0x500  }
0x1d: {  	s16 =	simm.s32 $0x1;
	[sflag:s17] =	ssyncset.done @!p0 $0x0  }
0x1e: {  	s18 =	simm.s32 $0x0;
	[sflag:s17] =	ssyncadd.s32 @!p0 $0xFFFFFB00;
	s17 =	simm.s32 $0x50  }
.LBB2_2:
0x1f: {  	[spmem:s4] =	stream.indirect.scatter.add.f32 [tilespmem:s12], [sflag:$0x1], $0x10, s18, s13, $0xb8;
	[tilespmem:$0x5410] =	vst v63  }
0x20: {  	p0 =	slt.u32 s16, $0x8;
	s16 =	sadd.s32 $0x1, s16  }
0x21: {  	p1 =	sne.s32 s16, $0x7D  }
.Ltmp0:
0x22: {  	(pc) =	sbr.rel @p1 .LBB2_2-.Ltmp0, $4  }
0x23: {  	s18 =	smov.u32 s17;
	s19 =	simm.s32 @!p0 $0x1  }
0x24: {  	_ =	swait.ge @!p0 [sflag:s19], $0x500  }
0x25: {  	[sflag:s19] =	ssyncset.done @!p0 $0x0  }
0x26: {  	s17 =	sadd.s32 $0x50, s17;
	[sflag:s19] =	ssyncadd.s32 @!p0 $0xFFFFFB00  }
0x27: {  	[spmem:s4] =	stream.indirect.scatter.add.f32 [tilespmem:s12], [sflag:$0x1], $0x10, s18, s13, $0xb8;
	[tilespmem:$0x5410] =	vst v63  }
0x28: {  	_ =	swait.ge [sflag:s14], $0x500  }
0x29: {  	[sflag:s14] =	ssyncset.done $0x0  }
0x2a: {  	[sflag:s14] =	ssyncadd.s32 $0xFFFFFB00  }
0x2b: {  	_ =	swait.ge [sflag:s14], $0x500  }
0x2c: {  	[sflag:s14] =	ssyncset.done $0x0  }
0x2d: {  	[sflag:s14] =	ssyncadd.s32 $0xFFFFFB00  }
0x2e: {  	_ =	swait.ge [sflag:s14], $0x500  }
0x2f: {  	[sflag:s14] =	ssyncset.done $0x0  }
0x30: {  	[sflag:s14] =	ssyncadd.s32 $0xFFFFFB00  }
0x31: {  	_ =	swait.ge [sflag:s14], $0x500  }
0x32: {  	[sflag:s14] =	ssyncset.done $0x0  }
0x33: {  	[sflag:s14] =	ssyncadd.s32 $0xFFFFFB00  }
0x34: {  	_ =	swait.ge [sflag:s14], $0x500  }
0x35: {  	[sflag:s14] =	ssyncset.done $0x0  }
0x36: {  	[sflag:s14] =	ssyncadd.s32 $0xFFFFFB00  }
0x37: {  	_ =	swait.ge [sflag:s14], $0x500  }
0x38: {  	[sflag:s14] =	ssyncset.done $0x0  }
0x39: {  	[sflag:s14] =	ssyncadd.s32 $0xFFFFFB00  }
0x3a: {  	_ =	swait.ge [sflag:s14], $0x500  }
0x3b: {  	[sflag:s14] =	ssyncset.done $0x0  }
0x3c: {  	[sflag:s14] =	ssyncadd.s32 $0xFFFFFB00  }
0x3d: {  	_ =	swait.ge [sflag:s14], $0x500  }
0x3e: {  	s15 =	sadd.s32 $0x1, s15;
	[sflag:s14] =	ssyncset.done $0x0  }
0x3f: {  	p0 =	sne.s32 s15, s9;
	[sflag:s14] =	ssyncadd.s32 $0xFFFFFB00  }
.Ltmp1:
0x40: {  	[bflag:$0x0] =	sbarrier.arrive $0xFFFF;
	(pc) =	sbr.rel @p0 .LBB2_1-.Ltmp1, $4  }
0x41: {  	[hbm:s8], [sflag:s6] =	dma.local [spmem:s10], $0x500  }
0x42: {  	_ =	swait.ge [sflag:s11], $0x500  }
0x43: {  	[sflag:s11] =	ssyncset.done $0x0  }
0x44: {  	[sflag:s11] =	ssyncadd.s32 $0xFFFFFB00  }
0x45: {  	_ =	sfence.sel $0x180000  }
0x46: {  	[bflag:$0x0] =	sbarrier.arrive $0xFFFF  }
0x47: {  	p0 =	sne.s32 s1, $0x0;
	_ =	strace $0x90000047  }
0x48: {  	s0 =	sadd.s32 @!p0 $0x100000, s0;
	[bflag:$0x2] =	sbarrier.arrive $0xFFFF  }
0x49: {  	[sflag:s0] =	ssyncadd.tile.s32 @!p0 $0x1;
	_ =	shalt  }
.Lfunc_end2:
_tile_overlayer_lowered:
.L_overlay_start_2:
0x4a: {  	(tag) =	ssettag $0x2  }
0x4b: {  	s0 =	rddreg [dreg:$0x0];
	s2 =	stileid.u32  }
0x4c: {  	s1 =	rddreg [dreg:$0x1];
	p0 =	sne.s32 s2, $0x0  }
0x4d: {  	s3 =	rddreg [dreg:$0x2];
	[bflag:$0x3] =	sbarrier.arrive $0xFFFF;
	s2 =	simm.s32 @!p0 $0x1C02  }
0x4e: {  	[timem:s3], [sflag:s2] =	dma.local @!p0 [hbm:s0], s1  }
0x4f: {  	s0 =	simm.s32 @!p0 $0x2  }
0x50: {  	_ =	swait.ge @!p0 [sflag:s0], s1  }
0x51: {  	s1 =	ssub.s32 @!p0 $0x0, s1;
	[sflag:s0] =	ssyncset.done @!p0 $0x0  }
0x52: {  	[sflag:s0] =	ssyncadd.s32 @!p0 s1  }
0x53: {  	[bflag:$0x3] =	sbarrier.arrive $0xFFFF  }
0x54: {  	_ =	shalt  }

// kernel: kernel.13.cloned.1.call-start
scs
__scs_entry_jumppad:
0x0: {  	(pc) =	sbr.rel $0x88, $3  }
0x1: {  	(tag) =	ssettag $0x0;
	lr =	simm.s32 $0x1  }
0x2: {  	[smem:$0x3F93] =	sst lr;
	_ =	strace $0xD0000000  }
0x3: {  	_ = 	snop  }
0x4: {  	_ = 	snop  }
0x5: {  	_ = 	snop  }
0x6: {  	_ = 	snop  }
0x7: {  	_ = 	snop  }
__scs_overlays_trampoline_lowered:
0x8: {  	[smem:$0x3FA2] =	sst s0  }
0x9: {  	[smem:$0x3FA3] =	sst s1  }
0xa: {  	[smem:$0x3FA4] =	sst s2  }
0xb: {  	[smem:$0x3FA5] =	sst s3  }
0xc: {  	[smem:$0x3FA6] =	sst s4  }
0xd: {  	[smem:$0x3FA7] =	sst s5  }
0xe: {  	[smem:$0x3FA8] =	sst s6  }
0xf: {  	[smem:$0x3FA9] =	sst s7  }
0x10: {  	[smem:$0x3FAA] =	sst s8  }
0x11: {  	[smem:$0x3FAB] =	sst s9;
	s0 =	simm.s32 @!p0 $0x0  }
0x12: {  	s1 =	sld [smem:$0x3F91];
	s0 =	simm.s32 @p0 $0x1  }
0x13: {  	[smem:$0x3FAC] =	sst s0;
	s0 =	simm.s32 @!p1 $0x0  }
0x14: {  	s2 =	sld [smem:$0x3F90];
	s0 =	simm.s32 @p1 $0x1  }
0x15: {  	[smem:$0x3FAD] =	sst s0;
	s0 =	simm.s32 @!p2 $0x0  }
0x16: {  	s3 =	sld [smem:$0x3FDB];
	s0 =	simm.s32 @p2 $0x1  }
0x17: {  	s4 =	simm.s32 $0x1BF5;
	[smem:$0x3FAF] =	sst s0  }
0x18: {  	s0 =	sld [smem:$0x3F92];
	_ =	swait.ge [sflag:s4], $0x0  }
0x19: {  	s7 =	sld [smem:$0x3F93]  }
0x1a: {  	s8 =	sadd.s32 $0xFFFFE003, lr  }
0x1b: {  	s9 =	sadd.s32 $0xFFFFFEF7, lr;
	s5 =	simm.s32 $0xFFFFFFFF;
	p2 =	slt.u32 s8, $0xFFFFF086  }
0x1c: {  	p1 =	slt.u32 s9, $0xF7A;
	s5 =	simm.s32 @!p2 $0x0  }
0x1d: {  	s5 =	simm.s32 @p1 $0x1;
	p0 =	seq.s32 s7, s2  }
0x1e: {  	s7 =	smul.u32 @!p0 $0xF7A, s2;
	p2 =	seq.s32 @!p0 s5, $0x0  }
0x1f: {  	s9 =	smul.u32 $0xF7A, s1;
	s8 =	simm.s32 @!p0 $0x1BF5;
	p2 =	por !p2, p0  }
0x20: {  	[sflag:s8] =	ssyncset.s32 @!p0 $0xFFFFF086;
	s6 =	sadd.s32 @!p0 s3, s7;
	s7 =	simm.s32 @!p0 $0x108  }
0x21: {  	s3 =	sadd.s32 s3, s9;
	s6 =	sadd.s32 @!p0 $0x88, s6;
	s7 =	simm.s32 @p2 $0x1082  }
0x22: {  	[simem:s7], [sflag:s8] =	dma.local @!p0 [hbm:s6], $0xF7A  }
0x23: {  	s9 =	sor.u32 $0xD0000000, s2;
	s6 =	simm.s32 $0x108;
	_ =	swait.ge @!p0 [sflag:s8], $0x0  }
0x24: {  	s3 =	sadd.s32 $0x88, s3;
	s6 =	simm.s32 @!p1 $0x1082;
	[sflag:s4] =	ssyncset.s32 $0xFFFFF086  }
0x25: {  	[simem:s6], [sflag:s4] =	dma.local [hbm:s3], $0xF7A  }
0x26: {  	[smem:$0x3F93] =	sst s1;
	(tag) =	ssettag s2;
	_ =	strace s9  }
0x27: {  	s1 =	sld [smem:$0x3FA3]  }
0x28: {  	s2 =	sld [smem:$0x3FA4]  }
0x29: {  	s4 =	sld [smem:$0x3FA6]  }
0x2a: {  	p0 =	seq.s32 s5, $0x0;
	s5 =	sld [smem:$0x3FA7]  }
0x2b: {  	s6 =	sld [smem:$0x3FA8]  }
0x2c: {  	s7 =	sld [smem:$0x3FA9]  }
0x2d: {  	s3 =	simm.s32 $0x108;
	s8 =	sld [smem:$0x3FAA]  }
0x2e: {  	s3 =	simm.s32 @!p0 $0x1082;
	s9 =	sld [smem:$0x3FAB]  }
0x2f: {  	lr =	sadd.s32 s0, s3;
	s0 =	sld [smem:$0x3FA2]  }
0x30: {  	s3 =	sld [smem:$0x3FA5]  }
0x31: {  	[smem:$0x3FAE] =	sst s10  }
0x32: {  	s10 =	sld [smem:$0x3FAC];
	_ =	sdelay $0x3  }
0x33: {  	p0 =	seq.s32 s10, $0x1;
	s10 =	sld [smem:$0x3FAE];
	_ =	sdelay $0x3  }
0x34: {  	[smem:$0x3FAE] =	sst s10  }
0x35: {  	s10 =	sld [smem:$0x3FAD];
	_ =	sdelay $0x3  }
0x36: {  	p1 =	seq.s32 s10, $0x1;
	s10 =	sld [smem:$0x3FAE];
	_ =	sdelay $0x3  }
0x37: {  	[smem:$0x3FAE] =	sst s10  }
0x38: {  	s10 =	sld [smem:$0x3FAF]  }
0x39: {  	_ = 	snop;
	(pc) =	sbr.ind lr, $3  }
0x3a: {  	_ = 	snop  }
0x3b: {  	_ = 	snop  }
0x3c: {  	p2 =	seq.s32 s10, $0x1;
	s10 =	sld [smem:$0x3FAE]  }
0x3d: {  	_ =	shalt  }
0x3e: {  	_ =	shalt  }
0x3f: {  	_ =	shalt  }
0x40: {  	_ =	shalt  }
0x41: {  	_ =	shalt  }
0x42: {  	_ =	shalt  }
0x43: {  	_ =	shalt  }
0x44: {  	_ =	shalt  }
0x45: {  	_ =	shalt  }
0x46: {  	_ =	shalt  }
0x47: {  	_ =	shalt  }
0x48: {  	_ =	shalt  }
0x49: {  	_ =	shalt  }
0x4a: {  	_ =	shalt  }
0x4b: {  	_ =	shalt  }
0x4c: {  	_ =	shalt  }
0x4d: {  	_ =	shalt  }
0x4e: {  	_ =	shalt  }
0x4f: {  	_ =	shalt  }
0x50: {  	_ =	shalt  }
0x51: {  	_ =	shalt  }
0x52: {  	_ =	shalt  }
0x53: {  	_ =	shalt  }
0x54: {  	_ =	shalt  }
0x55: {  	_ =	shalt  }
0x56: {  	_ =	shalt  }
0x57: {  	_ =	shalt  }
0x58: {  	_ =	shalt  }
0x59: {  	_ =	shalt  }
0x5a: {  	_ =	shalt  }
0x5b: {  	_ =	shalt  }
0x5c: {  	_ =	shalt  }
0x5d: {  	_ =	shalt  }
0x5e: {  	_ =	shalt  }
0x5f: {  	_ =	shalt  }
0x60: {  	_ =	shalt  }
0x61: {  	_ =	shalt  }
0x62: {  	_ =	shalt  }
0x63: {  	_ =	shalt  }
0x64: {  	_ =	shalt  }
0x65: {  	_ =	shalt  }
0x66: {  	_ =	shalt  }
0x67: {  	_ =	shalt  }
0x68: {  	_ =	shalt  }
0x69: {  	_ =	shalt  }
0x6a: {  	_ =	shalt  }
0x6b: {  	_ =	shalt  }
0x6c: {  	_ =	shalt  }
0x6d: {  	_ =	shalt  }
0x6e: {  	_ =	shalt  }
0x6f: {  	_ =	shalt  }
0x70: {  	_ =	shalt  }
0x71: {  	_ =	shalt  }
0x72: {  	_ =	shalt  }
0x73: {  	_ =	shalt  }
0x74: {  	_ =	shalt  }
0x75: {  	_ =	shalt  }
0x76: {  	_ =	shalt  }
0x77: {  	_ =	shalt  }
0x78: {  	_ =	shalt  }
0x79: {  	_ =	shalt  }
0x7a: {  	_ =	shalt  }
0x7b: {  	_ =	shalt  }
0x7c: {  	_ =	shalt  }
0x7d: {  	_ =	shalt  }
0x7e: {  	_ =	shalt  }
0x7f: {  	_ =	shalt  }
0x80: {  	_ =	shalt  }
0x81: {  	_ =	shalt  }
0x82: {  	_ =	shalt  }
0x83: {  	_ =	shalt  }
0x84: {  	_ =	shalt  }
0x85: {  	_ =	shalt  }
0x86: {  	_ =	shalt  }
0x87: {  	_ =	shalt  }
.Lfunc_end0:
.L_simem_size_0:
called_computation.1_lowered:
.L_overlay_start_0:
0x88: {  	s2 =	sld [smem:$0x3FD9]  }
0x89: {  	s3 =	sld [smem:$0x3FFE];
	_ =	sdelay $0x1  }
0x8a: {  	s1 =	srdreg.scid  }
0x8b: {  	s0 =	sand.u32 $0x1, s1  }
0x8c: {  	s16 =	sshll.u32 s0, $0xA;
	s2 =	sadd.s32 s3, s2  }
0x8d: {  	s2 =	sadd.s32 s2, s16  }
0x8e: {  	[smem:$0x3FBA] =	sst s2  }
0x8f: {  	_ = 	snop  }
0x90: {  	(tm) =	ssettm $0x1  }
0x91: {  	s17 =	sld [smem:$0x3FFB];
	_ =	sdelay $0x3  }
0x92: {  	_ =	strace s17  }
0x93: {  	s2 =	sld [smem:$0x3FFC];
	_ =	sdelay $0x3  }
0x94: {  	_ =	strace s2  }
0x95: {  	s2 =	sld [smem:$0x3FFD];
	_ =	sdelay $0x3  }
0x96: {  	_ =	strace s2  }
0x97: {  	_ =	strace $0x8FFFFFFF  }
0x98: {  	s18 =	sld [smem:$0x3FDB];
	_ =	sdelay $0x1  }
0x99: {  	s19 =	simm.s32 $_scs_section_size  }
0x9a: {  	s4 =	simm.s32 $_size__tile_overlayer_lowered;
	s5 =	simm.s32 $_tile_overlayer_lowered  }
0x9b: {  	s22 =	simm.s32 $0x1BFF;
	s21 =	sshll.u32 s5, $0x1;
	s2 =	sadd.s32 s19, s18  }
0x9c: {  	s6 =	simm.s32 $0x0;
	s20 =	sshll.u32 s4, $0x1;
	s4 =	sadd.s32 s21, s2  }
0x9d: {  	[timem:s6], [sflag:s22] =	dma.local [hbm:s4], s20  }
0x9e: {  	_ =	swait.ge [sflag:s22], s20  }
0x9f: {  	s3 =	ssub.s32 $0x0, s20;
	[sflag:s22] =	ssyncset.done $0x0  }
0xa0: {  	[sflag:s22] =	ssyncadd.s32 s3;
	_ =	sdelay $0x1  }
0xa1: {  	s23 =	simm.s32 $0x1B8B  }
0xa2: {  	_ =	swait.ge [sflag:s23], $0x1  }
0xa3: {  	[sflag:s23] =	ssyncset.done $0x0  }
0xa4: {  	s25 =	simm.s32 $0x1B8E;
	s24 =	sld [smem:$0x3FFE];
	[sflag:s23] =	ssyncadd.s32 $0xFFFFFFFF  }
0xa5: {  	s26 =	simm.s32 $execute0_lowered;
	[smem:$0x3FD2] =	sst s25  }
0xa6: {  	s4 =	sshll.u32 s26, $0x1;
	_ =	strace $0x80000049;
	[dreg:$0x1] =	wrdreg $0xFFFFFFFF  }
0xa7: {  	s28 =	simm.s32 $_size_execute0_lowered;
	s2 =	sadd.s32 s2, s4;
	[dreg:$0x0] =	wrdreg $0x0  }
0xa8: {  	s4 =	sshll.u32 s28, $0x1;
	[dreg:$0x2] =	wrdreg s2  }
0xa9: {  	[dreg:$0x3] =	wrdreg s4  }
0xaa: {  	[dreg:$0x4] =	wrdreg $0xC0  }
0xab: {  	_ =	task [dreg:s6], $0x5FFFF  }
0xac: {  	[dreg:$0x1] =	wrdreg $0xFFFFFFFF  }
0xad: {  	[dreg:$0x0] =	wrdreg $0x60  }
0xae: {  	[dreg:$0x2] =	wrdreg s24  }
0xaf: {  	[dreg:$0x3] =	wrdreg $0x13E200  }
0xb0: {  	[dreg:$0x4] =	wrdreg $0x9  }
0xb1: {  	_ =	task.clear_ibuf [dreg:s6], $0x5FFFF;
	_ =	strace $0x90000049  }
0xb2: {  	s29 =	simm.s32 $0x9;
	_ =	strace $0x8000004B  }
0xb3: {  	_ =	swait.ge [sflag:s29], $0x1  }
0xb4: {  	[sflag:s29] =	ssyncadd.s32 $0xFFFFFFFF  }
0xb5: {  	_ =	strace $0x9000004B  }
0xb6: {  	_ =	sfence  }
0xb7: {  	s30 =	sld [smem:$0x0];
	_ =	sdelay $0x2  }
0xb8: {  	s31 =	sshll.u32 s1, $0xD;
	s1 =	sshrl.u32 s1, $0x2  }
0xb9: {  	s3 =	sand.u32 $0x4000, s31;
	s1 =	sadd.s32 s1, s30  }
0xba: {  	s0 =	sor.u32 s3, s0;
	s1 =	sshll.u32 s1, $0x11  }
0xbb: {  	s0 =	sor.u32 s1, s0  }
0xbc: {  	s0 =	sadd.s32 $0x8F2B, s0  }
0xbd: {  	[sflag:s0] =	ssyncadd.remote.s32 $0x1  }
0xbe: {  	_ =	sfence.sel $0xFFFF  }
0xbf: {  	[dreg:$0x0] =	wrdreg $0xFFFFFFFF;
	(pc) =	sbr.abs _section_cstart, $3  }
0xc0: {  	[dreg:$0x1] =	wrdreg $0xFFFFFFFF  }
0xc1: {  	_ =	task.clear_ibuf [dreg:s6], $0x2FFFF;
	_ =	strace $0x9FFFFFFF  }
0xc2: {  	(tm) =	ssettm $0x7FFFFFFF  }
0xc3: {  	_ =	shalt  }
tec
execute0_lowered:
.L_overlay_start_1:
0x0: {  	(tag) =	ssettag $0x1  }
0x1: {  	s6 =	rddreg [dreg:$0x0]  }
0x2: {  	s0 =	srdreg.scid;
	s2 =	rddreg [dreg:$0x1]  }
0x3: {  	s1 =	stileid.u32;
	s3 =	simm.s32 $0x0;
	s13 =	simm.s32 $0x50  }
0x4: {  	s14 =	simm.s32 $0x4E20;
	s15 =	simm.s32 $0x6220;
	s16 =	simm.s32 $0xA0  }
0x5: {  	s17 =	simm.s32 $0x7620;
	s18 =	simm.s32 $0xF0;
	s19 =	simm.s32 $0x8A20  }
0x6: {  	s20 =	simm.s32 $0x140;
	s21 =	simm.s32 $0x9E20;
	s22 =	simm.s32 $0x190  }
0x7: {  	s23 =	simm.s32 $0xB220;
	s24 =	simm.s32 $0x1;
	s25 =	simm.s32 $0x2  }
0x8: {  	s26 =	simm.s32 $0x0;
	s5 =	sand.u32 $0x1, s0;
	s7 =	smul.u32 $0xA000, s1  }
0x9: {  	[smem:$0x7FF] =	sst s3;
	s31 =	sshll.u32 s1, $0x6;
	s4 =	sshll.u32 s5, $0x4  }
0xa: {  	s8 =	smul.u32 $0xA0000, s5;
	_ =	strace $0x8000004A;
	s10 =	ssub.s32 $0x2, s5  }
0xb: {  	s5 =	sadd.s32 $0x2A800, s6;
	s4 =	sor.u32 s1, s4;
	s30 =	sshrl.u32 s10, $0x1  }
0xc: {  	s12 =	sadd.s32 s7, s2;
	s9 =	smul.u32 $0x4E2, s4;
	s8 =	sadd.s32 s7, s8  }
0xd: {  	s4 =	sadd.s32 $0x16800, s6;
	s10 =	ssub.s32 s10, s30;
	s8 =	sshrl.u32 s8, $0x3  }
0xe: {  	s10 =	smax.u32 s10, $0x1;
	s9 =	sadd.s32 s9, s6;
	s11 =	sadd.s32 s8, s6  }
0xf: {  	s6 =	sor.u32 $0x1C03, s31;
	s7 =	sadd.s32 $0x2C00, s9;
	s8 =	sadd.s32 $0xCA00, s9  }
0x10: {  	s9 =	sadd.s32 $0x2BC00, s11;
	s11 =	sshrl.u32 s12, $0x3;
	s12 =	simm.s32 $0x3  }
.LBB2_1:
0x11: {  	[spmem:s11], [sflag:s6] =	dma.local [hbm:s5], $0x1400  }
0x12: {  	_ =	swait.ge [sflag:s12], $0x1400  }
0x13: {  	[sflag:s12] =	ssyncset.done $0x0  }
0x14: {  	[sflag:s12] =	ssyncadd.s32 $0xFFFFEC00  }
0x15: {  	[tilespmem:s3], [sflag:$0x3] =	stream.linear.gather [hbm4b:s7+s3], $0x2710, $0x38;
	[tilespmem:$0x1DE20] =	vst v63  }
0x16: {  	_ =	swait.ge [sflag:s12], $0x2710  }
0x17: {  	[sflag:s12] =	ssyncset.done $0x0  }
0x18: {  	s28 =	simm.s32 $0x2710;
	[sflag:s12] =	ssyncadd.s32 $0xFFFFD8F0  }
0x19: {  	[tilespmem:s28], [sflag:$0x3] =	stream.linear.gather [hbm4b:s8+s3], $0x2710, $0x38;
	[tilespmem:$0x1DE20] =	vst v63  }
0x1a: {  	_ =	swait.ge [sflag:s12], $0x2710  }
0x1b: {  	[sflag:s12] =	ssyncset.done $0x0  }
0x1c: {  	[sflag:s12] =	ssyncadd.s32 $0xFFFFD8F0  }
0x1d: {  	[bflag:$0x0] =	sbarrier.arrive $0xFFFF  }
0x1e: {  	[tilespmem:s14], [sflag:$0x1] =	stream.indirect.gather [hbm4b:s4+s13], $0x40, s3, s13, $0xb8;
	[tilespmem:$0x1DE20] =	vst v63  }
0x1f: {  	_ = 	snop  }
0x20: {  	[tilespmem:s15], [sflag:$0x1] =	stream.indirect.gather [hbm4b:s4+s13], $0x40, s13, s13, $0xb8;
	[tilespmem:$0x1DE20] =	vst v63  }
0x21: {  	_ = 	snop  }
0x22: {  	[tilespmem:s17], [sflag:$0x1] =	stream.indirect.gather [hbm4b:s4+s13], $0x40, s16, s13, $0xb8;
	[tilespmem:$0x1DE20] =	vst v63  }
0x23: {  	_ = 	snop  }
0x24: {  	[tilespmem:s19], [sflag:$0x1] =	stream.indirect.gather [hbm4b:s4+s13], $0x40, s18, s13, $0xb8;
	[tilespmem:$0x1DE20] =	vst v63  }
0x25: {  	_ = 	snop  }
0x26: {  	[tilespmem:s21], [sflag:$0x1] =	stream.indirect.gather [hbm4b:s4+s13], $0x40, s20, s13, $0xb8;
	[tilespmem:$0x1DE20] =	vst v63  }
0x27: {  	s29 =	simm.s32 $0x1E0;
	s30 =	simm.s32 $0x0  }
0x28: {  	[tilespmem:s23], [sflag:$0x1] =	stream.indirect.gather [hbm4b:s4+s13], $0x40, s22, s13, $0xb8;
	[tilespmem:$0x1DE20] =	vst v63  }
.LBB2_2:
0x29: {  	p0 =	slt.u32 s30, $0x6  }
0x2a: {  	s31 =	simm.s32 @!p0 $0x2  }
0x2b: {  	p1 =	sgt.u32 @!p0 s30, $0x76;
	_ =	swait.ge @!p0 [sflag:s31], $0x1400  }
0x2c: {  	p1 =	por p0, !p1;
	[sflag:s31] =	ssyncset.done @!p0 $0x0  }
0x2d: {  	[sflag:s31] =	ssyncadd.s32 @!p0 $0xFFFFEC00;
	s31 =	sadd.s32 @p1 $0x6, s30  }
0x2e: {  	s0 =	smul.u32 @p1 $0xAB, s31;
	_ =	sdelay $0x1  }
0x2f: {  	s0 =	sshrl.u32 @p1 s0, $0xB  }
0x30: {  	s0 =	sand.u32 @p1 $0x1F, s0  }
0x31: {  	s0 =	smul.u32 @p1 $0xC, s0;
	_ =	sdelay $0x1  }
0x32: {  	s0 =	ssub.s32 @p1 s31, s0  }
0x33: {  	s0 =	sand.u32 @p1 $0xFF, s0  }
0x34: {  	s0 =	smul.u32 @p1 $0x5000, s0;
	_ =	sdelay $0x1  }
0x35: {  	s0 =	sshrl.u32 @p1 s0, $0x2  }
0x36: {  	s31 =	smul.u32 $0xAB, s30;
	s0 =	sadd.s32 @p1 $0x4E20, s0  }
0x37: {  	[tilespmem:s0], [sflag:$0x1] =	stream.indirect.gather @p1 [hbm4b:s4+s13], $0x40, s29, s13, $0xb8;
	[tilespmem:$0x1DE20] =	vst v63  }
0x38: {  	s0 =	sshrl.u32 s31, $0xB  }
0x39: {  	s0 =	sand.u32 $0x1F, s0  }
0x3a: {  	s0 =	smul.u32 $0xC, s0;
	_ =	sdelay $0x1  }
0x3b: {  	s0 =	ssub.s32 s30, s0  }
0x3c: {  	s30 =	sadd.s32 $0x1, s30;
	s0 =	sand.u32 $0xFF, s0  }
0x3d: {  	p0 =	sne.s32 s30, $0x7D;
	s0 =	smul.u32 $0x5000, s0  }
.Ltmp0:
0x3e: {  	_ =	swait.ge [sflag:s24], $0x1400;
	(pc) =	sbr.rel @p0 .LBB2_2-.Ltmp0, $4  }
0x3f: {  	[sflag:s24] =	ssyncset.done $0x0;
	s0 =	sshrl.u32 s0, $0x2  }
0x40: {  	[sflag:s24] =	ssyncadd.s32 $0xFFFFEC00;
	s0 =	sadd.s32 $0x4E20, s0  }
0x41: {  	[spmem:s2] =	stream.indirect.scatter.add.f32 [tilespmem:s0], [sflag:$0x2], $0x40, s28, s13, $0xb8;
	[tilespmem:$0x1DE20] =	vst v63  }
0x42: {  	s29 =	sadd.s32 $0x50, s29;
	s28 =	sadd.s32 $0x50, s28  }
0x43: {  	_ =	swait.ge [sflag:s25], $0x1400  }
0x44: {  	[sflag:s25] =	ssyncset.done $0x0  }
0x45: {  	[sflag:s25] =	ssyncadd.s32 $0xFFFFEC00  }
0x46: {  	_ =	swait.ge [sflag:s25], $0x1400  }
0x47: {  	[sflag:s25] =	ssyncset.done $0x0  }
0x48: {  	[sflag:s25] =	ssyncadd.s32 $0xFFFFEC00  }
0x49: {  	_ =	swait.ge [sflag:s25], $0x1400  }
0x4a: {  	[sflag:s25] =	ssyncset.done $0x0  }
0x4b: {  	[sflag:s25] =	ssyncadd.s32 $0xFFFFEC00  }
0x4c: {  	_ =	swait.ge [sflag:s25], $0x1400  }
0x4d: {  	[sflag:s25] =	ssyncset.done $0x0  }
0x4e: {  	[sflag:s25] =	ssyncadd.s32 $0xFFFFEC00  }
0x4f: {  	_ =	swait.ge [sflag:s25], $0x1400  }
0x50: {  	[sflag:s25] =	ssyncset.done $0x0  }
0x51: {  	[sflag:s25] =	ssyncadd.s32 $0xFFFFEC00  }
0x52: {  	_ =	swait.ge [sflag:s25], $0x1400  }
0x53: {  	s26 =	sadd.s32 $0x1, s26;
	[sflag:s25] =	ssyncset.done $0x0  }
0x54: {  	p0 =	sne.s32 s26, s10;
	[sflag:s25] =	ssyncadd.s32 $0xFFFFEC00  }
.Ltmp1:
0x55: {  	[bflag:$0x0] =	sbarrier.arrive $0xFFFF;
	(pc) =	sbr.rel @p0 .LBB2_1-.Ltmp1, $4  }
0x56: {  	[hbm:s9], [sflag:s6] =	dma.local [spmem:s11], $0x1400  }
0x57: {  	_ =	swait.ge [sflag:s12], $0x1400  }
0x58: {  	[sflag:s12] =	ssyncset.done $0x0  }
0x59: {  	[sflag:s12] =	ssyncadd.s32 $0xFFFFEC00  }
0x5a: {  	_ =	sfence.sel $0x180000  }
0x5b: {  	[bflag:$0x0] =	sbarrier.arrive $0xFFFF  }
0x5c: {  	_ =	strace $0x9000004A  }
0x5d: {  	[bflag:$0x2] =	sbarrier.arrive $0xFFFF  }
0x5e: {  	p0 =	sne.s32 s1, $0x0;
	s0 =	rddreg [dreg:$0x2]  }
0x5f: {  	s0 =	sadd.s32 @!p0 $0x100000, s0  }
0x60: {  	[sflag:s0] =	ssyncadd.tile.s32 @!p0 $0x1;
	_ =	shalt  }
.Lfunc_end2:
_tile_overlayer_lowered:
.L_overlay_start_2:
0x61: {  	(tag) =	ssettag $0x2  }
0x62: {  	s0 =	rddreg [dreg:$0x0];
	s2 =	stileid.u32  }
0x63: {  	s1 =	rddreg [dreg:$0x1];
	p0 =	sne.s32 s2, $0x0  }
0x64: {  	s3 =	rddreg [dreg:$0x2];
	[bflag:$0x3] =	sbarrier.arrive $0xFFFF;
	s2 =	simm.s32 @!p0 $0x1C03  }
0x65: {  	[timem:s3], [sflag:s2] =	dma.local @!p0 [hbm:s0], s1  }
0x66: {  	s0 =	simm.s32 @!p0 $0x3  }
0x67: {  	_ =	swait.ge @!p0 [sflag:s0], s1  }
0x68: {  	s1 =	ssub.s32 @!p0 $0x0, s1;
	[sflag:s0] =	ssyncset.done @!p0 $0x0  }
0x69: {  	[sflag:s0] =	ssyncadd.s32 @!p0 s1  }
0x6a: {  	[bflag:$0x3] =	sbarrier.arrive $0xFFFF  }
0x6b: {  	_ =	shalt  }

// kernel: kernel.16.cloned.1.call-start
scs
__scs_entry_jumppad:
0x0: {  	(pc) =	sbr.rel $0x88, $3  }
0x1: {  	(tag) =	ssettag $0x0;
	lr =	simm.s32 $0x1  }
0x2: {  	[smem:$0x3F93] =	sst lr;
	_ =	strace $0xD0000000  }
0x3: {  	_ = 	snop  }
0x4: {  	_ = 	snop  }
0x5: {  	_ = 	snop  }
0x6: {  	_ = 	snop  }
0x7: {  	_ = 	snop  }
__scs_overlays_trampoline_lowered:
0x8: {  	[smem:$0x3FA2] =	sst s0  }
0x9: {  	[smem:$0x3FA3] =	sst s1  }
0xa: {  	[smem:$0x3FA4] =	sst s2  }
0xb: {  	[smem:$0x3FA5] =	sst s3  }
0xc: {  	[smem:$0x3FA6] =	sst s4  }
0xd: {  	[smem:$0x3FA7] =	sst s5  }
0xe: {  	[smem:$0x3FA8] =	sst s6  }
0xf: {  	[smem:$0x3FA9] =	sst s7  }
0x10: {  	[smem:$0x3FAA] =	sst s8  }
0x11: {  	[smem:$0x3FAB] =	sst s9;
	s0 =	simm.s32 @!p0 $0x0  }
0x12: {  	s1 =	sld [smem:$0x3F91];
	s0 =	simm.s32 @p0 $0x1  }
0x13: {  	[smem:$0x3FAC] =	sst s0;
	s0 =	simm.s32 @!p1 $0x0  }
0x14: {  	s2 =	sld [smem:$0x3F90];
	s0 =	simm.s32 @p1 $0x1  }
0x15: {  	[smem:$0x3FAD] =	sst s0;
	s0 =	simm.s32 @!p2 $0x0  }
0x16: {  	s3 =	sld [smem:$0x3FDB];
	s0 =	simm.s32 @p2 $0x1  }
0x17: {  	s4 =	simm.s32 $0x1BF5;
	[smem:$0x3FAF] =	sst s0  }
0x18: {  	s0 =	sld [smem:$0x3F92];
	_ =	swait.ge [sflag:s4], $0x0  }
0x19: {  	s7 =	sld [smem:$0x3F93]  }
0x1a: {  	s8 =	sadd.s32 $0xFFFFE003, lr  }
0x1b: {  	s9 =	sadd.s32 $0xFFFFFEF7, lr;
	s5 =	simm.s32 $0xFFFFFFFF;
	p2 =	slt.u32 s8, $0xFFFFF086  }
0x1c: {  	p1 =	slt.u32 s9, $0xF7A;
	s5 =	simm.s32 @!p2 $0x0  }
0x1d: {  	s5 =	simm.s32 @p1 $0x1;
	p0 =	seq.s32 s7, s2  }
0x1e: {  	s7 =	smul.u32 @!p0 $0xF7A, s2;
	p2 =	seq.s32 @!p0 s5, $0x0  }
0x1f: {  	s9 =	smul.u32 $0xF7A, s1;
	s8 =	simm.s32 @!p0 $0x1BF5;
	p2 =	por !p2, p0  }
0x20: {  	[sflag:s8] =	ssyncset.s32 @!p0 $0xFFFFF086;
	s6 =	sadd.s32 @!p0 s3, s7;
	s7 =	simm.s32 @!p0 $0x108  }
0x21: {  	s3 =	sadd.s32 s3, s9;
	s6 =	sadd.s32 @!p0 $0x88, s6;
	s7 =	simm.s32 @p2 $0x1082  }
0x22: {  	[simem:s7], [sflag:s8] =	dma.local @!p0 [hbm:s6], $0xF7A  }
0x23: {  	s9 =	sor.u32 $0xD0000000, s2;
	s6 =	simm.s32 $0x108;
	_ =	swait.ge @!p0 [sflag:s8], $0x0  }
0x24: {  	s3 =	sadd.s32 $0x88, s3;
	s6 =	simm.s32 @!p1 $0x1082;
	[sflag:s4] =	ssyncset.s32 $0xFFFFF086  }
0x25: {  	[simem:s6], [sflag:s4] =	dma.local [hbm:s3], $0xF7A  }
0x26: {  	[smem:$0x3F93] =	sst s1;
	(tag) =	ssettag s2;
	_ =	strace s9  }
0x27: {  	s1 =	sld [smem:$0x3FA3]  }
0x28: {  	s2 =	sld [smem:$0x3FA4]  }
0x29: {  	s4 =	sld [smem:$0x3FA6]  }
0x2a: {  	p0 =	seq.s32 s5, $0x0;
	s5 =	sld [smem:$0x3FA7]  }
0x2b: {  	s6 =	sld [smem:$0x3FA8]  }
0x2c: {  	s7 =	sld [smem:$0x3FA9]  }
0x2d: {  	s3 =	simm.s32 $0x108;
	s8 =	sld [smem:$0x3FAA]  }
0x2e: {  	s3 =	simm.s32 @!p0 $0x1082;
	s9 =	sld [smem:$0x3FAB]  }
0x2f: {  	lr =	sadd.s32 s0, s3;
	s0 =	sld [smem:$0x3FA2]  }
0x30: {  	s3 =	sld [smem:$0x3FA5]  }
0x31: {  	[smem:$0x3FAE] =	sst s10  }
0x32: {  	s10 =	sld [smem:$0x3FAC];
	_ =	sdelay $0x3  }
0x33: {  	p0 =	seq.s32 s10, $0x1;
	s10 =	sld [smem:$0x3FAE];
	_ =	sdelay $0x3  }
0x34: {  	[smem:$0x3FAE] =	sst s10  }
0x35: {  	s10 =	sld [smem:$0x3FAD];
	_ =	sdelay $0x3  }
0x36: {  	p1 =	seq.s32 s10, $0x1;
	s10 =	sld [smem:$0x3FAE];
	_ =	sdelay $0x3  }
0x37: {  	[smem:$0x3FAE] =	sst s10  }
0x38: {  	s10 =	sld [smem:$0x3FAF]  }
0x39: {  	_ = 	snop;
	(pc) =	sbr.ind lr, $3  }
0x3a: {  	_ = 	snop  }
0x3b: {  	_ = 	snop  }
0x3c: {  	p2 =	seq.s32 s10, $0x1;
	s10 =	sld [smem:$0x3FAE]  }
0x3d: {  	_ =	shalt  }
0x3e: {  	_ =	shalt  }
0x3f: {  	_ =	shalt  }
0x40: {  	_ =	shalt  }
0x41: {  	_ =	shalt  }
0x42: {  	_ =	shalt  }
0x43: {  	_ =	shalt  }
0x44: {  	_ =	shalt  }
0x45: {  	_ =	shalt  }
0x46: {  	_ =	shalt  }
0x47: {  	_ =	shalt  }
0x48: {  	_ =	shalt  }
0x49: {  	_ =	shalt  }
0x4a: {  	_ =	shalt  }
0x4b: {  	_ =	shalt  }
0x4c: {  	_ =	shalt  }
0x4d: {  	_ =	shalt  }
0x4e: {  	_ =	shalt  }
0x4f: {  	_ =	shalt  }
0x50: {  	_ =	shalt  }
0x51: {  	_ =	shalt  }
0x52: {  	_ =	shalt  }
0x53: {  	_ =	shalt  }
0x54: {  	_ =	shalt  }
0x55: {  	_ =	shalt  }
0x56: {  	_ =	shalt  }
0x57: {  	_ =	shalt  }
0x58: {  	_ =	shalt  }
0x59: {  	_ =	shalt  }
0x5a: {  	_ =	shalt  }
0x5b: {  	_ =	shalt  }
0x5c: {  	_ =	shalt  }
0x5d: {  	_ =	shalt  }
0x5e: {  	_ =	shalt  }
0x5f: {  	_ =	shalt  }
0x60: {  	_ =	shalt  }
0x61: {  	_ =	shalt  }
0x62: {  	_ =	shalt  }
0x63: {  	_ =	shalt  }
0x64: {  	_ =	shalt  }
0x65: {  	_ =	shalt  }
0x66: {  	_ =	shalt  }
0x67: {  	_ =	shalt  }
0x68: {  	_ =	shalt  }
0x69: {  	_ =	shalt  }
0x6a: {  	_ =	shalt  }
0x6b: {  	_ =	shalt  }
0x6c: {  	_ =	shalt  }
0x6d: {  	_ =	shalt  }
0x6e: {  	_ =	shalt  }
0x6f: {  	_ =	shalt  }
0x70: {  	_ =	shalt  }
0x71: {  	_ =	shalt  }
0x72: {  	_ =	shalt  }
0x73: {  	_ =	shalt  }
0x74: {  	_ =	shalt  }
0x75: {  	_ =	shalt  }
0x76: {  	_ =	shalt  }
0x77: {  	_ =	shalt  }
0x78: {  	_ =	shalt  }
0x79: {  	_ =	shalt  }
0x7a: {  	_ =	shalt  }
0x7b: {  	_ =	shalt  }
0x7c: {  	_ =	shalt  }
0x7d: {  	_ =	shalt  }
0x7e: {  	_ =	shalt  }
0x7f: {  	_ =	shalt  }
0x80: {  	_ =	shalt  }
0x81: {  	_ =	shalt  }
0x82: {  	_ =	shalt  }
0x83: {  	_ =	shalt  }
0x84: {  	_ =	shalt  }
0x85: {  	_ =	shalt  }
0x86: {  	_ =	shalt  }
0x87: {  	_ =	shalt  }
.Lfunc_end0:
.L_simem_size_0:
called_computation.2_lowered:
.L_overlay_start_0:
0x88: {  	s2 =	sld [smem:$0x3FD9]  }
0x89: {  	s3 =	sld [smem:$0x3FFE];
	_ =	sdelay $0x1  }
0x8a: {  	s1 =	srdreg.scid  }
0x8b: {  	s0 =	sand.u32 $0x1, s1  }
0x8c: {  	s16 =	sshll.u32 s0, $0xA;
	s2 =	sadd.s32 s3, s2  }
0x8d: {  	s2 =	sadd.s32 s2, s16  }
0x8e: {  	[smem:$0x3FBA] =	sst s2  }
0x8f: {  	_ = 	snop  }
0x90: {  	(tm) =	ssettm $0x1  }
0x91: {  	s17 =	sld [smem:$0x3FFB];
	_ =	sdelay $0x3  }
0x92: {  	_ =	strace s17  }
0x93: {  	s2 =	sld [smem:$0x3FFC];
	_ =	sdelay $0x3  }
0x94: {  	_ =	strace s2  }
0x95: {  	s2 =	sld [smem:$0x3FFD];
	_ =	sdelay $0x3  }
0x96: {  	_ =	strace s2  }
0x97: {  	_ =	strace $0x8FFFFFFF  }
0x98: {  	s18 =	sld [smem:$0x3FDB];
	_ =	sdelay $0x1  }
0x99: {  	s19 =	simm.s32 $_scs_section_size  }
0x9a: {  	s4 =	simm.s32 $_size__tile_overlayer_lowered;
	s5 =	simm.s32 $_tile_overlayer_lowered  }
0x9b: {  	s22 =	simm.s32 $0x1BFF;
	s21 =	sshll.u32 s5, $0x1;
	s2 =	sadd.s32 s19, s18  }
0x9c: {  	s6 =	simm.s32 $0x0;
	s20 =	sshll.u32 s4, $0x1;
	s4 =	sadd.s32 s21, s2  }
0x9d: {  	[timem:s6], [sflag:s22] =	dma.local [hbm:s4], s20  }
0x9e: {  	_ =	swait.ge [sflag:s22], s20  }
0x9f: {  	s3 =	ssub.s32 $0x0, s20;
	[sflag:s22] =	ssyncset.done $0x0  }
0xa0: {  	[sflag:s22] =	ssyncadd.s32 s3;
	_ =	sdelay $0x1  }
0xa1: {  	s23 =	simm.s32 $0x1B8B  }
0xa2: {  	_ =	swait.ge [sflag:s23], $0x1  }
0xa3: {  	[sflag:s23] =	ssyncset.done $0x0  }
0xa4: {  	s25 =	simm.s32 $0x1B8E;
	s24 =	sld [smem:$0x3FFE];
	[sflag:s23] =	ssyncadd.s32 $0xFFFFFFFF  }
0xa5: {  	s26 =	simm.s32 $execute0_lowered;
	[smem:$0x3FD2] =	sst s25  }
0xa6: {  	s4 =	sshll.u32 s26, $0x1;
	_ =	strace $0x8000004C;
	[dreg:$0x1] =	wrdreg $0xFFFFFFFF  }
0xa7: {  	s28 =	simm.s32 $_size_execute0_lowered;
	s2 =	sadd.s32 s2, s4;
	[dreg:$0x0] =	wrdreg $0x0  }
0xa8: {  	s4 =	sshll.u32 s28, $0x1;
	[dreg:$0x2] =	wrdreg s2  }
0xa9: {  	[dreg:$0x3] =	wrdreg s4  }
0xaa: {  	[dreg:$0x4] =	wrdreg $0xC0  }
0xab: {  	_ =	task [dreg:s6], $0x5FFFF  }
0xac: {  	[dreg:$0x1] =	wrdreg $0xFFFFFFFF  }
0xad: {  	[dreg:$0x0] =	wrdreg $0x60  }
0xae: {  	[dreg:$0x2] =	wrdreg s24  }
0xaf: {  	[dreg:$0x3] =	wrdreg $0x13E200  }
0xb0: {  	[dreg:$0x4] =	wrdreg $0x9  }
0xb1: {  	_ =	task.clear_ibuf [dreg:s6], $0x5FFFF;
	_ =	strace $0x9000004C  }
0xb2: {  	s29 =	simm.s32 $0x9;
	_ =	strace $0x8000004E  }
0xb3: {  	_ =	swait.ge [sflag:s29], $0x1  }
0xb4: {  	[sflag:s29] =	ssyncadd.s32 $0xFFFFFFFF  }
0xb5: {  	_ =	strace $0x9000004E  }
0xb6: {  	_ =	sfence  }
0xb7: {  	s30 =	sld [smem:$0x0];
	_ =	sdelay $0x2  }
0xb8: {  	s31 =	sshll.u32 s1, $0xD;
	s1 =	sshrl.u32 s1, $0x2  }
0xb9: {  	s3 =	sand.u32 $0x4000, s31;
	s1 =	sadd.s32 s1, s30  }
0xba: {  	s0 =	sor.u32 s3, s0;
	s1 =	sshll.u32 s1, $0x11  }
0xbb: {  	s0 =	sor.u32 s1, s0  }
0xbc: {  	s0 =	sadd.s32 $0x8F2B, s0  }
0xbd: {  	[sflag:s0] =	ssyncadd.remote.s32 $0x1  }
0xbe: {  	_ =	sfence.sel $0xFFFF  }
0xbf: {  	[dreg:$0x0] =	wrdreg $0xFFFFFFFF;
	(pc) =	sbr.abs _section_cstart, $3  }
0xc0: {  	[dreg:$0x1] =	wrdreg $0xFFFFFFFF  }
0xc1: {  	_ =	task.clear_ibuf [dreg:s6], $0x2FFFF;
	_ =	strace $0x9FFFFFFF  }
0xc2: {  	(tm) =	ssettm $0x7FFFFFFF  }
0xc3: {  	_ =	shalt  }
tec
execute0_lowered:
.L_overlay_start_1:
0x0: {  	(tag) =	ssettag $0x1  }
0x1: {  	s6 =	rddreg [dreg:$0x0]  }
0x2: {  	s0 =	srdreg.scid;
	s2 =	rddreg [dreg:$0x1]  }
0x3: {  	s1 =	stileid.u32;
	s3 =	simm.s32 $0x0;
	s13 =	simm.s32 $0x50  }
0x4: {  	s14 =	simm.s32 $0x4E20;
	s15 =	simm.s32 $0x6220;
	s16 =	simm.s32 $0xA0  }
0x5: {  	s17 =	simm.s32 $0x7620;
	s18 =	simm.s32 $0xF0;
	s19 =	simm.s32 $0x8A20  }
0x6: {  	s20 =	simm.s32 $0x140;
	s21 =	simm.s32 $0x9E20;
	s22 =	simm.s32 $0x190  }
0x7: {  	s23 =	simm.s32 $0xB220;
	s24 =	simm.s32 $0x1;
	s25 =	simm.s32 $0x2  }
0x8: {  	s26 =	simm.s32 $0x0;
	s5 =	sand.u32 $0x1, s0;
	s7 =	smul.u32 $0xA000, s1  }
0x9: {  	[smem:$0x7FF] =	sst s3;
	s31 =	sshll.u32 s1, $0x6;
	s4 =	sshll.u32 s5, $0x4  }
0xa: {  	s8 =	smul.u32 $0xA0000, s5;
	_ =	strace $0x8000004D;
	s10 =	ssub.s32 $0x2, s5  }
0xb: {  	s5 =	sadd.s32 $0x2A800, s6;
	s4 =	sor.u32 s1, s4;
	s30 =	sshrl.u32 s10, $0x1  }
0xc: {  	s12 =	sadd.s32 s7, s2;
	s9 =	smul.u32 $0x4E2, s4;
	s8 =	sadd.s32 s7, s8  }
0xd: {  	s4 =	sadd.s32 $0x16800, s6;
	s10 =	ssub.s32 s10, s30;
	s8 =	sshrl.u32 s8, $0x3  }
0xe: {  	s10 =	smax.u32 s10, $0x1;
	s9 =	sadd.s32 s9, s6;
	s11 =	sadd.s32 s8, s6  }
0xf: {  	s6 =	sor.u32 $0x1C03, s31;
	s7 =	sadd.s32 $0x2C00, s9;
	s8 =	sadd.s32 $0xCA00, s9  }
0x10: {  	s9 =	sadd.s32 $0x2BC00, s11;
	s11 =	sshrl.u32 s12, $0x3;
	s12 =	simm.s32 $0x3  }
.LBB2_1:
0x11: {  	[spmem:s11], [sflag:s6] =	dma.local [hbm:s5], $0x1400  }
0x12: {  	_ =	swait.ge [sflag:s12], $0x1400  }
0x13: {  	[sflag:s12] =	ssyncset.done $0x0  }
0x14: {  	[sflag:s12] =	ssyncadd.s32 $0xFFFFEC00  }
0x15: {  	[tilespmem:s3], [sflag:$0x3] =	stream.linear.gather [hbm4b:s7+s3], $0x2710, $0x38;
	[tilespmem:$0x1DE20] =	vst v63  }
0x16: {  	_ =	swait.ge [sflag:s12], $0x2710  }
0x17: {  	[sflag:s12] =	ssyncset.done $0x0  }
0x18: {  	s28 =	simm.s32 $0x2710;
	[sflag:s12] =	ssyncadd.s32 $0xFFFFD8F0  }
0x19: {  	[tilespmem:s28], [sflag:$0x3] =	stream.linear.gather [hbm4b:s8+s3], $0x2710, $0x38;
	[tilespmem:$0x1DE20] =	vst v63  }
0x1a: {  	_ =	swait.ge [sflag:s12], $0x2710  }
0x1b: {  	[sflag:s12] =	ssyncset.done $0x0  }
0x1c: {  	[sflag:s12] =	ssyncadd.s32 $0xFFFFD8F0  }
0x1d: {  	[bflag:$0x0] =	sbarrier.arrive $0xFFFF  }
0x1e: {  	[tilespmem:s14], [sflag:$0x1] =	stream.indirect.gather [hbm4b:s4+s13], $0x40, s3, s13, $0xb8;
	[tilespmem:$0x1DE20] =	vst v63  }
0x1f: {  	_ = 	snop  }
0x20: {  	[tilespmem:s15], [sflag:$0x1] =	stream.indirect.gather [hbm4b:s4+s13], $0x40, s13, s13, $0xb8;
	[tilespmem:$0x1DE20] =	vst v63  }
0x21: {  	_ = 	snop  }
0x22: {  	[tilespmem:s17], [sflag:$0x1] =	stream.indirect.gather [hbm4b:s4+s13], $0x40, s16, s13, $0xb8;
	[tilespmem:$0x1DE20] =	vst v63  }
0x23: {  	_ = 	snop  }
0x24: {  	[tilespmem:s19], [sflag:$0x1] =	stream.indirect.gather [hbm4b:s4+s13], $0x40, s18, s13, $0xb8;
	[tilespmem:$0x1DE20] =	vst v63  }
0x25: {  	_ = 	snop  }
0x26: {  	[tilespmem:s21], [sflag:$0x1] =	stream.indirect.gather [hbm4b:s4+s13], $0x40, s20, s13, $0xb8;
	[tilespmem:$0x1DE20] =	vst v63  }
0x27: {  	s29 =	simm.s32 $0x1E0;
	s30 =	simm.s32 $0x0  }
0x28: {  	[tilespmem:s23], [sflag:$0x1] =	stream.indirect.gather [hbm4b:s4+s13], $0x40, s22, s13, $0xb8;
	[tilespmem:$0x1DE20] =	vst v63  }
.LBB2_2:
0x29: {  	p0 =	slt.u32 s30, $0x6  }
0x2a: {  	s31 =	simm.s32 @!p0 $0x2  }
0x2b: {  	p1 =	sgt.u32 @!p0 s30, $0x76;
	_ =	swait.ge @!p0 [sflag:s31], $0x1400  }
0x2c: {  	p1 =	por p0, !p1;
	[sflag:s31] =	ssyncset.done @!p0 $0x0  }
0x2d: {  	[sflag:s31] =	ssyncadd.s32 @!p0 $0xFFFFEC00;
	s31 =	sadd.s32 @p1 $0x6, s30  }
0x2e: {  	s0 =	smul.u32 @p1 $0xAB, s31;
	_ =	sdelay $0x1  }
0x2f: {  	s0 =	sshrl.u32 @p1 s0, $0xB  }
0x30: {  	s0 =	sand.u32 @p1 $0x1F, s0  }
0x31: {  	s0 =	smul.u32 @p1 $0xC, s0;
	_ =	sdelay $0x1  }
0x32: {  	s0 =	ssub.s32 @p1 s31, s0  }
0x33: {  	s0 =	sand.u32 @p1 $0xFF, s0  }
0x34: {  	s0 =	smul.u32 @p1 $0x5000, s0;
	_ =	sdelay $0x1  }
0x35: {  	s0 =	sshrl.u32 @p1 s0, $0x2  }
0x36: {  	s31 =	smul.u32 $0xAB, s30;
	s0 =	sadd.s32 @p1 $0x4E20, s0  }
0x37: {  	[tilespmem:s0], [sflag:$0x1] =	stream.indirect.gather @p1 [hbm4b:s4+s13], $0x40, s29, s13, $0xb8;
	[tilespmem:$0x1DE20] =	vst v63  }
0x38: {  	s0 =	sshrl.u32 s31, $0xB  }
0x39: {  	s0 =	sand.u32 $0x1F, s0  }
0x3a: {  	s0 =	smul.u32 $0xC, s0;
	_ =	sdelay $0x1  }
0x3b: {  	s0 =	ssub.s32 s30, s0  }
0x3c: {  	s30 =	sadd.s32 $0x1, s30;
	s0 =	sand.u32 $0xFF, s0  }
0x3d: {  	p0 =	sne.s32 s30, $0x7D;
	s0 =	smul.u32 $0x5000, s0  }
.Ltmp0:
0x3e: {  	_ =	swait.ge [sflag:s24], $0x1400;
	(pc) =	sbr.rel @p0 .LBB2_2-.Ltmp0, $4  }
0x3f: {  	[sflag:s24] =	ssyncset.done $0x0;
	s0 =	sshrl.u32 s0, $0x2  }
0x40: {  	[sflag:s24] =	ssyncadd.s32 $0xFFFFEC00;
	s0 =	sadd.s32 $0x4E20, s0  }
0x41: {  	[spmem:s2] =	stream.indirect.scatter.add.f32 [tilespmem:s0], [sflag:$0x2], $0x40, s28, s13, $0xb8;
	[tilespmem:$0x1DE20] =	vst v63  }
0x42: {  	s29 =	sadd.s32 $0x50, s29;
	s28 =	sadd.s32 $0x50, s28  }
0x43: {  	_ =	swait.ge [sflag:s25], $0x1400  }
0x44: {  	[sflag:s25] =	ssyncset.done $0x0  }
0x45: {  	[sflag:s25] =	ssyncadd.s32 $0xFFFFEC00  }
0x46: {  	_ =	swait.ge [sflag:s25], $0x1400  }
0x47: {  	[sflag:s25] =	ssyncset.done $0x0  }
0x48: {  	[sflag:s25] =	ssyncadd.s32 $0xFFFFEC00  }
0x49: {  	_ =	swait.ge [sflag:s25], $0x1400  }
0x4a: {  	[sflag:s25] =	ssyncset.done $0x0  }
0x4b: {  	[sflag:s25] =	ssyncadd.s32 $0xFFFFEC00  }
0x4c: {  	_ =	swait.ge [sflag:s25], $0x1400  }
0x4d: {  	[sflag:s25] =	ssyncset.done $0x0  }
0x4e: {  	[sflag:s25] =	ssyncadd.s32 $0xFFFFEC00  }
0x4f: {  	_ =	swait.ge [sflag:s25], $0x1400  }
0x50: {  	[sflag:s25] =	ssyncset.done $0x0  }
0x51: {  	[sflag:s25] =	ssyncadd.s32 $0xFFFFEC00  }
0x52: {  	_ =	swait.ge [sflag:s25], $0x1400  }
0x53: {  	s26 =	sadd.s32 $0x1, s26;
	[sflag:s25] =	ssyncset.done $0x0  }
0x54: {  	p0 =	sne.s32 s26, s10;
	[sflag:s25] =	ssyncadd.s32 $0xFFFFEC00  }
.Ltmp1:
0x55: {  	[bflag:$0x0] =	sbarrier.arrive $0xFFFF;
	(pc) =	sbr.rel @p0 .LBB2_1-.Ltmp1, $4  }
0x56: {  	[hbm:s9], [sflag:s6] =	dma.local [spmem:s11], $0x1400  }
0x57: {  	_ =	swait.ge [sflag:s12], $0x1400  }
0x58: {  	[sflag:s12] =	ssyncset.done $0x0  }
0x59: {  	[sflag:s12] =	ssyncadd.s32 $0xFFFFEC00  }
0x5a: {  	_ =	sfence.sel $0x180000  }
0x5b: {  	[bflag:$0x0] =	sbarrier.arrive $0xFFFF  }
0x5c: {  	_ =	strace $0x9000004D  }
0x5d: {  	[bflag:$0x2] =	sbarrier.arrive $0xFFFF  }
0x5e: {  	p0 =	sne.s32 s1, $0x0;
	s0 =	rddreg [dreg:$0x2]  }
0x5f: {  	s0 =	sadd.s32 @!p0 $0x100000, s0  }
0x60: {  	[sflag:s0] =	ssyncadd.tile.s32 @!p0 $0x1;
	_ =	shalt  }
.Lfunc_end2:
_tile_overlayer_lowered:
.L_overlay_start_2:
0x61: {  	(tag) =	ssettag $0x2  }
0x62: {  	s0 =	rddreg [dreg:$0x0];
	s2 =	stileid.u32  }
0x63: {  	s1 =	rddreg [dreg:$0x1];
	p0 =	sne.s32 s2, $0x0  }
0x64: {  	s3 =	rddreg [dreg:$0x2];
	[bflag:$0x3] =	sbarrier.arrive $0xFFFF;
	s2 =	simm.s32 @!p0 $0x1C03  }
0x65: {  	[timem:s3], [sflag:s2] =	dma.local @!p0 [hbm:s0], s1  }
0x66: {  	s0 =	simm.s32 @!p0 $0x3  }
0x67: {  	_ =	swait.ge @!p0 [sflag:s0], s1  }
0x68: {  	s1 =	ssub.s32 @!p0 $0x0, s1;
	[sflag:s0] =	ssyncset.done @!p0 $0x0  }
0x69: {  	[sflag:s0] =	ssyncadd.s32 @!p0 s1  }
0x6a: {  	[bflag:$0x3] =	sbarrier.arrive $0xFFFF  }
0x6b: {  	_ =	shalt  }

// kernel: kernel.19.cloned.1.call-start
scs
__scs_entry_jumppad:
0x0: {  	(pc) =	sbr.rel $0x88, $3  }
0x1: {  	(tag) =	ssettag $0x0;
	lr =	simm.s32 $0x1  }
0x2: {  	[smem:$0x3F93] =	sst lr;
	_ =	strace $0xD0000000  }
0x3: {  	_ = 	snop  }
0x4: {  	_ = 	snop  }
0x5: {  	_ = 	snop  }
0x6: {  	_ = 	snop  }
0x7: {  	_ = 	snop  }
__scs_overlays_trampoline_lowered:
0x8: {  	[smem:$0x3FA2] =	sst s0  }
0x9: {  	[smem:$0x3FA3] =	sst s1  }
0xa: {  	[smem:$0x3FA4] =	sst s2  }
0xb: {  	[smem:$0x3FA5] =	sst s3  }
0xc: {  	[smem:$0x3FA6] =	sst s4  }
0xd: {  	[smem:$0x3FA7] =	sst s5  }
0xe: {  	[smem:$0x3FA8] =	sst s6  }
0xf: {  	[smem:$0x3FA9] =	sst s7  }
0x10: {  	[smem:$0x3FAA] =	sst s8  }
0x11: {  	[smem:$0x3FAB] =	sst s9;
	s0 =	simm.s32 @!p0 $0x0  }
0x12: {  	s1 =	sld [smem:$0x3F91];
	s0 =	simm.s32 @p0 $0x1  }
0x13: {  	[smem:$0x3FAC] =	sst s0;
	s0 =	simm.s32 @!p1 $0x0  }
0x14: {  	s2 =	sld [smem:$0x3F90];
	s0 =	simm.s32 @p1 $0x1  }
0x15: {  	[smem:$0x3FAD] =	sst s0;
	s0 =	simm.s32 @!p2 $0x0  }
0x16: {  	s3 =	sld [smem:$0x3FDB];
	s0 =	simm.s32 @p2 $0x1  }
0x17: {  	s4 =	simm.s32 $0x1BF5;
	[smem:$0x3FAF] =	sst s0  }
0x18: {  	s0 =	sld [smem:$0x3F92];
	_ =	swait.ge [sflag:s4], $0x0  }
0x19: {  	s7 =	sld [smem:$0x3F93]  }
0x1a: {  	s8 =	sadd.s32 $0xFFFFE003, lr  }
0x1b: {  	s9 =	sadd.s32 $0xFFFFFEF7, lr;
	s5 =	simm.s32 $0xFFFFFFFF;
	p2 =	slt.u32 s8, $0xFFFFF086  }
0x1c: {  	p1 =	slt.u32 s9, $0xF7A;
	s5 =	simm.s32 @!p2 $0x0  }
0x1d: {  	s5 =	simm.s32 @p1 $0x1;
	p0 =	seq.s32 s7, s2  }
0x1e: {  	s7 =	smul.u32 @!p0 $0xF7A, s2;
	p2 =	seq.s32 @!p0 s5, $0x0  }
0x1f: {  	s9 =	smul.u32 $0xF7A, s1;
	s8 =	simm.s32 @!p0 $0x1BF5;
	p2 =	por !p2, p0  }
0x20: {  	[sflag:s8] =	ssyncset.s32 @!p0 $0xFFFFF086;
	s6 =	sadd.s32 @!p0 s3, s7;
	s7 =	simm.s32 @!p0 $0x108  }
0x21: {  	s3 =	sadd.s32 s3, s9;
	s6 =	sadd.s32 @!p0 $0x88, s6;
	s7 =	simm.s32 @p2 $0x1082  }
0x22: {  	[simem:s7], [sflag:s8] =	dma.local @!p0 [hbm:s6], $0xF7A  }
0x23: {  	s9 =	sor.u32 $0xD0000000, s2;
	s6 =	simm.s32 $0x108;
	_ =	swait.ge @!p0 [sflag:s8], $0x0  }
0x24: {  	s3 =	sadd.s32 $0x88, s3;
	s6 =	simm.s32 @!p1 $0x1082;
	[sflag:s4] =	ssyncset.s32 $0xFFFFF086  }
0x25: {  	[simem:s6], [sflag:s4] =	dma.local [hbm:s3], $0xF7A  }
0x26: {  	[smem:$0x3F93] =	sst s1;
	(tag) =	ssettag s2;
	_ =	strace s9  }
0x27: {  	s1 =	sld [smem:$0x3FA3]  }
0x28: {  	s2 =	sld [smem:$0x3FA4]  }
0x29: {  	s4 =	sld [smem:$0x3FA6]  }
0x2a: {  	p0 =	seq.s32 s5, $0x0;
	s5 =	sld [smem:$0x3FA7]  }
0x2b: {  	s6 =	sld [smem:$0x3FA8]  }
0x2c: {  	s7 =	sld [smem:$0x3FA9]  }
0x2d: {  	s3 =	simm.s32 $0x108;
	s8 =	sld [smem:$0x3FAA]  }
0x2e: {  	s3 =	simm.s32 @!p0 $0x1082;
	s9 =	sld [smem:$0x3FAB]  }
0x2f: {  	lr =	sadd.s32 s0, s3;
	s0 =	sld [smem:$0x3FA2]  }
0x30: {  	s3 =	sld [smem:$0x3FA5]  }
0x31: {  	[smem:$0x3FAE] =	sst s10  }
0x32: {  	s10 =	sld [smem:$0x3FAC];
	_ =	sdelay $0x3  }
0x33: {  	p0 =	seq.s32 s10, $0x1;
	s10 =	sld [smem:$0x3FAE];
	_ =	sdelay $0x3  }
0x34: {  	[smem:$0x3FAE] =	sst s10  }
0x35: {  	s10 =	sld [smem:$0x3FAD];
	_ =	sdelay $0x3  }
0x36: {  	p1 =	seq.s32 s10, $0x1;
	s10 =	sld [smem:$0x3FAE];
	_ =	sdelay $0x3  }
0x37: {  	[smem:$0x3FAE] =	sst s10  }
0x38: {  	s10 =	sld [smem:$0x3FAF]  }
0x39: {  	_ = 	snop;
	(pc) =	sbr.ind lr, $3  }
0x3a: {  	_ = 	snop  }
0x3b: {  	_ = 	snop  }
0x3c: {  	p2 =	seq.s32 s10, $0x1;
	s10 =	sld [smem:$0x3FAE]  }
0x3d: {  	_ =	shalt  }
0x3e: {  	_ =	shalt  }
0x3f: {  	_ =	shalt  }
0x40: {  	_ =	shalt  }
0x41: {  	_ =	shalt  }
0x42: {  	_ =	shalt  }
0x43: {  	_ =	shalt  }
0x44: {  	_ =	shalt  }
0x45: {  	_ =	shalt  }
0x46: {  	_ =	shalt  }
0x47: {  	_ =	shalt  }
0x48: {  	_ =	shalt  }
0x49: {  	_ =	shalt  }
0x4a: {  	_ =	shalt  }
0x4b: {  	_ =	shalt  }
0x4c: {  	_ =	shalt  }
0x4d: {  	_ =	shalt  }
0x4e: {  	_ =	shalt  }
0x4f: {  	_ =	shalt  }
0x50: {  	_ =	shalt  }
0x51: {  	_ =	shalt  }
0x52: {  	_ =	shalt  }
0x53: {  	_ =	shalt  }
0x54: {  	_ =	shalt  }
0x55: {  	_ =	shalt  }
0x56: {  	_ =	shalt  }
0x57: {  	_ =	shalt  }
0x58: {  	_ =	shalt  }
0x59: {  	_ =	shalt  }
0x5a: {  	_ =	shalt  }
0x5b: {  	_ =	shalt  }
0x5c: {  	_ =	shalt  }
0x5d: {  	_ =	shalt  }
0x5e: {  	_ =	shalt  }
0x5f: {  	_ =	shalt  }
0x60: {  	_ =	shalt  }
0x61: {  	_ =	shalt  }
0x62: {  	_ =	shalt  }
0x63: {  	_ =	shalt  }
0x64: {  	_ =	shalt  }
0x65: {  	_ =	shalt  }
0x66: {  	_ =	shalt  }
0x67: {  	_ =	shalt  }
0x68: {  	_ =	shalt  }
0x69: {  	_ =	shalt  }
0x6a: {  	_ =	shalt  }
0x6b: {  	_ =	shalt  }
0x6c: {  	_ =	shalt  }
0x6d: {  	_ =	shalt  }
0x6e: {  	_ =	shalt  }
0x6f: {  	_ =	shalt  }
0x70: {  	_ =	shalt  }
0x71: {  	_ =	shalt  }
0x72: {  	_ =	shalt  }
0x73: {  	_ =	shalt  }
0x74: {  	_ =	shalt  }
0x75: {  	_ =	shalt  }
0x76: {  	_ =	shalt  }
0x77: {  	_ =	shalt  }
0x78: {  	_ =	shalt  }
0x79: {  	_ =	shalt  }
0x7a: {  	_ =	shalt  }
0x7b: {  	_ =	shalt  }
0x7c: {  	_ =	shalt  }
0x7d: {  	_ =	shalt  }
0x7e: {  	_ =	shalt  }
0x7f: {  	_ =	shalt  }
0x80: {  	_ =	shalt  }
0x81: {  	_ =	shalt  }
0x82: {  	_ =	shalt  }
0x83: {  	_ =	shalt  }
0x84: {  	_ =	shalt  }
0x85: {  	_ =	shalt  }
0x86: {  	_ =	shalt  }
0x87: {  	_ =	shalt  }
.Lfunc_end0:
.L_simem_size_0:
called_computation.3_lowered:
.L_overlay_start_0:
0x88: {  	s2 =	sld [smem:$0x3FD9]  }
0x89: {  	s3 =	sld [smem:$0x3FFE];
	_ =	sdelay $0x1  }
0x8a: {  	s1 =	srdreg.scid  }
0x8b: {  	s0 =	sand.u32 $0x1, s1  }
0x8c: {  	s16 =	sshll.u32 s0, $0xA;
	s2 =	sadd.s32 s3, s2  }
0x8d: {  	s2 =	sadd.s32 s2, s16  }
0x8e: {  	[smem:$0x3FBA] =	sst s2  }
0x8f: {  	_ = 	snop  }
0x90: {  	(tm) =	ssettm $0x1  }
0x91: {  	s17 =	sld [smem:$0x3FFB];
	_ =	sdelay $0x3  }
0x92: {  	_ =	strace s17  }
0x93: {  	s2 =	sld [smem:$0x3FFC];
	_ =	sdelay $0x3  }
0x94: {  	_ =	strace s2  }
0x95: {  	s2 =	sld [smem:$0x3FFD];
	_ =	sdelay $0x3  }
0x96: {  	_ =	strace s2  }
0x97: {  	_ =	strace $0x8FFFFFFF  }
0x98: {  	s18 =	sld [smem:$0x3FDB];
	_ =	sdelay $0x1  }
0x99: {  	s19 =	simm.s32 $_scs_section_size  }
0x9a: {  	s4 =	simm.s32 $_size__tile_overlayer_lowered;
	s5 =	simm.s32 $_tile_overlayer_lowered  }
0x9b: {  	s22 =	simm.s32 $0x1BFF;
	s21 =	sshll.u32 s5, $0x1;
	s2 =	sadd.s32 s19, s18  }
0x9c: {  	s6 =	simm.s32 $0x0;
	s20 =	sshll.u32 s4, $0x1;
	s4 =	sadd.s32 s21, s2  }
0x9d: {  	[timem:s6], [sflag:s22] =	dma.local [hbm:s4], s20  }
0x9e: {  	_ =	swait.ge [sflag:s22], s20  }
0x9f: {  	s3 =	ssub.s32 $0x0, s20;
	[sflag:s22] =	ssyncset.done $0x0  }
0xa0: {  	[sflag:s22] =	ssyncadd.s32 s3;
	_ =	sdelay $0x1  }
0xa1: {  	s23 =	simm.s32 $0x1B8B  }
0xa2: {  	_ =	swait.ge [sflag:s23], $0x1  }
0xa3: {  	[sflag:s23] =	ssyncset.done $0x0  }
0xa4: {  	s25 =	simm.s32 $0x1B8E;
	s24 =	sld [smem:$0x3FFE];
	[sflag:s23] =	ssyncadd.s32 $0xFFFFFFFF  }
0xa5: {  	s26 =	simm.s32 $execute0_lowered;
	[smem:$0x3FD2] =	sst s25  }
0xa6: {  	s4 =	sshll.u32 s26, $0x1;
	_ =	strace $0x8000004F;
	[dreg:$0x1] =	wrdreg $0xFFFFFFFF  }
0xa7: {  	s28 =	simm.s32 $_size_execute0_lowered;
	s2 =	sadd.s32 s2, s4;
	[dreg:$0x0] =	wrdreg $0x0  }
0xa8: {  	s4 =	sshll.u32 s28, $0x1;
	[dreg:$0x2] =	wrdreg s2  }
0xa9: {  	[dreg:$0x3] =	wrdreg s4  }
0xaa: {  	[dreg:$0x4] =	wrdreg $0xC0  }
0xab: {  	_ =	task [dreg:s6], $0x5FFFF  }
0xac: {  	[dreg:$0x1] =	wrdreg $0xFFFFFFFF  }
0xad: {  	[dreg:$0x0] =	wrdreg $0x60  }
0xae: {  	[dreg:$0x2] =	wrdreg s24  }
0xaf: {  	[dreg:$0x3] =	wrdreg $0x13E200  }
0xb0: {  	[dreg:$0x4] =	wrdreg $0x9  }
0xb1: {  	_ =	task.clear_ibuf [dreg:s6], $0x5FFFF;
	_ =	strace $0x9000004F  }
0xb2: {  	s29 =	simm.s32 $0x9;
	_ =	strace $0x80000051  }
0xb3: {  	_ =	swait.ge [sflag:s29], $0x1  }
0xb4: {  	[sflag:s29] =	ssyncadd.s32 $0xFFFFFFFF  }
0xb5: {  	_ =	strace $0x90000051  }
0xb6: {  	_ =	sfence  }
0xb7: {  	s30 =	sld [smem:$0x0];
	_ =	sdelay $0x2  }
0xb8: {  	s31 =	sshll.u32 s1, $0xD;
	s1 =	sshrl.u32 s1, $0x2  }
0xb9: {  	s3 =	sand.u32 $0x4000, s31;
	s1 =	sadd.s32 s1, s30  }
0xba: {  	s0 =	sor.u32 s3, s0;
	s1 =	sshll.u32 s1, $0x11  }
0xbb: {  	s0 =	sor.u32 s1, s0  }
0xbc: {  	s0 =	sadd.s32 $0x8F2B, s0  }
0xbd: {  	[sflag:s0] =	ssyncadd.remote.s32 $0x1  }
0xbe: {  	_ =	sfence.sel $0xFFFF  }
0xbf: {  	[dreg:$0x0] =	wrdreg $0xFFFFFFFF;
	(pc) =	sbr.abs _section_cstart, $3  }
0xc0: {  	[dreg:$0x1] =	wrdreg $0xFFFFFFFF  }
0xc1: {  	_ =	task.clear_ibuf [dreg:s6], $0x2FFFF;
	_ =	strace $0x9FFFFFFF  }
0xc2: {  	(tm) =	ssettm $0x7FFFFFFF  }
0xc3: {  	_ =	shalt  }
tec
execute0_lowered:
.L_overlay_start_1:
0x0: {  	(tag) =	ssettag $0x1  }
0x1: {  	s6 =	rddreg [dreg:$0x0]  }
0x2: {  	s0 =	srdreg.scid;
	s2 =	rddreg [dreg:$0x1]  }
0x3: {  	s1 =	stileid.u32;
	s3 =	simm.s32 $0x0;
	s13 =	simm.s32 $0x50  }
0x4: {  	s14 =	simm.s32 $0x4E20;
	s15 =	simm.s32 $0x6220;
	s16 =	simm.s32 $0xA0  }
0x5: {  	s17 =	simm.s32 $0x7620;
	s18 =	simm.s32 $0xF0;
	s19 =	simm.s32 $0x8A20  }
0x6: {  	s20 =	simm.s32 $0x140;
	s21 =	simm.s32 $0x9E20;
	s22 =	simm.s32 $0x190  }
0x7: {  	s23 =	simm.s32 $0xB220;
	s24 =	simm.s32 $0x1;
	s25 =	simm.s32 $0x2  }
0x8: {  	s26 =	simm.s32 $0x0;
	s5 =	sand.u32 $0x1, s0;
	s7 =	smul.u32 $0xA000, s1  }
0x9: {  	[smem:$0x7FF] =	sst s3;
	s31 =	sshll.u32 s1, $0x6;
	s4 =	sshll.u32 s5, $0x4  }
0xa: {  	s8 =	smul.u32 $0xA0000, s5;
	_ =	strace $0x80000050;
	s10 =	ssub.s32 $0x2, s5  }
0xb: {  	s5 =	sadd.s32 $0x2A800, s6;
	s4 =	sor.u32 s1, s4;
	s30 =	sshrl.u32 s10, $0x1  }
0xc: {  	s12 =	sadd.s32 s7, s2;
	s9 =	smul.u32 $0x4E2, s4;
	s8 =	sadd.s32 s7, s8  }
0xd: {  	s4 =	sadd.s32 $0x16800, s6;
	s10 =	ssub.s32 s10, s30;
	s8 =	sshrl.u32 s8, $0x3  }
0xe: {  	s10 =	smax.u32 s10, $0x1;
	s9 =	sadd.s32 s9, s6;
	s11 =	sadd.s32 s8, s6  }
0xf: {  	s6 =	sor.u32 $0x1C03, s31;
	s7 =	sadd.s32 $0x2C00, s9;
	s8 =	sadd.s32 $0xCA00, s9  }
0x10: {  	s9 =	sadd.s32 $0x2BC00, s11;
	s11 =	sshrl.u32 s12, $0x3;
	s12 =	simm.s32 $0x3  }
.LBB2_1:
0x11: {  	[spmem:s11], [sflag:s6] =	dma.local [hbm:s5], $0x1400  }
0x12: {  	_ =	swait.ge [sflag:s12], $0x1400  }
0x13: {  	[sflag:s12] =	ssyncset.done $0x0  }
0x14: {  	[sflag:s12] =	ssyncadd.s32 $0xFFFFEC00  }
0x15: {  	[tilespmem:s3], [sflag:$0x3] =	stream.linear.gather [hbm4b:s7+s3], $0x2710, $0x38;
	[tilespmem:$0x1DE20] =	vst v63  }
0x16: {  	_ =	swait.ge [sflag:s12], $0x2710  }
0x17: {  	[sflag:s12] =	ssyncset.done $0x0  }
0x18: {  	s28 =	simm.s32 $0x2710;
	[sflag:s12] =	ssyncadd.s32 $0xFFFFD8F0  }
0x19: {  	[tilespmem:s28], [sflag:$0x3] =	stream.linear.gather [hbm4b:s8+s3], $0x2710, $0x38;
	[tilespmem:$0x1DE20] =	vst v63  }
0x1a: {  	_ =	swait.ge [sflag:s12], $0x2710  }
0x1b: {  	[sflag:s12] =	ssyncset.done $0x0  }
0x1c: {  	[sflag:s12] =	ssyncadd.s32 $0xFFFFD8F0  }
0x1d: {  	[bflag:$0x0] =	sbarrier.arrive $0xFFFF  }
0x1e: {  	[tilespmem:s14], [sflag:$0x1] =	stream.indirect.gather [hbm4b:s4+s13], $0x40, s3, s13, $0xb8;
	[tilespmem:$0x1DE20] =	vst v63  }
0x1f: {  	_ = 	snop  }
0x20: {  	[tilespmem:s15], [sflag:$0x1] =	stream.indirect.gather [hbm4b:s4+s13], $0x40, s13, s13, $0xb8;
	[tilespmem:$0x1DE20] =	vst v63  }
0x21: {  	_ = 	snop  }
0x22: {  	[tilespmem:s17], [sflag:$0x1] =	stream.indirect.gather [hbm4b:s4+s13], $0x40, s16, s13, $0xb8;
	[tilespmem:$0x1DE20] =	vst v63  }
0x23: {  	_ = 	snop  }
0x24: {  	[tilespmem:s19], [sflag:$0x1] =	stream.indirect.gather [hbm4b:s4+s13], $0x40, s18, s13, $0xb8;
	[tilespmem:$0x1DE20] =	vst v63  }
0x25: {  	_ = 	snop  }
0x26: {  	[tilespmem:s21], [sflag:$0x1] =	stream.indirect.gather [hbm4b:s4+s13], $0x40, s20, s13, $0xb8;
	[tilespmem:$0x1DE20] =	vst v63  }
0x27: {  	s29 =	simm.s32 $0x1E0;
	s30 =	simm.s32 $0x0  }
0x28: {  	[tilespmem:s23], [sflag:$0x1] =	stream.indirect.gather [hbm4b:s4+s13], $0x40, s22, s13, $0xb8;
	[tilespmem:$0x1DE20] =	vst v63  }
.LBB2_2:
0x29: {  	p0 =	slt.u32 s30, $0x6  }
0x2a: {  	s31 =	simm.s32 @!p0 $0x2  }
0x2b: {  	p1 =	sgt.u32 @!p0 s30, $0x76;
	_ =	swait.ge @!p0 [sflag:s31], $0x1400  }
0x2c: {  	p1 =	por p0, !p1;
	[sflag:s31] =	ssyncset.done @!p0 $0x0  }
0x2d: {  	[sflag:s31] =	ssyncadd.s32 @!p0 $0xFFFFEC00;
	s31 =	sadd.s32 @p1 $0x6, s30  }
0x2e: {  	s0 =	smul.u32 @p1 $0xAB, s31;
	_ =	sdelay $0x1  }
0x2f: {  	s0 =	sshrl.u32 @p1 s0, $0xB  }
0x30: {  	s0 =	sand.u32 @p1 $0x1F, s0  }
0x31: {  	s0 =	smul.u32 @p1 $0xC, s0;
	_ =	sdelay $0x1  }
0x32: {  	s0 =	ssub.s32 @p1 s31, s0  }
0x33: {  	s0 =	sand.u32 @p1 $0xFF, s0  }
0x34: {  	s0 =	smul.u32 @p1 $0x5000, s0;
	_ =	sdelay $0x1  }
0x35: {  	s0 =	sshrl.u32 @p1 s0, $0x2  }
0x36: {  	s31 =	smul.u32 $0xAB, s30;
	s0 =	sadd.s32 @p1 $0x4E20, s0  }
0x37: {  	[tilespmem:s0], [sflag:$0x1] =	stream.indirect.gather @p1 [hbm4b:s4+s13], $0x40, s29, s13, $0xb8;
	[tilespmem:$0x1DE20] =	vst v63  }
0x38: {  	s0 =	sshrl.u32 s31, $0xB  }
0x39: {  	s0 =	sand.u32 $0x1F, s0  }
0x3a: {  	s0 =	smul.u32 $0xC, s0;
	_ =	sdelay $0x1  }
0x3b: {  	s0 =	ssub.s32 s30, s0  }
0x3c: {  	s30 =	sadd.s32 $0x1, s30;
	s0 =	sand.u32 $0xFF, s0  }
0x3d: {  	p0 =	sne.s32 s30, $0x7D;
	s0 =	smul.u32 $0x5000, s0  }
.Ltmp0:
0x3e: {  	_ =	swait.ge [sflag:s24], $0x1400;
	(pc) =	sbr.rel @p0 .LBB2_2-.Ltmp0, $4  }
0x3f: {  	[sflag:s24] =	ssyncset.done $0x0;
	s0 =	sshrl.u32 s0, $0x2  }
0x40: {  	[sflag:s24] =	ssyncadd.s32 $0xFFFFEC00;
	s0 =	sadd.s32 $0x4E20, s0  }
0x41: {  	[spmem:s2] =	stream.indirect.scatter.add.f32 [tilespmem:s0], [sflag:$0x2], $0x40, s28, s13, $0xb8;
	[tilespmem:$0x1DE20] =	vst v63  }
0x42: {  	s29 =	sadd.s32 $0x50, s29;
	s28 =	sadd.s32 $0x50, s28  }
0x43: {  	_ =	swait.ge [sflag:s25], $0x1400  }
0x44: {  	[sflag:s25] =	ssyncset.done $0x0  }
0x45: {  	[sflag:s25] =	ssyncadd.s32 $0xFFFFEC00  }
0x46: {  	_ =	swait.ge [sflag:s25], $0x1400  }
0x47: {  	[sflag:s25] =	ssyncset.done $0x0  }
0x48: {  	[sflag:s25] =	ssyncadd.s32 $0xFFFFEC00  }
0x49: {  	_ =	swait.ge [sflag:s25], $0x1400  }
0x4a: {  	[sflag:s25] =	ssyncset.done $0x0  }
0x4b: {  	[sflag:s25] =	ssyncadd.s32 $0xFFFFEC00  }
0x4c: {  	_ =	swait.ge [sflag:s25], $0x1400  }
0x4d: {  	[sflag:s25] =	ssyncset.done $0x0  }
0x4e: {  	[sflag:s25] =	ssyncadd.s32 $0xFFFFEC00  }
0x4f: {  	_ =	swait.ge [sflag:s25], $0x1400  }
0x50: {  	[sflag:s25] =	ssyncset.done $0x0  }
0x51: {  	[sflag:s25] =	ssyncadd.s32 $0xFFFFEC00  }
0x52: {  	_ =	swait.ge [sflag:s25], $0x1400  }
0x53: {  	s26 =	sadd.s32 $0x1, s26;
	[sflag:s25] =	ssyncset.done $0x0  }
0x54: {  	p0 =	sne.s32 s26, s10;
	[sflag:s25] =	ssyncadd.s32 $0xFFFFEC00  }
.Ltmp1:
0x55: {  	[bflag:$0x0] =	sbarrier.arrive $0xFFFF;
	(pc) =	sbr.rel @p0 .LBB2_1-.Ltmp1, $4  }
0x56: {  	[hbm:s9], [sflag:s6] =	dma.local [spmem:s11], $0x1400  }
0x57: {  	_ =	swait.ge [sflag:s12], $0x1400  }
0x58: {  	[sflag:s12] =	ssyncset.done $0x0  }
0x59: {  	[sflag:s12] =	ssyncadd.s32 $0xFFFFEC00  }
0x5a: {  	_ =	sfence.sel $0x180000  }
0x5b: {  	[bflag:$0x0] =	sbarrier.arrive $0xFFFF  }
0x5c: {  	_ =	strace $0x90000050  }
0x5d: {  	[bflag:$0x2] =	sbarrier.arrive $0xFFFF  }
0x5e: {  	p0 =	sne.s32 s1, $0x0;
	s0 =	rddreg [dreg:$0x2]  }
0x5f: {  	s0 =	sadd.s32 @!p0 $0x100000, s0  }
0x60: {  	[sflag:s0] =	ssyncadd.tile.s32 @!p0 $0x1;
	_ =	shalt  }
.Lfunc_end2:
_tile_overlayer_lowered:
.L_overlay_start_2:
0x61: {  	(tag) =	ssettag $0x2  }
0x62: {  	s0 =	rddreg [dreg:$0x0];
	s2 =	stileid.u32  }
0x63: {  	s1 =	rddreg [dreg:$0x1];
	p0 =	sne.s32 s2, $0x0  }
0x64: {  	s3 =	rddreg [dreg:$0x2];
	[bflag:$0x3] =	sbarrier.arrive $0xFFFF;
	s2 =	simm.s32 @!p0 $0x1C03  }
0x65: {  	[timem:s3], [sflag:s2] =	dma.local @!p0 [hbm:s0], s1  }
0x66: {  	s0 =	simm.s32 @!p0 $0x3  }
0x67: {  	_ =	swait.ge @!p0 [sflag:s0], s1  }
0x68: {  	s1 =	ssub.s32 @!p0 $0x0, s1;
	[sflag:s0] =	ssyncset.done @!p0 $0x0  }
0x69: {  	[sflag:s0] =	ssyncadd.s32 @!p0 s1  }
0x6a: {  	[bflag:$0x3] =	sbarrier.arrive $0xFFFF  }
0x6b: {  	_ =	shalt  }

</sc_bundles>
